<compile_context>
chip_gen: v7x
topology: tpu7x:2x2x1
jax: 0.10.2.dev20260603
libtpu: 0.0.44.dev20260713+nightly
codegen_flags: <defaults>
</compile_context>

<pallas_src>
import functools

import jax
import jax.numpy as jnp
from jax import lax
from jax.experimental import pallas as pl
from jax.experimental.pallas import tpu as pltpu
from jax.experimental.pallas import tpu_sc as plsc

_L = 16


def _make_sc_kernel(B, D):
    mesh = plsc.VectorSubcoreMesh(core_axis_name="c", subcore_axis_name="s",
                                  num_cores=1, num_subcores=2)

    @functools.partial(
        pl.kernel,
        mesh=mesh,
        compiler_params=pltpu.CompilerParams(
            needs_layout_passes=False,
            disable_bounds_checks=True,
        ),
        out_type=(
            jax.ShapeDtypeStruct((D,), jnp.float32),
            jax.ShapeDtypeStruct((D,), jnp.float32),
        ),
        scratch_types=[
            pltpu.VMEM((1,), jnp.int32),
            pltpu.VMEM((_L,), jnp.int32),
            pltpu.VMEM((D, 128), jnp.float32),
            pltpu.VMEM((D, D), jnp.float32),
            pltpu.VMEM((D, D), jnp.float32),
            pltpu.VMEM((D,), jnp.float32),
            pltpu.VMEM((D,), jnp.float32),
            pltpu.SemaphoreType.DMA,
        ],
    )
    def sc_fn(left_h, right_h, loi_h, roi_h, tableT_h, wenc_h, wneg_h,
              outl_h, outr_h,
              oi_v, tokbuf_v, colbuf_v, wenc_v, wneg_v, emb_v, out_v, wsem):
        wid = lax.axis_index("s")

        def side(tok_h, oi_h, out_h):
            wenc_cp = pltpu.make_async_copy(wenc_h, wenc_v, wsem)
            wenc_cp.start()
            pltpu.sync_copy(oi_h, oi_v)
            zero16 = lax.broadcast(jnp.int32(0), (_L,))
            x = plsc.load_gather(oi_v, [zero16])[0]
            neg = x < 0
            ax = jnp.where(neg, -x, x)
            idx = ax - 1
            idx = jnp.where(idx < 0, idx + B, idx)
            base = pl.multiple_of((idx >> 4) << 4, _L)
            pltpu.sync_copy(tok_h.at[pl.ds(base, _L)], tokbuf_v)
            lane_vec = lax.broadcast(idx - base, (_L,))
            tok_vec = plsc.load_gather(tokbuf_v, [lane_vec])
            token = tok_vec[0]
            cbase = pl.multiple_of((token >> 7) << 7, 128)
            pltpu.sync_copy(tableT_h.at[:, pl.ds(cbase, 128)], colbuf_v)
            cvec = lax.broadcast(token - cbase, (_L,))
            row_iota = lax.iota(jnp.int32, _L)
            nc = D // _L
            for c in range(nc):
                emb_v[pl.ds(c * _L, _L)] = plsc.load_gather(
                    colbuf_v, [row_iota + c * _L, cvec])

            def gemv(src_v, w_v):
                def body(g, accs):
                    vec = src_v[pl.ds(g * _L, _L)]
                    for l in range(_L):
                        s = vec[l]
                        row = g * _L + l
                        accs = tuple(
                            accs[c] + s * w_v[row, pl.ds(c * _L, _L)]
                            for c in range(nc))
                    return accs
                zero = jnp.zeros((_L,), jnp.float32)
                return lax.fori_loop(0, D // _L, body, (zero,) * nc,
                                     unroll=False)

            wenc_cp.wait()
            acc = gemv(emb_v, wenc_v)
            for c in range(nc):
                out_v[pl.ds(c * _L, _L)] = (
                    1.0 - 2.0 / (jnp.exp(2.0 * acc[c]) + 1.0))
            @pl.when(neg)
            def _():
                pltpu.sync_copy(wneg_h, wneg_v)
                acc2 = gemv(out_v, wneg_v)
                for c in range(nc):
                    out_v[pl.ds(c * _L, _L)] = acc2[c]
            pltpu.sync_copy(out_v, out_h)

        @pl.when(wid == 0)
        def _():
            side(left_h, loi_h, outl_h)

        @pl.when(wid == 1)
        def _():
            side(right_h, roi_h, outr_h)

    return sc_fn


def kernel(left, right, left_out_ind, right_out_ind, table, W_enc, W_neg):
    B = left.shape[0]
    D = table.shape[1]
    left = left.astype(jnp.int32)
    right = right.astype(jnp.int32)
    loi = left_out_ind.astype(jnp.int32)
    roi = right_out_ind.astype(jnp.int32)
    sc_fn = _make_sc_kernel(B, D)
    out_l, out_r = sc_fn(left, right, loi, roi, table.T, W_enc, W_neg)
    return out_l, out_r

# --- scband reference (transcript-rebuilt; emitter-appended) ---
"""Pipeline reference for scband-siamese-classifier-24507083391210 (READ-ONLY COPY).

The authoritative reference and input builder live on the scoring server;
editing this copy changes nothing except your own understanding.
"""

import jax, jax.numpy as jnp
import numpy as np

VOCAB = 1000000
EMBED_DIM = 64
BATCH = 16384


def setup_inputs(seed: int = 0) -> dict:
    key = jax.random.key(seed)
    k1, k2, k3, k4, k5, k6, k7 = jax.random.split(key, 7)
    left = jax.random.randint(k1, (BATCH,), 0, VOCAB, dtype=jnp.int64) if jax.config.jax_enable_x64 else jax.random.randint(k1, (BATCH,), 0, VOCAB).astype(jnp.int32)
    right = jax.random.randint(k2, (BATCH,), 0, VOCAB).astype(left.dtype)
    left_out_ind = jax.random.randint(k3, (1,), 0, BATCH).astype(left.dtype)
    right_out_ind = jax.random.randint(k4, (1,), 0, BATCH).astype(left.dtype)
    table = jax.random.normal(k5, (VOCAB, EMBED_DIM), dtype=jnp.float32) * 0.02
    W_enc = jax.random.normal(k6, (EMBED_DIM, EMBED_DIM), dtype=jnp.float32) * 0.05
    W_neg = jax.random.normal(k7, (EMBED_DIM, EMBED_DIM), dtype=jnp.float32) * 0.05
    return {"left": left, "right": right, "left_out_ind": left_out_ind,
            "right_out_ind": right_out_ind, "table": table, "W_enc": W_enc, "W_neg": W_neg}


def _encode(tokens, table, W_enc):
    # Encoder: embedding gather (SparseCore-friendly) + small projection
    emb = jnp.take(table, tokens, axis=0)          # [B, d] gather
    return jnp.tanh(emb @ W_enc)                   # [B, d]


def reference(left, right, left_out_ind, right_out_ind, table, W_enc, W_neg):
    l_embeddings = _encode(left, table, W_enc)
    r_embeddings = _encode(right, table, W_enc)
    embeddings = [l_embeddings, r_embeddings]
    embs = []
    for i, x in zip([0, 1], [left_out_ind, right_out_ind]):
        neg = jnp.all(x < 0)
        idx = jnp.abs(x)[0] - 1
        out = embeddings[i][idx]                   # row select
        out = jnp.where(neg, out @ W_neg, out)     # negation branch
        embs.append(out)
    return tuple(embs)

if __name__ == "__main__":
    import jax
    _d = setup_inputs()
    print(jax.jit(kernel)(*tuple(_d.values())))

</pallas_src>

<mosaic_0001>
#map = affine_map<(d0, d1) -> (0)>
#map1 = affine_map<(d0, d1) -> (0, 0)>
module attributes {stable_mosaic.version = 14 : i64} {
  func.func @sc_fn(%arg0: i32, %arg1: i32, %arg2: memref<16384xi32, #tpu.memory_space<hbm>>, %arg3: memref<16384xi32, #tpu.memory_space<hbm>>, %arg4: memref<1xi32, #tpu.memory_space<hbm>>, %arg5: memref<1xi32, #tpu.memory_space<hbm>>, %arg6: memref<64x1000000xf32, #tpu.memory_space<hbm>>, %arg7: memref<64x64xf32, #tpu.memory_space<hbm>>, %arg8: memref<64x64xf32, #tpu.memory_space<hbm>>, %arg9: memref<64xf32, #tpu.memory_space<hbm>>, %arg10: memref<64xf32, #tpu.memory_space<hbm>>, %arg11: memref<1xi32, #tpu.memory_space<vmem>>, %arg12: memref<16xi32, #tpu.memory_space<vmem>>, %arg13: memref<64x128xf32, #tpu.memory_space<vmem>>, %arg14: memref<64x64xf32, #tpu.memory_space<vmem>>, %arg15: memref<64x64xf32, #tpu.memory_space<vmem>>, %arg16: memref<64xf32, #tpu.memory_space<vmem>>, %arg17: memref<64xf32, #tpu.memory_space<vmem>>, %arg18: memref<!tpu.dma_semaphore, #tpu.memory_space<semaphore_mem>>) attributes {dimension_semantics = [#tpu.dimension_semantics<core_parallel>, #tpu.dimension_semantics<subcore_parallel>], iteration_bounds = array<i64: 1, 2>, scalar_prefetch = 0 : i64, scratch_operands = 8 : i64, tpu.core_type = #tpu.core_type<sc_vector_subcore>, window_params = [{transform_indices = #map}, {transform_indices = #map}, {transform_indices = #map}, {transform_indices = #map}, {transform_indices = #map1}, {transform_indices = #map1}, {transform_indices = #map1}, {transform_indices = #map}, {transform_indices = #map}]} {
    %eq3A = arith.constant 0 : i32
    %eq3A_0 = arith.cmpi eq, %arg1, %eq3A : i32
    %convert_element_type3A = arith.extui %eq3A_0 : i1 to i32
    %cond3A = arith.constant 0 : i32
    %cond3A_1 = arith.cmpi ne, %convert_element_type3A, %cond3A : i32
    scf.if %cond3A_1 {
      tpu.enqueue_dma source(%arg7 : memref<64x64xf32, #tpu.memory_space<hbm>>) target(%arg14 : memref<64x64xf32, #tpu.memory_space<vmem>>) target_semaphore(%arg18 : memref<!tpu.dma_semaphore, #tpu.memory_space<semaphore_mem>>)
      "tpu.region"() ({
        %run_scoped3A = tpu.sem_alloc : memref<!tpu.dma_semaphore, #tpu.memory_space<semaphore_mem>>
        tpu.enqueue_dma source(%arg4 : memref<1xi32, #tpu.memory_space<hbm>>) target(%arg11 : memref<1xi32, #tpu.memory_space<vmem>>) target_semaphore(%run_scoped3A : memref<!tpu.dma_semaphore, #tpu.memory_space<semaphore_mem>>)
        tpu.wait_dma2 semaphore(%run_scoped3A : memref<!tpu.dma_semaphore, #tpu.memory_space<semaphore_mem>>) src(%arg4 : memref<1xi32, #tpu.memory_space<hbm>>) dst(%arg11 : memref<1xi32, #tpu.memory_space<vmem>>)
        tpu.yield
      }) : () -> ()
      %broadcast_in_dim3A = arith.constant 0 : i32
      %broadcast_in_dim3A_7 = vector.broadcast %broadcast_in_dim3A : i32 to vector<16xi32>
      %gather3A = tpu.vector_load_idx %arg11[%broadcast_in_dim3A_7] : memref<1xi32, #tpu.memory_space<vmem>>[vector<16xi32>], vector<16xi32>,
      %slice3A = vector.extract_strided_slice %gather3A {offsets = [0], sizes = [1], strides = [1]} : vector<16xi32> to vector<1xi32>
      %squeeze3A = vector.extract %slice3A[0] : i32 from vector<1xi32>
      %lt3A = arith.constant 0 : i32
      %lt3A_8 = arith.cmpi slt, %squeeze3A, %lt3A : i32
      %neg3A = arith.constant 0 : i32
      %neg3A_9 = arith.subi %neg3A, %squeeze3A : i32
      %select_n3A = arith.select %lt3A_8, %neg3A_9, %squeeze3A : i32
      %sub3A = arith.constant 1 : i32
      %sub3A_10 = arith.subi %select_n3A, %sub3A : i32
      %lt3A_11 = arith.constant 0 : i32
      %lt3A_12 = arith.cmpi slt, %sub3A_10, %lt3A_11 : i32
      %add3A = arith.constant 16384 : i32
      %add3A_13 = arith.addi %sub3A_10, %add3A : i32
      %select_n3A_14 = arith.select %lt3A_12, %add3A_13, %sub3A_10 : i32
      %shift_right_arithmetic3A = arith.constant 4 : i32
      %shift_right_arithmetic3A_15 = arith.shrsi %select_n3A_14, %shift_right_arithmetic3A : i32
      %shift_left3A = arith.constant 4 : i32
      %shift_left3A_16 = arith.shli %shift_right_arithmetic3A_15, %shift_left3A : i32
      %multiple_of3A = tpu.assume_multiple %shift_left3A_16, 16 : i32
      "tpu.region"() ({
        %run_scoped3A = tpu.sem_alloc : memref<!tpu.dma_semaphore, #tpu.memory_space<semaphore_mem>>
        %dma_start3A = tpu.memref_slice %arg2[%multiple_of3A] : memref<16384xi32, #tpu.memory_space<hbm>> -> memref<16xi32, #tpu.memory_space<hbm>>
        %dma_start3A_119 = tpu.memref_slice %arg2[%multiple_of3A] : memref<16384xi32, #tpu.memory_space<hbm>> -> memref<16xi32, #tpu.memory_space<hbm>>
        tpu.enqueue_dma source(%dma_start3A_119 : memref<16xi32, #tpu.memory_space<hbm>>) target(%arg12 : memref<16xi32, #tpu.memory_space<vmem>>) target_semaphore(%run_scoped3A : memref<!tpu.dma_semaphore, #tpu.memory_space<semaphore_mem>>)
        %dma_wait3A = tpu.memref_slice %arg2[%multiple_of3A] : memref<16384xi32, #tpu.memory_space<hbm>> -> memref<16xi32, #tpu.memory_space<hbm>>
        %dma_wait3A_120 = tpu.memref_slice %arg2[%multiple_of3A] : memref<16384xi32, #tpu.memory_space<hbm>> -> memref<16xi32, #tpu.memory_space<hbm>>
        tpu.wait_dma2 semaphore(%run_scoped3A : memref<!tpu.dma_semaphore, #tpu.memory_space<semaphore_mem>>) src(%dma_wait3A_120 : memref<16xi32, #tpu.memory_space<hbm>>) dst(%arg12 : memref<16xi32, #tpu.memory_space<vmem>>)
        tpu.yield
      }) : () -> ()
      %sub3A_17 = arith.subi %select_n3A_14, %multiple_of3A : i32
      %broadcast_in_dim3A_18 = vector.broadcast %sub3A_17 : i32 to vector<16xi32>
      %gather3A_19 = tpu.vector_load_idx %arg12[%broadcast_in_dim3A_18] : memref<16xi32, #tpu.memory_space<vmem>>[vector<16xi32>], vector<16xi32>,
      %slice3A_20 = vector.extract_strided_slice %gather3A_19 {offsets = [0], sizes = [1], strides = [1]} : vector<16xi32> to vector<1xi32>
      %squeeze3A_21 = vector.extract %slice3A_20[0] : i32 from vector<1xi32>
      %shift_right_arithmetic3A_22 = arith.constant 7 : i32
      %shift_right_arithmetic3A_23 = arith.shrsi %squeeze3A_21, %shift_right_arithmetic3A_22 : i32
      %shift_left3A_24 = arith.constant 7 : i32
      %shift_left3A_25 = arith.shli %shift_right_arithmetic3A_23, %shift_left3A_24 : i32
      %multiple_of3A_26 = tpu.assume_multiple %shift_left3A_25, 128 : i32
      "tpu.region"() ({
        %run_scoped3A = tpu.sem_alloc : memref<!tpu.dma_semaphore, #tpu.memory_space<semaphore_mem>>
        %dma_start3A = arith.constant 0 : i32
        %dma_start3A_119 = tpu.memref_slice %arg6[%dma_start3A, %multiple_of3A_26] : memref<64x1000000xf32, #tpu.memory_space<hbm>> -> memref<64x128xf32, #tpu.memory_space<hbm>>
        %dma_start3A_120 = arith.constant 0 : i32
        %dma_start3A_121 = tpu.memref_slice %arg6[%dma_start3A_120, %multiple_of3A_26] : memref<64x1000000xf32, #tpu.memory_space<hbm>> -> memref<64x128xf32, #tpu.memory_space<hbm>>
        tpu.enqueue_dma source(%dma_start3A_121 : memref<64x128xf32, #tpu.memory_space<hbm>>) target(%arg13 : memref<64x128xf32, #tpu.memory_space<vmem>>) target_semaphore(%run_scoped3A : memref<!tpu.dma_semaphore, #tpu.memory_space<semaphore_mem>>)
        %dma_wait3A = arith.constant 0 : i32
        %dma_wait3A_122 = tpu.memref_slice %arg6[%dma_wait3A, %multiple_of3A_26] : memref<64x1000000xf32, #tpu.memory_space<hbm>> -> memref<64x128xf32, #tpu.memory_space<hbm>>
        %dma_wait3A_123 = arith.constant 0 : i32
        %dma_wait3A_124 = tpu.memref_slice %arg6[%dma_wait3A_123, %multiple_of3A_26] : memref<64x1000000xf32, #tpu.memory_space<hbm>> -> memref<64x128xf32, #tpu.memory_space<hbm>>
        tpu.wait_dma2 semaphore(%run_scoped3A : memref<!tpu.dma_semaphore, #tpu.memory_space<semaphore_mem>>) src(%dma_wait3A_124 : memref<64x128xf32, #tpu.memory_space<hbm>>) dst(%arg13 : memref<64x128xf32, #tpu.memory_space<vmem>>)
        tpu.yield
      }) : () -> ()
      %sub3A_27 = arith.subi %squeeze3A_21, %multiple_of3A_26 : i32
      %broadcast_in_dim3A_28 = vector.broadcast %sub3A_27 : i32 to vector<16xi32>
      %iota3A = tpu.iota {dimensions = array<i32: 0>} : vector<16xi32>
      %add3A_29 = arith.constant 0 : i32
      %add3A_30 = vector.broadcast %add3A_29 : i32 to vector<16xi32>
      %add3A_31 = arith.addi %iota3A, %add3A_30 : vector<16xi32>
      %gather3A_32 = tpu.vector_load_idx %arg13[%add3A_31, %broadcast_in_dim3A_28] : memref<64x128xf32, #tpu.memory_space<vmem>>[vector<16xi32>, vector<16xi32>], vector<16xf32>,
      %swap3A = arith.constant 0 : index
      %swap3A_33 = tpu.vector_load %arg16[%swap3A] {strides = array<i32>} : memref<64xf32, #tpu.memory_space<vmem>>, vector<16xf32>,
      tpu.vector_store %arg16[%swap3A], %gather3A_32 {strides = array<i32>} : memref<64xf32, #tpu.memory_space<vmem>>, vector<16xf32>,
      %add3A_34 = arith.constant 16 : i32
      %add3A_35 = vector.broadcast %add3A_34 : i32 to vector<16xi32>
      %add3A_36 = arith.addi %iota3A, %add3A_35 : vector<16xi32>
      %gather3A_37 = tpu.vector_load_idx %arg13[%add3A_36, %broadcast_in_dim3A_28] : memref<64x128xf32, #tpu.memory_space<vmem>>[vector<16xi32>, vector<16xi32>], vector<16xf32>,
      %swap3A_38 = arith.constant 16 : index
      %swap3A_39 = tpu.vector_load %arg16[%swap3A_38] {strides = array<i32>} : memref<64xf32, #tpu.memory_space<vmem>>, vector<16xf32>,
      tpu.vector_store %arg16[%swap3A_38], %gather3A_37 {strides = array<i32>} : memref<64xf32, #tpu.memory_space<vmem>>, vector<16xf32>,
      %add3A_40 = arith.constant 32 : i32
      %add3A_41 = vector.broadcast %add3A_40 : i32 to vector<16xi32>
      %add3A_42 = arith.addi %iota3A, %add3A_41 : vector<16xi32>
      %gather3A_43 = tpu.vector_load_idx %arg13[%add3A_42, %broadcast_in_dim3A_28] : memref<64x128xf32, #tpu.memory_space<vmem>>[vector<16xi32>, vector<16xi32>], vector<16xf32>,
      %swap3A_44 = arith.constant 32 : index
      %swap3A_45 = tpu.vector_load %arg16[%swap3A_44] {strides = array<i32>} : memref<64xf32, #tpu.memory_space<vmem>>, vector<16xf32>,
      tpu.vector_store %arg16[%swap3A_44], %gather3A_43 {strides = array<i32>} : memref<64xf32, #tpu.memory_space<vmem>>, vector<16xf32>,
      %add3A_46 = arith.constant 48 : i32
      %add3A_47 = vector.broadcast %add3A_46 : i32 to vector<16xi32>
      %add3A_48 = arith.addi %iota3A, %add3A_47 : vector<16xi32>
      %gather3A_49 = tpu.vector_load_idx %arg13[%add3A_48, %broadcast_in_dim3A_28] : memref<64x128xf32, #tpu.memory_space<vmem>>[vector<16xi32>, vector<16xi32>], vector<16xf32>,
      %swap3A_50 = arith.constant 48 : index
      %swap3A_51 = tpu.vector_load %arg16[%swap3A_50] {strides = array<i32>} : memref<64xf32, #tpu.memory_space<vmem>>, vector<16xf32>,
      tpu.vector_store %arg16[%swap3A_50], %gather3A_49 {strides = array<i32>} : memref<64xf32, #tpu.memory_space<vmem>>, vector<16xf32>,
      tpu.wait_dma2 semaphore(%arg18 : memref<!tpu.dma_semaphore, #tpu.memory_space<semaphore_mem>>) src(%arg7 : memref<64x64xf32, #tpu.memory_space<hbm>>) dst(%arg14 : memref<64x64xf32, #tpu.memory_space<vmem>>)
      %broadcast_in_dim3A_52 = arith.constant 0.000000e+00 : f32
      %broadcast_in_dim3A_53 = vector.broadcast %broadcast_in_dim3A_52 : f32 to vector<16xf32>
      %scan3A = arith.constant 0 : i32
      %scan3A_54 = arith.constant 4 : i32
      %scan3A_55 = arith.addi %scan3A, %scan3A_54 : i32
      %scan3A_56 = arith.constant 1 : i32
      %scan3A_57:4 = scf.for %scan3A_119 = %scan3A to %scan3A_55 step %scan3A_56 iter_args(%scan3A_120 = %broadcast_in_dim3A_53, %scan3A_121 = %broadcast_in_dim3A_53, %scan3A_122 = %broadcast_in_dim3A_53, %scan3A_123 = %broadcast_in_dim3A_53) -> (vector<16xf32>, vector<16xf32>, vector<16xf32>, vector<16xf32>)  : i32 {
        %mul3A_124 = arith.constant 16 : i32
        %mul3A_125 = arith.muli %scan3A_119, %mul3A_124 : i32
        %get3A = arith.index_cast %mul3A_125 : i32 to index
        %get3A_126 = tpu.vector_load %arg16[%get3A] {strides = array<i32>} : memref<64xf32, #tpu.memory_space<vmem>>, vector<16xf32>,
        %slice3A_127 = vector.extract_strided_slice %get3A_126 {offsets = [0], sizes = [1], strides = [1]} : vector<16xf32> to vector<1xf32>
        %squeeze3A_128 = vector.extract %slice3A_127[0] : f32 from vector<1xf32>
        %mul3A_129 = arith.constant 16 : i32
        %mul3A_130 = arith.muli %scan3A_119, %mul3A_129 : i32
        %add3A_131 = arith.constant 0 : i32
        %add3A_132 = arith.addi %mul3A_130, %add3A_131 : i32
        %get3A_133 = arith.index_cast %add3A_132 : i32 to index
        %get3A_134 = arith.constant 0 : index
        %get3A_135 = tpu.vector_load %arg14[%get3A_133, %get3A_134] {strides = array<i32>} : memref<64x64xf32, #tpu.memory_space<vmem>>, vector<16xf32>,
        %mul3A_136 = vector.broadcast %squeeze3A_128 : f32 to vector<16xf32>
        %mul3A_137 = arith.mulf %mul3A_136, %get3A_135 : vector<16xf32>
        %add3A_138 = arith.addf %scan3A_120, %mul3A_137 : vector<16xf32>
        %get3A_139 = arith.index_cast %add3A_132 : i32 to index
        %get3A_140 = arith.constant 16 : index
        %get3A_141 = tpu.vector_load %arg14[%get3A_139, %get3A_140] {strides = array<i32>} : memref<64x64xf32, #tpu.memory_space<vmem>>, vector<16xf32>,
        %mul3A_142 = vector.broadcast %squeeze3A_128 : f32 to vector<16xf32>
        %mul3A_143 = arith.mulf %mul3A_142, %get3A_141 : vector<16xf32>
        %add3A_144 = arith.addf %scan3A_121, %mul3A_143 : vector<16xf32>
        %get3A_145 = arith.index_cast %add3A_132 : i32 to index
        %get3A_146 = arith.constant 32 : index
        %get3A_147 = tpu.vector_load %arg14[%get3A_145, %get3A_146] {strides = array<i32>} : memref<64x64xf32, #tpu.memory_space<vmem>>, vector<16xf32>,
        %mul3A_148 = vector.broadcast %squeeze3A_128 : f32 to vector<16xf32>
        %mul3A_149 = arith.mulf %mul3A_148, %get3A_147 : vector<16xf32>
        %add3A_150 = arith.addf %scan3A_122, %mul3A_149 : vector<16xf32>
        %get3A_151 = arith.index_cast %add3A_132 : i32 to index
        %get3A_152 = arith.constant 48 : index
        %get3A_153 = tpu.vector_load %arg14[%get3A_151, %get3A_152] {strides = array<i32>} : memref<64x64xf32, #tpu.memory_space<vmem>>, vector<16xf32>,
        %mul3A_154 = vector.broadcast %squeeze3A_128 : f32 to vector<16xf32>
        %mul3A_155 = arith.mulf %mul3A_154, %get3A_153 : vector<16xf32>
        %add3A_156 = arith.addf %scan3A_123, %mul3A_155 : vector<16xf32>
        %slice3A_157 = vector.extract_strided_slice %get3A_126 {offsets = [1], sizes = [1], strides = [1]} : vector<16xf32> to vector<1xf32>
        %squeeze3A_158 = vector.extract %slice3A_157[0] : f32 from vector<1xf32>
        %mul3A_159 = arith.constant 16 : i32
        %mul3A_160 = arith.muli %scan3A_119, %mul3A_159 : i32
        %add3A_161 = arith.constant 1 : i32
        %add3A_162 = arith.addi %mul3A_160, %add3A_161 : i32
        %get3A_163 = arith.index_cast %add3A_162 : i32 to index
        %get3A_164 = arith.constant 0 : index
        %get3A_165 = tpu.vector_load %arg14[%get3A_163, %get3A_164] {strides = array<i32>} : memref<64x64xf32, #tpu.memory_space<vmem>>, vector<16xf32>,
        %mul3A_166 = vector.broadcast %squeeze3A_158 : f32 to vector<16xf32>
        %mul3A_167 = arith.mulf %mul3A_166, %get3A_165 : vector<16xf32>
        %add3A_168 = arith.addf %add3A_138, %mul3A_167 : vector<16xf32>
        %get3A_169 = arith.index_cast %add3A_162 : i32 to index
        %get3A_170 = arith.constant 16 : index
        %get3A_171 = tpu.vector_load %arg14[%get3A_169, %get3A_170] {strides = array<i32>} : memref<64x64xf32, #tpu.memory_space<vmem>>, vector<16xf32>,
        %mul3A_172 = vector.broadcast %squeeze3A_158 : f32 to vector<16xf32>
        %mul3A_173 = arith.mulf %mul3A_172, %get3A_171 : vector<16xf32>
        %add3A_174 = arith.addf %add3A_144, %mul3A_173 : vector<16xf32>
        %get3A_175 = arith.index_cast %add3A_162 : i32 to index
        %get3A_176 = arith.constant 32 : index
        %get3A_177 = tpu.vector_load %arg14[%get3A_175, %get3A_176] {strides = array<i32>} : memref<64x64xf32, #tpu.memory_space<vmem>>, vector<16xf32>,
        %mul3A_178 = vector.broadcast %squeeze3A_158 : f32 to vector<16xf32>
        %mul3A_179 = arith.mulf %mul3A_178, %get3A_177 : vector<16xf32>
        %add3A_180 = arith.addf %add3A_150, %mul3A_179 : vector<16xf32>
        %get3A_181 = arith.index_cast %add3A_162 : i32 to index
        %get3A_182 = arith.constant 48 : index
        %get3A_183 = tpu.vector_load %arg14[%get3A_181, %get3A_182] {strides = array<i32>} : memref<64x64xf32, #tpu.memory_space<vmem>>, vector<16xf32>,
        %mul3A_184 = vector.broadcast %squeeze3A_158 : f32 to vector<16xf32>
        %mul3A_185 = arith.mulf %mul3A_184, %get3A_183 : vector<16xf32>
        %add3A_186 = arith.addf %add3A_156, %mul3A_185 : vector<16xf32>
        %slice3A_187 = vector.extract_strided_slice %get3A_126 {offsets = [2], sizes = [1], strides = [1]} : vector<16xf32> to vector<1xf32>
        %squeeze3A_188 = vector.extract %slice3A_187[0] : f32 from vector<1xf32>
        %mul3A_189 = arith.constant 16 : i32
        %mul3A_190 = arith.muli %scan3A_119, %mul3A_189 : i32
        %add3A_191 = arith.constant 2 : i32
        %add3A_192 = arith.addi %mul3A_190, %add3A_191 : i32
        %get3A_193 = arith.index_cast %add3A_192 : i32 to index
        %get3A_194 = arith.constant 0 : index
        %get3A_195 = tpu.vector_load %arg14[%get3A_193, %get3A_194] {strides = array<i32>} : memref<64x64xf32, #tpu.memory_space<vmem>>, vector<16xf32>,
        %mul3A_196 = vector.broadcast %squeeze3A_188 : f32 to vector<16xf32>
        %mul3A_197 = arith.mulf %mul3A_196, %get3A_195 : vector<16xf32>
        %add3A_198 = arith.addf %add3A_168, %mul3A_197 : vector<16xf32>
        %get3A_199 = arith.index_cast %add3A_192 : i32 to index
        %get3A_200 = arith.constant 16 : index
        %get3A_201 = tpu.vector_load %arg14[%get3A_199, %get3A_200] {strides = array<i32>} : memref<64x64xf32, #tpu.memory_space<vmem>>, vector<16xf32>,
        %mul3A_202 = vector.broadcast %squeeze3A_188 : f32 to vector<16xf32>
        %mul3A_203 = arith.mulf %mul3A_202, %get3A_201 : vector<16xf32>
        %add3A_204 = arith.addf %add3A_174, %mul3A_203 : vector<16xf32>
        %get3A_205 = arith.index_cast %add3A_192 : i32 to index
        %get3A_206 = arith.constant 32 : index
        %get3A_207 = tpu.vector_load %arg14[%get3A_205, %get3A_206] {strides = array<i32>} : memref<64x64xf32, #tpu.memory_space<vmem>>, vector<16xf32>,
        %mul3A_208 = vector.broadcast %squeeze3A_188 : f32 to vector<16xf32>
        %mul3A_209 = arith.mulf %mul3A_208, %get3A_207 : vector<16xf32>
        %add3A_210 = arith.addf %add3A_180, %mul3A_209 : vector<16xf32>
        %get3A_211 = arith.index_cast %add3A_192 : i32 to index
        %get3A_212 = arith.constant 48 : index
        %get3A_213 = tpu.vector_load %arg14[%get3A_211, %get3A_212] {strides = array<i32>} : memref<64x64xf32, #tpu.memory_space<vmem>>, vector<16xf32>,
        %mul3A_214 = vector.broadcast %squeeze3A_188 : f32 to vector<16xf32>
        %mul3A_215 = arith.mulf %mul3A_214, %get3A_213 : vector<16xf32>
        %add3A_216 = arith.addf %add3A_186, %mul3A_215 : vector<16xf32>
        %slice3A_217 = vector.extract_strided_slice %get3A_126 {offsets = [3], sizes = [1], strides = [1]} : vector<16xf32> to vector<1xf32>
        %squeeze3A_218 = vector.extract %slice3A_217[0] : f32 from vector<1xf32>
        %mul3A_219 = arith.constant 16 : i32
        %mul3A_220 = arith.muli %scan3A_119, %mul3A_219 : i32
        %add3A_221 = arith.constant 3 : i32
        %add3A_222 = arith.addi %mul3A_220, %add3A_221 : i32
        %get3A_223 = arith.index_cast %add3A_222 : i32 to index
        %get3A_224 = arith.constant 0 : index
        %get3A_225 = tpu.vector_load %arg14[%get3A_223, %get3A_224] {strides = array<i32>} : memref<64x64xf32, #tpu.memory_space<vmem>>, vector<16xf32>,
        %mul3A_226 = vector.broadcast %squeeze3A_218 : f32 to vector<16xf32>
        %mul3A_227 = arith.mulf %mul3A_226, %get3A_225 : vector<16xf32>
        %add3A_228 = arith.addf %add3A_198, %mul3A_227 : vector<16xf32>
        %get3A_229 = arith.index_cast %add3A_222 : i32 to index
        %get3A_230 = arith.constant 16 : index
        %get3A_231 = tpu.vector_load %arg14[%get3A_229, %get3A_230] {strides = array<i32>} : memref<64x64xf32, #tpu.memory_space<vmem>>, vector<16xf32>,
        %mul3A_232 = vector.broadcast %squeeze3A_218 : f32 to vector<16xf32>
        %mul3A_233 = arith.mulf %mul3A_232, %get3A_231 : vector<16xf32>
        %add3A_234 = arith.addf %add3A_204, %mul3A_233 : vector<16xf32>
        %get3A_235 = arith.index_cast %add3A_222 : i32 to index
        %get3A_236 = arith.constant 32 : index
        %get3A_237 = tpu.vector_load %arg14[%get3A_235, %get3A_236] {strides = array<i32>} : memref<64x64xf32, #tpu.memory_space<vmem>>, vector<16xf32>,
        %mul3A_238 = vector.broadcast %squeeze3A_218 : f32 to vector<16xf32>
        %mul3A_239 = arith.mulf %mul3A_238, %get3A_237 : vector<16xf32>
        %add3A_240 = arith.addf %add3A_210, %mul3A_239 : vector<16xf32>
        %get3A_241 = arith.index_cast %add3A_222 : i32 to index
        %get3A_242 = arith.constant 48 : index
        %get3A_243 = tpu.vector_load %arg14[%get3A_241, %get3A_242] {strides = array<i32>} : memref<64x64xf32, #tpu.memory_space<vmem>>, vector<16xf32>,
        %mul3A_244 = vector.broadcast %squeeze3A_218 : f32 to vector<16xf32>
        %mul3A_245 = arith.mulf %mul3A_244, %get3A_243 : vector<16xf32>
        %add3A_246 = arith.addf %add3A_216, %mul3A_245 : vector<16xf32>
        %slice3A_247 = vector.extract_strided_slice %get3A_126 {offsets = [4], sizes = [1], strides = [1]} : vector<16xf32> to vector<1xf32>
        %squeeze3A_248 = vector.extract %slice3A_247[0] : f32 from vector<1xf32>
        %mul3A_249 = arith.constant 16 : i32
        %mul3A_250 = arith.muli %scan3A_119, %mul3A_249 : i32
        %add3A_251 = arith.constant 4 : i32
        %add3A_252 = arith.addi %mul3A_250, %add3A_251 : i32
        %get3A_253 = arith.index_cast %add3A_252 : i32 to index
        %get3A_254 = arith.constant 0 : index
        %get3A_255 = tpu.vector_load %arg14[%get3A_253, %get3A_254] {strides = array<i32>} : memref<64x64xf32, #tpu.memory_space<vmem>>, vector<16xf32>,
        %mul3A_256 = vector.broadcast %squeeze3A_248 : f32 to vector<16xf32>
        %mul3A_257 = arith.mulf %mul3A_256, %get3A_255 : vector<16xf32>
        %add3A_258 = arith.addf %add3A_228, %mul3A_257 : vector<16xf32>
        %get3A_259 = arith.index_cast %add3A_252 : i32 to index
        %get3A_260 = arith.constant 16 : index
        %get3A_261 = tpu.vector_load %arg14[%get3A_259, %get3A_260] {strides = array<i32>} : memref<64x64xf32, #tpu.memory_space<vmem>>, vector<16xf32>,
        %mul3A_262 = vector.broadcast %squeeze3A_248 : f32 to vector<16xf32>
        %mul3A_263 = arith.mulf %mul3A_262, %get3A_261 : vector<16xf32>
        %add3A_264 = arith.addf %add3A_234, %mul3A_263 : vector<16xf32>
        %get3A_265 = arith.index_cast %add3A_252 : i32 to index
        %get3A_266 = arith.constant 32 : index
        %get3A_267 = tpu.vector_load %arg14[%get3A_265, %get3A_266] {strides = array<i32>} : memref<64x64xf32, #tpu.memory_space<vmem>>, vector<16xf32>,
        %mul3A_268 = vector.broadcast %squeeze3A_248 : f32 to vector<16xf32>
        %mul3A_269 = arith.mulf %mul3A_268, %get3A_267 : vector<16xf32>
        %add3A_270 = arith.addf %add3A_240, %mul3A_269 : vector<16xf32>
        %get3A_271 = arith.index_cast %add3A_252 : i32 to index
        %get3A_272 = arith.constant 48 : index
        %get3A_273 = tpu.vector_load %arg14[%get3A_271, %get3A_272] {strides = array<i32>} : memref<64x64xf32, #tpu.memory_space<vmem>>, vector<16xf32>,
        %mul3A_274 = vector.broadcast %squeeze3A_248 : f32 to vector<16xf32>
        %mul3A_275 = arith.mulf %mul3A_274, %get3A_273 : vector<16xf32>
        %add3A_276 = arith.addf %add3A_246, %mul3A_275 : vector<16xf32>
        %slice3A_277 = vector.extract_strided_slice %get3A_126 {offsets = [5], sizes = [1], strides = [1]} : vector<16xf32> to vector<1xf32>
        %squeeze3A_278 = vector.extract %slice3A_277[0] : f32 from vector<1xf32>
        %mul3A_279 = arith.constant 16 : i32
        %mul3A_280 = arith.muli %scan3A_119, %mul3A_279 : i32
        %add3A_281 = arith.constant 5 : i32
        %add3A_282 = arith.addi %mul3A_280, %add3A_281 : i32
        %get3A_283 = arith.index_cast %add3A_282 : i32 to index
        %get3A_284 = arith.constant 0 : index
        %get3A_285 = tpu.vector_load %arg14[%get3A_283, %get3A_284] {strides = array<i32>} : memref<64x64xf32, #tpu.memory_space<vmem>>, vector<16xf32>,
        %mul3A_286 = vector.broadcast %squeeze3A_278 : f32 to vector<16xf32>
        %mul3A_287 = arith.mulf %mul3A_286, %get3A_285 : vector<16xf32>
        %add3A_288 = arith.addf %add3A_258, %mul3A_287 : vector<16xf32>
        %get3A_289 = arith.index_cast %add3A_282 : i32 to index
        %get3A_290 = arith.constant 16 : index
        %get3A_291 = tpu.vector_load %arg14[%get3A_289, %get3A_290] {strides = array<i32>} : memref<64x64xf32, #tpu.memory_space<vmem>>, vector<16xf32>,
        %mul3A_292 = vector.broadcast %squeeze3A_278 : f32 to vector<16xf32>
        %mul3A_293 = arith.mulf %mul3A_292, %get3A_291 : vector<16xf32>
        %add3A_294 = arith.addf %add3A_264, %mul3A_293 : vector<16xf32>
        %get3A_295 = arith.index_cast %add3A_282 : i32 to index
        %get3A_296 = arith.constant 32 : index
        %get3A_297 = tpu.vector_load %arg14[%get3A_295, %get3A_296] {strides = array<i32>} : memref<64x64xf32, #tpu.memory_space<vmem>>, vector<16xf32>,
        %mul3A_298 = vector.broadcast %squeeze3A_278 : f32 to vector<16xf32>
        %mul3A_299 = arith.mulf %mul3A_298, %get3A_297 : vector<16xf32>
        %add3A_300 = arith.addf %add3A_270, %mul3A_299 : vector<16xf32>
        %get3A_301 = arith.index_cast %add3A_282 : i32 to index
        %get3A_302 = arith.constant 48 : index
        %get3A_303 = tpu.vector_load %arg14[%get3A_301, %get3A_302] {strides = array<i32>} : memref<64x64xf32, #tpu.memory_space<vmem>>, vector<16xf32>,
        %mul3A_304 = vector.broadcast %squeeze3A_278 : f32 to vector<16xf32>
        %mul3A_305 = arith.mulf %mul3A_304, %get3A_303 : vector<16xf32>
        %add3A_306 = arith.addf %add3A_276, %mul3A_305 : vector<16xf32>
        %slice3A_307 = vector.extract_strided_slice %get3A_126 {offsets = [6], sizes = [1], strides = [1]} : vector<16xf32> to vector<1xf32>
        %squeeze3A_308 = vector.extract %slice3A_307[0] : f32 from vector<1xf32>
        %mul3A_309 = arith.constant 16 : i32
        %mul3A_310 = arith.muli %scan3A_119, %mul3A_309 : i32
        %add3A_311 = arith.constant 6 : i32
        %add3A_312 = arith.addi %mul3A_310, %add3A_311 : i32
        %get3A_313 = arith.index_cast %add3A_312 : i32 to index
        %get3A_314 = arith.constant 0 : index
        %get3A_315 = tpu.vector_load %arg14[%get3A_313, %get3A_314] {strides = array<i32>} : memref<64x64xf32, #tpu.memory_space<vmem>>, vector<16xf32>,
        %mul3A_316 = vector.broadcast %squeeze3A_308 : f32 to vector<16xf32>
        %mul3A_317 = arith.mulf %mul3A_316, %get3A_315 : vector<16xf32>
        %add3A_318 = arith.addf %add3A_288, %mul3A_317 : vector<16xf32>
        %get3A_319 = arith.index_cast %add3A_312 : i32 to index
        %get3A_320 = arith.constant 16 : index
        %get3A_321 = tpu.vector_load %arg14[%get3A_319, %get3A_320] {strides = array<i32>} : memref<64x64xf32, #tpu.memory_space<vmem>>, vector<16xf32>,
        %mul3A_322 = vector.broadcast %squeeze3A_308 : f32 to vector<16xf32>
        %mul3A_323 = arith.mulf %mul3A_322, %get3A_321 : vector<16xf32>
        %add3A_324 = arith.addf %add3A_294, %mul3A_323 : vector<16xf32>
        %get3A_325 = arith.index_cast %add3A_312 : i32 to index
        %get3A_326 = arith.constant 32 : index
        %get3A_327 = tpu.vector_load %arg14[%get3A_325, %get3A_326] {strides = array<i32>} : memref<64x64xf32, #tpu.memory_space<vmem>>, vector<16xf32>,
        %mul3A_328 = vector.broadcast %squeeze3A_308 : f32 to vector<16xf32>
        %mul3A_329 = arith.mulf %mul3A_328, %get3A_327 : vector<16xf32>
        %add3A_330 = arith.addf %add3A_300, %mul3A_329 : vector<16xf32>
        %get3A_331 = arith.index_cast %add3A_312 : i32 to index
        %get3A_332 = arith.constant 48 : index
        %get3A_333 = tpu.vector_load %arg14[%get3A_331, %get3A_332] {strides = array<i32>} : memref<64x64xf32, #tpu.memory_space<vmem>>, vector<16xf32>,
        %mul3A_334 = vector.broadcast %squeeze3A_308 : f32 to vector<16xf32>
        %mul3A_335 = arith.mulf %mul3A_334, %get3A_333 : vector<16xf32>
        %add3A_336 = arith.addf %add3A_306, %mul3A_335 : vector<16xf32>
        %slice3A_337 = vector.extract_strided_slice %get3A_126 {offsets = [7], sizes = [1], strides = [1]} : vector<16xf32> to vector<1xf32>
        %squeeze3A_338 = vector.extract %slice3A_337[0] : f32 from vector<1xf32>
        %mul3A_339 = arith.constant 16 : i32
        %mul3A_340 = arith.muli %scan3A_119, %mul3A_339 : i32
        %add3A_341 = arith.constant 7 : i32
        %add3A_342 = arith.addi %mul3A_340, %add3A_341 : i32
        %get3A_343 = arith.index_cast %add3A_342 : i32 to index
        %get3A_344 = arith.constant 0 : index
        %get3A_345 = tpu.vector_load %arg14[%get3A_343, %get3A_344] {strides = array<i32>} : memref<64x64xf32, #tpu.memory_space<vmem>>, vector<16xf32>,
        %mul3A_346 = vector.broadcast %squeeze3A_338 : f32 to vector<16xf32>
        %mul3A_347 = arith.mulf %mul3A_346, %get3A_345 : vector<16xf32>
        %add3A_348 = arith.addf %add3A_318, %mul3A_347 : vector<16xf32>
        %get3A_349 = arith.index_cast %add3A_342 : i32 to index
        %get3A_350 = arith.constant 16 : index
        %get3A_351 = tpu.vector_load %arg14[%get3A_349, %get3A_350] {strides = array<i32>} : memref<64x64xf32, #tpu.memory_space<vmem>>, vector<16xf32>,
        %mul3A_352 = vector.broadcast %squeeze3A_338 : f32 to vector<16xf32>
        %mul3A_353 = arith.mulf %mul3A_352, %get3A_351 : vector<16xf32>
        %add3A_354 = arith.addf %add3A_324, %mul3A_353 : vector<16xf32>
        %get3A_355 = arith.index_cast %add3A_342 : i32 to index
        %get3A_356 = arith.constant 32 : index
        %get3A_357 = tpu.vector_load %arg14[%get3A_355, %get3A_356] {strides = array<i32>} : memref<64x64xf32, #tpu.memory_space<vmem>>, vector<16xf32>,
        %mul3A_358 = vector.broadcast %squeeze3A_338 : f32 to vector<16xf32>
        %mul3A_359 = arith.mulf %mul3A_358, %get3A_357 : vector<16xf32>
        %add3A_360 = arith.addf %add3A_330, %mul3A_359 : vector<16xf32>
        %get3A_361 = arith.index_cast %add3A_342 : i32 to index
        %get3A_362 = arith.constant 48 : index
        %get3A_363 = tpu.vector_load %arg14[%get3A_361, %get3A_362] {strides = array<i32>} : memref<64x64xf32, #tpu.memory_space<vmem>>, vector<16xf32>,
        %mul3A_364 = vector.broadcast %squeeze3A_338 : f32 to vector<16xf32>
        %mul3A_365 = arith.mulf %mul3A_364, %get3A_363 : vector<16xf32>
        %add3A_366 = arith.addf %add3A_336, %mul3A_365 : vector<16xf32>
        %slice3A_367 = vector.extract_strided_slice %get3A_126 {offsets = [8], sizes = [1], strides = [1]} : vector<16xf32> to vector<1xf32>
        %squeeze3A_368 = vector.extract %slice3A_367[0] : f32 from vector<1xf32>
        %mul3A_369 = arith.constant 16 : i32
        %mul3A_370 = arith.muli %scan3A_119, %mul3A_369 : i32
        %add3A_371 = arith.constant 8 : i32
        %add3A_372 = arith.addi %mul3A_370, %add3A_371 : i32
        %get3A_373 = arith.index_cast %add3A_372 : i32 to index
        %get3A_374 = arith.constant 0 : index
        %get3A_375 = tpu.vector_load %arg14[%get3A_373, %get3A_374] {strides = array<i32>} : memref<64x64xf32, #tpu.memory_space<vmem>>, vector<16xf32>,
        %mul3A_376 = vector.broadcast %squeeze3A_368 : f32 to vector<16xf32>
        %mul3A_377 = arith.mulf %mul3A_376, %get3A_375 : vector<16xf32>
        %add3A_378 = arith.addf %add3A_348, %mul3A_377 : vector<16xf32>
        %get3A_379 = arith.index_cast %add3A_372 : i32 to index
        %get3A_380 = arith.constant 16 : index
        %get3A_381 = tpu.vector_load %arg14[%get3A_379, %get3A_380] {strides = array<i32>} : memref<64x64xf32, #tpu.memory_space<vmem>>, vector<16xf32>,
        %mul3A_382 = vector.broadcast %squeeze3A_368 : f32 to vector<16xf32>
        %mul3A_383 = arith.mulf %mul3A_382, %get3A_381 : vector<16xf32>
        %add3A_384 = arith.addf %add3A_354, %mul3A_383 : vector<16xf32>
        %get3A_385 = arith.index_cast %add3A_372 : i32 to index
        %get3A_386 = arith.constant 32 : index
        %get3A_387 = tpu.vector_load %arg14[%get3A_385, %get3A_386] {strides = array<i32>} : memref<64x64xf32, #tpu.memory_space<vmem>>, vector<16xf32>,
        %mul3A_388 = vector.broadcast %squeeze3A_368 : f32 to vector<16xf32>
        %mul3A_389 = arith.mulf %mul3A_388, %get3A_387 : vector<16xf32>
        %add3A_390 = arith.addf %add3A_360, %mul3A_389 : vector<16xf32>
        %get3A_391 = arith.index_cast %add3A_372 : i32 to index
        %get3A_392 = arith.constant 48 : index
        %get3A_393 = tpu.vector_load %arg14[%get3A_391, %get3A_392] {strides = array<i32>} : memref<64x64xf32, #tpu.memory_space<vmem>>, vector<16xf32>,
        %mul3A_394 = vector.broadcast %squeeze3A_368 : f32 to vector<16xf32>
        %mul3A_395 = arith.mulf %mul3A_394, %get3A_393 : vector<16xf32>
        %add3A_396 = arith.addf %add3A_366, %mul3A_395 : vector<16xf32>
        %slice3A_397 = vector.extract_strided_slice %get3A_126 {offsets = [9], sizes = [1], strides = [1]} : vector<16xf32> to vector<1xf32>
        %squeeze3A_398 = vector.extract %slice3A_397[0] : f32 from vector<1xf32>
        %mul3A_399 = arith.constant 16 : i32
        %mul3A_400 = arith.muli %scan3A_119, %mul3A_399 : i32
        %add3A_401 = arith.constant 9 : i32
        %add3A_402 = arith.addi %mul3A_400, %add3A_401 : i32
        %get3A_403 = arith.index_cast %add3A_402 : i32 to index
        %get3A_404 = arith.constant 0 : index
        %get3A_405 = tpu.vector_load %arg14[%get3A_403, %get3A_404] {strides = array<i32>} : memref<64x64xf32, #tpu.memory_space<vmem>>, vector<16xf32>,
        %mul3A_406 = vector.broadcast %squeeze3A_398 : f32 to vector<16xf32>
        %mul3A_407 = arith.mulf %mul3A_406, %get3A_405 : vector<16xf32>
        %add3A_408 = arith.addf %add3A_378, %mul3A_407 : vector<16xf32>
        %get3A_409 = arith.index_cast %add3A_402 : i32 to index
        %get3A_410 = arith.constant 16 : index
        %get3A_411 = tpu.vector_load %arg14[%get3A_409, %get3A_410] {strides = array<i32>} : memref<64x64xf32, #tpu.memory_space<vmem>>, vector<16xf32>,
        %mul3A_412 = vector.broadcast %squeeze3A_398 : f32 to vector<16xf32>
        %mul3A_413 = arith.mulf %mul3A_412, %get3A_411 : vector<16xf32>
        %add3A_414 = arith.addf %add3A_384, %mul3A_413 : vector<16xf32>
        %get3A_415 = arith.index_cast %add3A_402 : i32 to index
        %get3A_416 = arith.constant 32 : index
        %get3A_417 = tpu.vector_load %arg14[%get3A_415, %get3A_416] {strides = array<i32>} : memref<64x64xf32, #tpu.memory_space<vmem>>, vector<16xf32>,
        %mul3A_418 = vector.broadcast %squeeze3A_398 : f32 to vector<16xf32>
        %mul3A_419 = arith.mulf %mul3A_418, %get3A_417 : vector<16xf32>
        %add3A_420 = arith.addf %add3A_390, %mul3A_419 : vector<16xf32>
        %get3A_421 = arith.index_cast %add3A_402 : i32 to index
        %get3A_422 = arith.constant 48 : index
        %get3A_423 = tpu.vector_load %arg14[%get3A_421, %get3A_422] {strides = array<i32>} : memref<64x64xf32, #tpu.memory_space<vmem>>, vector<16xf32>,
        %mul3A_424 = vector.broadcast %squeeze3A_398 : f32 to vector<16xf32>
        %mul3A_425 = arith.mulf %mul3A_424, %get3A_423 : vector<16xf32>
        %add3A_426 = arith.addf %add3A_396, %mul3A_425 : vector<16xf32>
        %slice3A_427 = vector.extract_strided_slice %get3A_126 {offsets = [10], sizes = [1], strides = [1]} : vector<16xf32> to vector<1xf32>
        %squeeze3A_428 = vector.extract %slice3A_427[0] : f32 from vector<1xf32>
        %mul3A_429 = arith.constant 16 : i32
        %mul3A_430 = arith.muli %scan3A_119, %mul3A_429 : i32
        %add3A_431 = arith.constant 10 : i32
        %add3A_432 = arith.addi %mul3A_430, %add3A_431 : i32
        %get3A_433 = arith.index_cast %add3A_432 : i32 to index
        %get3A_434 = arith.constant 0 : index
        %get3A_435 = tpu.vector_load %arg14[%get3A_433, %get3A_434] {strides = array<i32>} : memref<64x64xf32, #tpu.memory_space<vmem>>, vector<16xf32>,
        %mul3A_436 = vector.broadcast %squeeze3A_428 : f32 to vector<16xf32>
        %mul3A_437 = arith.mulf %mul3A_436, %get3A_435 : vector<16xf32>
        %add3A_438 = arith.addf %add3A_408, %mul3A_437 : vector<16xf32>
        %get3A_439 = arith.index_cast %add3A_432 : i32 to index
        %get3A_440 = arith.constant 16 : index
        %get3A_441 = tpu.vector_load %arg14[%get3A_439, %get3A_440] {strides = array<i32>} : memref<64x64xf32, #tpu.memory_space<vmem>>, vector<16xf32>,
        %mul3A_442 = vector.broadcast %squeeze3A_428 : f32 to vector<16xf32>
        %mul3A_443 = arith.mulf %mul3A_442, %get3A_441 : vector<16xf32>
        %add3A_444 = arith.addf %add3A_414, %mul3A_443 : vector<16xf32>
        %get3A_445 = arith.index_cast %add3A_432 : i32 to index
        %get3A_446 = arith.constant 32 : index
        %get3A_447 = tpu.vector_load %arg14[%get3A_445, %get3A_446] {strides = array<i32>} : memref<64x64xf32, #tpu.memory_space<vmem>>, vector<16xf32>,
        %mul3A_448 = vector.broadcast %squeeze3A_428 : f32 to vector<16xf32>
        %mul3A_449 = arith.mulf %mul3A_448, %get3A_447 : vector<16xf32>
        %add3A_450 = arith.addf %add3A_420, %mul3A_449 : vector<16xf32>
        %get3A_451 = arith.index_cast %add3A_432 : i32 to index
        %get3A_452 = arith.constant 48 : index
        %get3A_453 = tpu.vector_load %arg14[%get3A_451, %get3A_452] {strides = array<i32>} : memref<64x64xf32, #tpu.memory_space<vmem>>, vector<16xf32>,
        %mul3A_454 = vector.broadcast %squeeze3A_428 : f32 to vector<16xf32>
        %mul3A_455 = arith.mulf %mul3A_454, %get3A_453 : vector<16xf32>
        %add3A_456 = arith.addf %add3A_426, %mul3A_455 : vector<16xf32>
        %slice3A_457 = vector.extract_strided_slice %get3A_126 {offsets = [11], sizes = [1], strides = [1]} : vector<16xf32> to vector<1xf32>
        %squeeze3A_458 = vector.extract %slice3A_457[0] : f32 from vector<1xf32>
        %mul3A_459 = arith.constant 16 : i32
        %mul3A_460 = arith.muli %scan3A_119, %mul3A_459 : i32
        %add3A_461 = arith.constant 11 : i32
        %add3A_462 = arith.addi %mul3A_460, %add3A_461 : i32
        %get3A_463 = arith.index_cast %add3A_462 : i32 to index
        %get3A_464 = arith.constant 0 : index
        %get3A_465 = tpu.vector_load %arg14[%get3A_463, %get3A_464] {strides = array<i32>} : memref<64x64xf32, #tpu.memory_space<vmem>>, vector<16xf32>,
        %mul3A_466 = vector.broadcast %squeeze3A_458 : f32 to vector<16xf32>
        %mul3A_467 = arith.mulf %mul3A_466, %get3A_465 : vector<16xf32>
        %add3A_468 = arith.addf %add3A_438, %mul3A_467 : vector<16xf32>
        %get3A_469 = arith.index_cast %add3A_462 : i32 to index
        %get3A_470 = arith.constant 16 : index
        %get3A_471 = tpu.vector_load %arg14[%get3A_469, %get3A_470] {strides = array<i32>} : memref<64x64xf32, #tpu.memory_space<vmem>>, vector<16xf32>,
        %mul3A_472 = vector.broadcast %squeeze3A_458 : f32 to vector<16xf32>
        %mul3A_473 = arith.mulf %mul3A_472, %get3A_471 : vector<16xf32>
        %add3A_474 = arith.addf %add3A_444, %mul3A_473 : vector<16xf32>
        %get3A_475 = arith.index_cast %add3A_462 : i32 to index
        %get3A_476 = arith.constant 32 : index
        %get3A_477 = tpu.vector_load %arg14[%get3A_475, %get3A_476] {strides = array<i32>} : memref<64x64xf32, #tpu.memory_space<vmem>>, vector<16xf32>,
        %mul3A_478 = vector.broadcast %squeeze3A_458 : f32 to vector<16xf32>
        %mul3A_479 = arith.mulf %mul3A_478, %get3A_477 : vector<16xf32>
        %add3A_480 = arith.addf %add3A_450, %mul3A_479 : vector<16xf32>
        %get3A_481 = arith.index_cast %add3A_462 : i32 to index
        %get3A_482 = arith.constant 48 : index
        %get3A_483 = tpu.vector_load %arg14[%get3A_481, %get3A_482] {strides = array<i32>} : memref<64x64xf32, #tpu.memory_space<vmem>>, vector<16xf32>,
        %mul3A_484 = vector.broadcast %squeeze3A_458 : f32 to vector<16xf32>
        %mul3A_485 = arith.mulf %mul3A_484, %get3A_483 : vector<16xf32>
        %add3A_486 = arith.addf %add3A_456, %mul3A_485 : vector<16xf32>
        %slice3A_487 = vector.extract_strided_slice %get3A_126 {offsets = [12], sizes = [1], strides = [1]} : vector<16xf32> to vector<1xf32>
        %squeeze3A_488 = vector.extract %slice3A_487[0] : f32 from vector<1xf32>
        %mul3A_489 = arith.constant 16 : i32
        %mul3A_490 = arith.muli %scan3A_119, %mul3A_489 : i32
        %add3A_491 = arith.constant 12 : i32
        %add3A_492 = arith.addi %mul3A_490, %add3A_491 : i32
        %get3A_493 = arith.index_cast %add3A_492 : i32 to index
        %get3A_494 = arith.constant 0 : index
        %get3A_495 = tpu.vector_load %arg14[%get3A_493, %get3A_494] {strides = array<i32>} : memref<64x64xf32, #tpu.memory_space<vmem>>, vector<16xf32>,
        %mul3A_496 = vector.broadcast %squeeze3A_488 : f32 to vector<16xf32>
        %mul3A_497 = arith.mulf %mul3A_496, %get3A_495 : vector<16xf32>
        %add3A_498 = arith.addf %add3A_468, %mul3A_497 : vector<16xf32>
        %get3A_499 = arith.index_cast %add3A_492 : i32 to index
        %get3A_500 = arith.constant 16 : index
        %get3A_501 = tpu.vector_load %arg14[%get3A_499, %get3A_500] {strides = array<i32>} : memref<64x64xf32, #tpu.memory_space<vmem>>, vector<16xf32>,
        %mul3A_502 = vector.broadcast %squeeze3A_488 : f32 to vector<16xf32>
        %mul3A_503 = arith.mulf %mul3A_502, %get3A_501 : vector<16xf32>
        %add3A_504 = arith.addf %add3A_474, %mul3A_503 : vector<16xf32>
        %get3A_505 = arith.index_cast %add3A_492 : i32 to index
        %get3A_506 = arith.constant 32 : index
        %get3A_507 = tpu.vector_load %arg14[%get3A_505, %get3A_506] {strides = array<i32>} : memref<64x64xf32, #tpu.memory_space<vmem>>, vector<16xf32>,
        %mul3A_508 = vector.broadcast %squeeze3A_488 : f32 to vector<16xf32>
        %mul3A_509 = arith.mulf %mul3A_508, %get3A_507 : vector<16xf32>
        %add3A_510 = arith.addf %add3A_480, %mul3A_509 : vector<16xf32>
        %get3A_511 = arith.index_cast %add3A_492 : i32 to index
        %get3A_512 = arith.constant 48 : index
        %get3A_513 = tpu.vector_load %arg14[%get3A_511, %get3A_512] {strides = array<i32>} : memref<64x64xf32, #tpu.memory_space<vmem>>, vector<16xf32>,
        %mul3A_514 = vector.broadcast %squeeze3A_488 : f32 to vector<16xf32>
        %mul3A_515 = arith.mulf %mul3A_514, %get3A_513 : vector<16xf32>
        %add3A_516 = arith.addf %add3A_486, %mul3A_515 : vector<16xf32>
        %slice3A_517 = vector.extract_strided_slice %get3A_126 {offsets = [13], sizes = [1], strides = [1]} : vector<16xf32> to vector<1xf32>
        %squeeze3A_518 = vector.extract %slice3A_517[0] : f32 from vector<1xf32>
        %mul3A_519 = arith.constant 16 : i32
        %mul3A_520 = arith.muli %scan3A_119, %mul3A_519 : i32
        %add3A_521 = arith.constant 13 : i32
        %add3A_522 = arith.addi %mul3A_520, %add3A_521 : i32
        %get3A_523 = arith.index_cast %add3A_522 : i32 to index
        %get3A_524 = arith.constant 0 : index
        %get3A_525 = tpu.vector_load %arg14[%get3A_523, %get3A_524] {strides = array<i32>} : memref<64x64xf32, #tpu.memory_space<vmem>>, vector<16xf32>,
        %mul3A_526 = vector.broadcast %squeeze3A_518 : f32 to vector<16xf32>
        %mul3A_527 = arith.mulf %mul3A_526, %get3A_525 : vector<16xf32>
        %add3A_528 = arith.addf %add3A_498, %mul3A_527 : vector<16xf32>
        %get3A_529 = arith.index_cast %add3A_522 : i32 to index
        %get3A_530 = arith.constant 16 : index
        %get3A_531 = tpu.vector_load %arg14[%get3A_529, %get3A_530] {strides = array<i32>} : memref<64x64xf32, #tpu.memory_space<vmem>>, vector<16xf32>,
        %mul3A_532 = vector.broadcast %squeeze3A_518 : f32 to vector<16xf32>
        %mul3A_533 = arith.mulf %mul3A_532, %get3A_531 : vector<16xf32>
        %add3A_534 = arith.addf %add3A_504, %mul3A_533 : vector<16xf32>
        %get3A_535 = arith.index_cast %add3A_522 : i32 to index
        %get3A_536 = arith.constant 32 : index
        %get3A_537 = tpu.vector_load %arg14[%get3A_535, %get3A_536] {strides = array<i32>} : memref<64x64xf32, #tpu.memory_space<vmem>>, vector<16xf32>,
        %mul3A_538 = vector.broadcast %squeeze3A_518 : f32 to vector<16xf32>
        %mul3A_539 = arith.mulf %mul3A_538, %get3A_537 : vector<16xf32>
        %add3A_540 = arith.addf %add3A_510, %mul3A_539 : vector<16xf32>
        %get3A_541 = arith.index_cast %add3A_522 : i32 to index
        %get3A_542 = arith.constant 48 : index
        %get3A_543 = tpu.vector_load %arg14[%get3A_541, %get3A_542] {strides = array<i32>} : memref<64x64xf32, #tpu.memory_space<vmem>>, vector<16xf32>,
        %mul3A_544 = vector.broadcast %squeeze3A_518 : f32 to vector<16xf32>
        %mul3A_545 = arith.mulf %mul3A_544, %get3A_543 : vector<16xf32>
        %add3A_546 = arith.addf %add3A_516, %mul3A_545 : vector<16xf32>
        %slice3A_547 = vector.extract_strided_slice %get3A_126 {offsets = [14], sizes = [1], strides = [1]} : vector<16xf32> to vector<1xf32>
        %squeeze3A_548 = vector.extract %slice3A_547[0] : f32 from vector<1xf32>
        %mul3A_549 = arith.constant 16 : i32
        %mul3A_550 = arith.muli %scan3A_119, %mul3A_549 : i32
        %add3A_551 = arith.constant 14 : i32
        %add3A_552 = arith.addi %mul3A_550, %add3A_551 : i32
        %get3A_553 = arith.index_cast %add3A_552 : i32 to index
        %get3A_554 = arith.constant 0 : index
        %get3A_555 = tpu.vector_load %arg14[%get3A_553, %get3A_554] {strides = array<i32>} : memref<64x64xf32, #tpu.memory_space<vmem>>, vector<16xf32>,
        %mul3A_556 = vector.broadcast %squeeze3A_548 : f32 to vector<16xf32>
        %mul3A_557 = arith.mulf %mul3A_556, %get3A_555 : vector<16xf32>
        %add3A_558 = arith.addf %add3A_528, %mul3A_557 : vector<16xf32>
        %get3A_559 = arith.index_cast %add3A_552 : i32 to index
        %get3A_560 = arith.constant 16 : index
        %get3A_561 = tpu.vector_load %arg14[%get3A_559, %get3A_560] {strides = array<i32>} : memref<64x64xf32, #tpu.memory_space<vmem>>, vector<16xf32>,
        %mul3A_562 = vector.broadcast %squeeze3A_548 : f32 to vector<16xf32>
        %mul3A_563 = arith.mulf %mul3A_562, %get3A_561 : vector<16xf32>
        %add3A_564 = arith.addf %add3A_534, %mul3A_563 : vector<16xf32>
        %get3A_565 = arith.index_cast %add3A_552 : i32 to index
        %get3A_566 = arith.constant 32 : index
        %get3A_567 = tpu.vector_load %arg14[%get3A_565, %get3A_566] {strides = array<i32>} : memref<64x64xf32, #tpu.memory_space<vmem>>, vector<16xf32>,
        %mul3A_568 = vector.broadcast %squeeze3A_548 : f32 to vector<16xf32>
        %mul3A_569 = arith.mulf %mul3A_568, %get3A_567 : vector<16xf32>
        %add3A_570 = arith.addf %add3A_540, %mul3A_569 : vector<16xf32>
        %get3A_571 = arith.index_cast %add3A_552 : i32 to index
        %get3A_572 = arith.constant 48 : index
        %get3A_573 = tpu.vector_load %arg14[%get3A_571, %get3A_572] {strides = array<i32>} : memref<64x64xf32, #tpu.memory_space<vmem>>, vector<16xf32>,
        %mul3A_574 = vector.broadcast %squeeze3A_548 : f32 to vector<16xf32>
        %mul3A_575 = arith.mulf %mul3A_574, %get3A_573 : vector<16xf32>
        %add3A_576 = arith.addf %add3A_546, %mul3A_575 : vector<16xf32>
        %slice3A_577 = vector.extract_strided_slice %get3A_126 {offsets = [15], sizes = [1], strides = [1]} : vector<16xf32> to vector<1xf32>
        %squeeze3A_578 = vector.extract %slice3A_577[0] : f32 from vector<1xf32>
        %mul3A_579 = arith.constant 16 : i32
        %mul3A_580 = arith.muli %scan3A_119, %mul3A_579 : i32
        %add3A_581 = arith.constant 15 : i32
        %add3A_582 = arith.addi %mul3A_580, %add3A_581 : i32
        %get3A_583 = arith.index_cast %add3A_582 : i32 to index
        %get3A_584 = arith.constant 0 : index
        %get3A_585 = tpu.vector_load %arg14[%get3A_583, %get3A_584] {strides = array<i32>} : memref<64x64xf32, #tpu.memory_space<vmem>>, vector<16xf32>,
        %mul3A_586 = vector.broadcast %squeeze3A_578 : f32 to vector<16xf32>
        %mul3A_587 = arith.mulf %mul3A_586, %get3A_585 : vector<16xf32>
        %add3A_588 = arith.addf %add3A_558, %mul3A_587 : vector<16xf32>
        %get3A_589 = arith.index_cast %add3A_582 : i32 to index
        %get3A_590 = arith.constant 16 : index
        %get3A_591 = tpu.vector_load %arg14[%get3A_589, %get3A_590] {strides = array<i32>} : memref<64x64xf32, #tpu.memory_space<vmem>>, vector<16xf32>,
        %mul3A_592 = vector.broadcast %squeeze3A_578 : f32 to vector<16xf32>
        %mul3A_593 = arith.mulf %mul3A_592, %get3A_591 : vector<16xf32>
        %add3A_594 = arith.addf %add3A_564, %mul3A_593 : vector<16xf32>
        %get3A_595 = arith.index_cast %add3A_582 : i32 to index
        %get3A_596 = arith.constant 32 : index
        %get3A_597 = tpu.vector_load %arg14[%get3A_595, %get3A_596] {strides = array<i32>} : memref<64x64xf32, #tpu.memory_space<vmem>>, vector<16xf32>,
        %mul3A_598 = vector.broadcast %squeeze3A_578 : f32 to vector<16xf32>
        %mul3A_599 = arith.mulf %mul3A_598, %get3A_597 : vector<16xf32>
        %add3A_600 = arith.addf %add3A_570, %mul3A_599 : vector<16xf32>
        %get3A_601 = arith.index_cast %add3A_582 : i32 to index
        %get3A_602 = arith.constant 48 : index
        %get3A_603 = tpu.vector_load %arg14[%get3A_601, %get3A_602] {strides = array<i32>} : memref<64x64xf32, #tpu.memory_space<vmem>>, vector<16xf32>,
        %mul3A_604 = vector.broadcast %squeeze3A_578 : f32 to vector<16xf32>
        %mul3A_605 = arith.mulf %mul3A_604, %get3A_603 : vector<16xf32>
        %add3A_606 = arith.addf %add3A_576, %mul3A_605 : vector<16xf32>
        scf.yield %add3A_588, %add3A_594, %add3A_600, %add3A_606 : vector<16xf32>, vector<16xf32>, vector<16xf32>, vector<16xf32>
      }
      %scan3A_58 = arith.constant 4 : i32
      %mul3A = arith.constant 2.000000e+00 : f32
      %mul3A_59 = vector.broadcast %mul3A : f32 to vector<16xf32>
      %mul3A_60 = arith.mulf %mul3A_59, %scan3A_57#0 : vector<16xf32>
      %exp3A = math.exp %mul3A_60 : vector<16xf32>
      %add3A_61 = arith.constant 1.000000e+00 : f32
      %add3A_62 = vector.broadcast %add3A_61 : f32 to vector<16xf32>
      %add3A_63 = arith.addf %exp3A, %add3A_62 : vector<16xf32>
      %div3A = arith.constant 2.000000e+00 : f32
      %div3A_64 = vector.broadcast %div3A : f32 to vector<16xf32>
      %div3A_65 = arith.divf %div3A_64, %add3A_63 : vector<16xf32>
      %sub3A_66 = arith.constant 1.000000e+00 : f32
      %sub3A_67 = vector.broadcast %sub3A_66 : f32 to vector<16xf32>
      %sub3A_68 = arith.subf %sub3A_67, %div3A_65 : vector<16xf32>
      %swap3A_69 = arith.constant 0 : index
      %swap3A_70 = tpu.vector_load %arg17[%swap3A_69] {strides = array<i32>} : memref<64xf32, #tpu.memory_space<vmem>>, vector<16xf32>,
      tpu.vector_store %arg17[%swap3A_69], %sub3A_68 {strides = array<i32>} : memref<64xf32, #tpu.memory_space<vmem>>, vector<16xf32>,
      %mul3A_71 = arith.constant 2.000000e+00 : f32
      %mul3A_72 = vector.broadcast %mul3A_71 : f32 to vector<16xf32>
      %mul3A_73 = arith.mulf %mul3A_72, %scan3A_57#1 : vector<16xf32>
      %exp3A_74 = math.exp %mul3A_73 : vector<16xf32>
      %add3A_75 = arith.constant 1.000000e+00 : f32
      %add3A_76 = vector.broadcast %add3A_75 : f32 to vector<16xf32>
      %add3A_77 = arith.addf %exp3A_74, %add3A_76 : vector<16xf32>
      %div3A_78 = arith.constant 2.000000e+00 : f32
      %div3A_79 = vector.broadcast %div3A_78 : f32 to vector<16xf32>
      %div3A_80 = arith.divf %div3A_79, %add3A_77 : vector<16xf32>
      %sub3A_81 = arith.constant 1.000000e+00 : f32
      %sub3A_82 = vector.broadcast %sub3A_81 : f32 to vector<16xf32>
      %sub3A_83 = arith.subf %sub3A_82, %div3A_80 : vector<16xf32>
      %swap3A_84 = arith.constant 16 : index
      %swap3A_85 = tpu.vector_load %arg17[%swap3A_84] {strides = array<i32>} : memref<64xf32, #tpu.memory_space<vmem>>, vector<16xf32>,
      tpu.vector_store %arg17[%swap3A_84], %sub3A_83 {strides = array<i32>} : memref<64xf32, #tpu.memory_space<vmem>>, vector<16xf32>,
      %mul3A_86 = arith.constant 2.000000e+00 : f32
      %mul3A_87 = vector.broadcast %mul3A_86 : f32 to vector<16xf32>
      %mul3A_88 = arith.mulf %mul3A_87, %scan3A_57#2 : vector<16xf32>
      %exp3A_89 = math.exp %mul3A_88 : vector<16xf32>
      %add3A_90 = arith.constant 1.000000e+00 : f32
      %add3A_91 = vector.broadcast %add3A_90 : f32 to vector<16xf32>
      %add3A_92 = arith.addf %exp3A_89, %add3A_91 : vector<16xf32>
      %div3A_93 = arith.constant 2.000000e+00 : f32
      %div3A_94 = vector.broadcast %div3A_93 : f32 to vector<16xf32>
      %div3A_95 = arith.divf %div3A_94, %add3A_92 : vector<16xf32>
      %sub3A_96 = arith.constant 1.000000e+00 : f32
      %sub3A_97 = vector.broadcast %sub3A_96 : f32 to vector<16xf32>
      %sub3A_98 = arith.subf %sub3A_97, %div3A_95 : vector<16xf32>
      %swap3A_99 = arith.constant 32 : index
      %swap3A_100 = tpu.vector_load %arg17[%swap3A_99] {strides = array<i32>} : memref<64xf32, #tpu.memory_space<vmem>>, vector<16xf32>,
      tpu.vector_store %arg17[%swap3A_99], %sub3A_98 {strides = array<i32>} : memref<64xf32, #tpu.memory_space<vmem>>, vector<16xf32>,
      %mul3A_101 = arith.constant 2.000000e+00 : f32
      %mul3A_102 = vector.broadcast %mul3A_101 : f32 to vector<16xf32>
      %mul3A_103 = arith.mulf %mul3A_102, %scan3A_57#3 : vector<16xf32>
      %exp3A_104 = math.exp %mul3A_103 : vector<16xf32>
      %add3A_105 = arith.constant 1.000000e+00 : f32
      %add3A_106 = vector.broadcast %add3A_105 : f32 to vector<16xf32>
      %add3A_107 = arith.addf %exp3A_104, %add3A_106 : vector<16xf32>
      %div3A_108 = arith.constant 2.000000e+00 : f32
      %div3A_109 = vector.broadcast %div3A_108 : f32 to vector<16xf32>
      %div3A_110 = arith.divf %div3A_109, %add3A_107 : vector<16xf32>
      %sub3A_111 = arith.constant 1.000000e+00 : f32
      %sub3A_112 = vector.broadcast %sub3A_111 : f32 to vector<16xf32>
      %sub3A_113 = arith.subf %sub3A_112, %div3A_110 : vector<16xf32>
      %swap3A_114 = arith.constant 48 : index
      %swap3A_115 = tpu.vector_load %arg17[%swap3A_114] {strides = array<i32>} : memref<64xf32, #tpu.memory_space<vmem>>, vector<16xf32>,
      tpu.vector_store %arg17[%swap3A_114], %sub3A_113 {strides = array<i32>} : memref<64xf32, #tpu.memory_space<vmem>>, vector<16xf32>,
      %convert_element_type3A_116 = arith.extui %lt3A_8 : i1 to i32
      %cond3A_117 = arith.constant 0 : i32
      %cond3A_118 = arith.cmpi ne, %convert_element_type3A_116, %cond3A_117 : i32
      scf.if %cond3A_118 {
        "tpu.region"() ({
          %run_scoped3A = tpu.sem_alloc : memref<!tpu.dma_semaphore, #tpu.memory_space<semaphore_mem>>
          tpu.enqueue_dma source(%arg8 : memref<64x64xf32, #tpu.memory_space<hbm>>) target(%arg15 : memref<64x64xf32, #tpu.memory_space<vmem>>) target_semaphore(%run_scoped3A : memref<!tpu.dma_semaphore, #tpu.memory_space<semaphore_mem>>)
          tpu.wait_dma2 semaphore(%run_scoped3A : memref<!tpu.dma_semaphore, #tpu.memory_space<semaphore_mem>>) src(%arg8 : memref<64x64xf32, #tpu.memory_space<hbm>>) dst(%arg15 : memref<64x64xf32, #tpu.memory_space<vmem>>)
          tpu.yield
        }) : () -> ()
        %broadcast_in_dim3A_119 = arith.constant 0.000000e+00 : f32
        %broadcast_in_dim3A_120 = vector.broadcast %broadcast_in_dim3A_119 : f32 to vector<16xf32>
        %scan3A_121 = arith.constant 0 : i32
        %scan3A_122 = arith.constant 4 : i32
        %scan3A_123 = arith.addi %scan3A_121, %scan3A_122 : i32
        %scan3A_124 = arith.constant 1 : i32
        %scan3A_125:4 = scf.for %scan3A_135 = %scan3A_121 to %scan3A_123 step %scan3A_124 iter_args(%scan3A_136 = %broadcast_in_dim3A_120, %scan3A_137 = %broadcast_in_dim3A_120, %scan3A_138 = %broadcast_in_dim3A_120, %scan3A_139 = %broadcast_in_dim3A_120) -> (vector<16xf32>, vector<16xf32>, vector<16xf32>, vector<16xf32>)  : i32 {
          %mul3A_140 = arith.constant 16 : i32
          %mul3A_141 = arith.muli %scan3A_135, %mul3A_140 : i32
          %get3A = arith.index_cast %mul3A_141 : i32 to index
          %get3A_142 = tpu.vector_load %arg17[%get3A] {strides = array<i32>} : memref<64xf32, #tpu.memory_space<vmem>>, vector<16xf32>,
          %slice3A_143 = vector.extract_strided_slice %get3A_142 {offsets = [0], sizes = [1], strides = [1]} : vector<16xf32> to vector<1xf32>
          %squeeze3A_144 = vector.extract %slice3A_143[0] : f32 from vector<1xf32>
          %mul3A_145 = arith.constant 16 : i32
          %mul3A_146 = arith.muli %scan3A_135, %mul3A_145 : i32
          %add3A_147 = arith.constant 0 : i32
          %add3A_148 = arith.addi %mul3A_146, %add3A_147 : i32
          %get3A_149 = arith.index_cast %add3A_148 : i32 to index
          %get3A_150 = arith.constant 0 : index
          %get3A_151 = tpu.vector_load %arg15[%get3A_149, %get3A_150] {strides = array<i32>} : memref<64x64xf32, #tpu.memory_space<vmem>>, vector<16xf32>,
          %mul3A_152 = vector.broadcast %squeeze3A_144 : f32 to vector<16xf32>
          %mul3A_153 = arith.mulf %mul3A_152, %get3A_151 : vector<16xf32>
          %add3A_154 = arith.addf %scan3A_136, %mul3A_153 : vector<16xf32>
          %get3A_155 = arith.index_cast %add3A_148 : i32 to index
          %get3A_156 = arith.constant 16 : index
          %get3A_157 = tpu.vector_load %arg15[%get3A_155, %get3A_156] {strides = array<i32>} : memref<64x64xf32, #tpu.memory_space<vmem>>, vector<16xf32>,
          %mul3A_158 = vector.broadcast %squeeze3A_144 : f32 to vector<16xf32>
          %mul3A_159 = arith.mulf %mul3A_158, %get3A_157 : vector<16xf32>
          %add3A_160 = arith.addf %scan3A_137, %mul3A_159 : vector<16xf32>
          %get3A_161 = arith.index_cast %add3A_148 : i32 to index
          %get3A_162 = arith.constant 32 : index
          %get3A_163 = tpu.vector_load %arg15[%get3A_161, %get3A_162] {strides = array<i32>} : memref<64x64xf32, #tpu.memory_space<vmem>>, vector<16xf32>,
          %mul3A_164 = vector.broadcast %squeeze3A_144 : f32 to vector<16xf32>
          %mul3A_165 = arith.mulf %mul3A_164, %get3A_163 : vector<16xf32>
          %add3A_166 = arith.addf %scan3A_138, %mul3A_165 : vector<16xf32>
          %get3A_167 = arith.index_cast %add3A_148 : i32 to index
          %get3A_168 = arith.constant 48 : index
          %get3A_169 = tpu.vector_load %arg15[%get3A_167, %get3A_168] {strides = array<i32>} : memref<64x64xf32, #tpu.memory_space<vmem>>, vector<16xf32>,
          %mul3A_170 = vector.broadcast %squeeze3A_144 : f32 to vector<16xf32>
          %mul3A_171 = arith.mulf %mul3A_170, %get3A_169 : vector<16xf32>
          %add3A_172 = arith.addf %scan3A_139, %mul3A_171 : vector<16xf32>
          %slice3A_173 = vector.extract_strided_slice %get3A_142 {offsets = [1], sizes = [1], strides = [1]} : vector<16xf32> to vector<1xf32>
          %squeeze3A_174 = vector.extract %slice3A_173[0] : f32 from vector<1xf32>
          %mul3A_175 = arith.constant 16 : i32
          %mul3A_176 = arith.muli %scan3A_135, %mul3A_175 : i32
          %add3A_177 = arith.constant 1 : i32
          %add3A_178 = arith.addi %mul3A_176, %add3A_177 : i32
          %get3A_179 = arith.index_cast %add3A_178 : i32 to index
          %get3A_180 = arith.constant 0 : index
          %get3A_181 = tpu.vector_load %arg15[%get3A_179, %get3A_180] {strides = array<i32>} : memref<64x64xf32, #tpu.memory_space<vmem>>, vector<16xf32>,
          %mul3A_182 = vector.broadcast %squeeze3A_174 : f32 to vector<16xf32>
          %mul3A_183 = arith.mulf %mul3A_182, %get3A_181 : vector<16xf32>
          %add3A_184 = arith.addf %add3A_154, %mul3A_183 : vector<16xf32>
          %get3A_185 = arith.index_cast %add3A_178 : i32 to index
          %get3A_186 = arith.constant 16 : index
          %get3A_187 = tpu.vector_load %arg15[%get3A_185, %get3A_186] {strides = array<i32>} : memref<64x64xf32, #tpu.memory_space<vmem>>, vector<16xf32>,
          %mul3A_188 = vector.broadcast %squeeze3A_174 : f32 to vector<16xf32>
          %mul3A_189 = arith.mulf %mul3A_188, %get3A_187 : vector<16xf32>
          %add3A_190 = arith.addf %add3A_160, %mul3A_189 : vector<16xf32>
          %get3A_191 = arith.index_cast %add3A_178 : i32 to index
          %get3A_192 = arith.constant 32 : index
          %get3A_193 = tpu.vector_load %arg15[%get3A_191, %get3A_192] {strides = array<i32>} : memref<64x64xf32, #tpu.memory_space<vmem>>, vector<16xf32>,
          %mul3A_194 = vector.broadcast %squeeze3A_174 : f32 to vector<16xf32>
          %mul3A_195 = arith.mulf %mul3A_194, %get3A_193 : vector<16xf32>
          %add3A_196 = arith.addf %add3A_166, %mul3A_195 : vector<16xf32>
          %get3A_197 = arith.index_cast %add3A_178 : i32 to index
          %get3A_198 = arith.constant 48 : index
          %get3A_199 = tpu.vector_load %arg15[%get3A_197, %get3A_198] {strides = array<i32>} : memref<64x64xf32, #tpu.memory_space<vmem>>, vector<16xf32>,
          %mul3A_200 = vector.broadcast %squeeze3A_174 : f32 to vector<16xf32>
          %mul3A_201 = arith.mulf %mul3A_200, %get3A_199 : vector<16xf32>
          %add3A_202 = arith.addf %add3A_172, %mul3A_201 : vector<16xf32>
          %slice3A_203 = vector.extract_strided_slice %get3A_142 {offsets = [2], sizes = [1], strides = [1]} : vector<16xf32> to vector<1xf32>
          %squeeze3A_204 = vector.extract %slice3A_203[0] : f32 from vector<1xf32>
          %mul3A_205 = arith.constant 16 : i32
          %mul3A_206 = arith.muli %scan3A_135, %mul3A_205 : i32
          %add3A_207 = arith.constant 2 : i32
          %add3A_208 = arith.addi %mul3A_206, %add3A_207 : i32
          %get3A_209 = arith.index_cast %add3A_208 : i32 to index
          %get3A_210 = arith.constant 0 : index
          %get3A_211 = tpu.vector_load %arg15[%get3A_209, %get3A_210] {strides = array<i32>} : memref<64x64xf32, #tpu.memory_space<vmem>>, vector<16xf32>,
          %mul3A_212 = vector.broadcast %squeeze3A_204 : f32 to vector<16xf32>
          %mul3A_213 = arith.mulf %mul3A_212, %get3A_211 : vector<16xf32>
          %add3A_214 = arith.addf %add3A_184, %mul3A_213 : vector<16xf32>
          %get3A_215 = arith.index_cast %add3A_208 : i32 to index
          %get3A_216 = arith.constant 16 : index
          %get3A_217 = tpu.vector_load %arg15[%get3A_215, %get3A_216] {strides = array<i32>} : memref<64x64xf32, #tpu.memory_space<vmem>>, vector<16xf32>,
          %mul3A_218 = vector.broadcast %squeeze3A_204 : f32 to vector<16xf32>
          %mul3A_219 = arith.mulf %mul3A_218, %get3A_217 : vector<16xf32>
          %add3A_220 = arith.addf %add3A_190, %mul3A_219 : vector<16xf32>
          %get3A_221 = arith.index_cast %add3A_208 : i32 to index
          %get3A_222 = arith.constant 32 : index
          %get3A_223 = tpu.vector_load %arg15[%get3A_221, %get3A_222] {strides = array<i32>} : memref<64x64xf32, #tpu.memory_space<vmem>>, vector<16xf32>,
          %mul3A_224 = vector.broadcast %squeeze3A_204 : f32 to vector<16xf32>
          %mul3A_225 = arith.mulf %mul3A_224, %get3A_223 : vector<16xf32>
          %add3A_226 = arith.addf %add3A_196, %mul3A_225 : vector<16xf32>
          %get3A_227 = arith.index_cast %add3A_208 : i32 to index
          %get3A_228 = arith.constant 48 : index
          %get3A_229 = tpu.vector_load %arg15[%get3A_227, %get3A_228] {strides = array<i32>} : memref<64x64xf32, #tpu.memory_space<vmem>>, vector<16xf32>,
          %mul3A_230 = vector.broadcast %squeeze3A_204 : f32 to vector<16xf32>
          %mul3A_231 = arith.mulf %mul3A_230, %get3A_229 : vector<16xf32>
          %add3A_232 = arith.addf %add3A_202, %mul3A_231 : vector<16xf32>
          %slice3A_233 = vector.extract_strided_slice %get3A_142 {offsets = [3], sizes = [1], strides = [1]} : vector<16xf32> to vector<1xf32>
          %squeeze3A_234 = vector.extract %slice3A_233[0] : f32 from vector<1xf32>
          %mul3A_235 = arith.constant 16 : i32
          %mul3A_236 = arith.muli %scan3A_135, %mul3A_235 : i32
          %add3A_237 = arith.constant 3 : i32
          %add3A_238 = arith.addi %mul3A_236, %add3A_237 : i32
          %get3A_239 = arith.index_cast %add3A_238 : i32 to index
          %get3A_240 = arith.constant 0 : index
          %get3A_241 = tpu.vector_load %arg15[%get3A_239, %get3A_240] {strides = array<i32>} : memref<64x64xf32, #tpu.memory_space<vmem>>, vector<16xf32>,
          %mul3A_242 = vector.broadcast %squeeze3A_234 : f32 to vector<16xf32>
          %mul3A_243 = arith.mulf %mul3A_242, %get3A_241 : vector<16xf32>
          %add3A_244 = arith.addf %add3A_214, %mul3A_243 : vector<16xf32>
          %get3A_245 = arith.index_cast %add3A_238 : i32 to index
          %get3A_246 = arith.constant 16 : index
          %get3A_247 = tpu.vector_load %arg15[%get3A_245, %get3A_246] {strides = array<i32>} : memref<64x64xf32, #tpu.memory_space<vmem>>, vector<16xf32>,
          %mul3A_248 = vector.broadcast %squeeze3A_234 : f32 to vector<16xf32>
          %mul3A_249 = arith.mulf %mul3A_248, %get3A_247 : vector<16xf32>
          %add3A_250 = arith.addf %add3A_220, %mul3A_249 : vector<16xf32>
          %get3A_251 = arith.index_cast %add3A_238 : i32 to index
          %get3A_252 = arith.constant 32 : index
          %get3A_253 = tpu.vector_load %arg15[%get3A_251, %get3A_252] {strides = array<i32>} : memref<64x64xf32, #tpu.memory_space<vmem>>, vector<16xf32>,
          %mul3A_254 = vector.broadcast %squeeze3A_234 : f32 to vector<16xf32>
          %mul3A_255 = arith.mulf %mul3A_254, %get3A_253 : vector<16xf32>
          %add3A_256 = arith.addf %add3A_226, %mul3A_255 : vector<16xf32>
          %get3A_257 = arith.index_cast %add3A_238 : i32 to index
          %get3A_258 = arith.constant 48 : index
          %get3A_259 = tpu.vector_load %arg15[%get3A_257, %get3A_258] {strides = array<i32>} : memref<64x64xf32, #tpu.memory_space<vmem>>, vector<16xf32>,
          %mul3A_260 = vector.broadcast %squeeze3A_234 : f32 to vector<16xf32>
          %mul3A_261 = arith.mulf %mul3A_260, %get3A_259 : vector<16xf32>
          %add3A_262 = arith.addf %add3A_232, %mul3A_261 : vector<16xf32>
          %slice3A_263 = vector.extract_strided_slice %get3A_142 {offsets = [4], sizes = [1], strides = [1]} : vector<16xf32> to vector<1xf32>
          %squeeze3A_264 = vector.extract %slice3A_263[0] : f32 from vector<1xf32>
          %mul3A_265 = arith.constant 16 : i32
          %mul3A_266 = arith.muli %scan3A_135, %mul3A_265 : i32
          %add3A_267 = arith.constant 4 : i32
          %add3A_268 = arith.addi %mul3A_266, %add3A_267 : i32
          %get3A_269 = arith.index_cast %add3A_268 : i32 to index
          %get3A_270 = arith.constant 0 : index
          %get3A_271 = tpu.vector_load %arg15[%get3A_269, %get3A_270] {strides = array<i32>} : memref<64x64xf32, #tpu.memory_space<vmem>>, vector<16xf32>,
          %mul3A_272 = vector.broadcast %squeeze3A_264 : f32 to vector<16xf32>
          %mul3A_273 = arith.mulf %mul3A_272, %get3A_271 : vector<16xf32>
          %add3A_274 = arith.addf %add3A_244, %mul3A_273 : vector<16xf32>
          %get3A_275 = arith.index_cast %add3A_268 : i32 to index
          %get3A_276 = arith.constant 16 : index
          %get3A_277 = tpu.vector_load %arg15[%get3A_275, %get3A_276] {strides = array<i32>} : memref<64x64xf32, #tpu.memory_space<vmem>>, vector<16xf32>,
          %mul3A_278 = vector.broadcast %squeeze3A_264 : f32 to vector<16xf32>
          %mul3A_279 = arith.mulf %mul3A_278, %get3A_277 : vector<16xf32>
          %add3A_280 = arith.addf %add3A_250, %mul3A_279 : vector<16xf32>
          %get3A_281 = arith.index_cast %add3A_268 : i32 to index
          %get3A_282 = arith.constant 32 : index
          %get3A_283 = tpu.vector_load %arg15[%get3A_281, %get3A_282] {strides = array<i32>} : memref<64x64xf32, #tpu.memory_space<vmem>>, vector<16xf32>,
          %mul3A_284 = vector.broadcast %squeeze3A_264 : f32 to vector<16xf32>
          %mul3A_285 = arith.mulf %mul3A_284, %get3A_283 : vector<16xf32>
          %add3A_286 = arith.addf %add3A_256, %mul3A_285 : vector<16xf32>
          %get3A_287 = arith.index_cast %add3A_268 : i32 to index
          %get3A_288 = arith.constant 48 : index
          %get3A_289 = tpu.vector_load %arg15[%get3A_287, %get3A_288] {strides = array<i32>} : memref<64x64xf32, #tpu.memory_space<vmem>>, vector<16xf32>,
          %mul3A_290 = vector.broadcast %squeeze3A_264 : f32 to vector<16xf32>
          %mul3A_291 = arith.mulf %mul3A_290, %get3A_289 : vector<16xf32>
          %add3A_292 = arith.addf %add3A_262, %mul3A_291 : vector<16xf32>
          %slice3A_293 = vector.extract_strided_slice %get3A_142 {offsets = [5], sizes = [1], strides = [1]} : vector<16xf32> to vector<1xf32>
          %squeeze3A_294 = vector.extract %slice3A_293[0] : f32 from vector<1xf32>
          %mul3A_295 = arith.constant 16 : i32
          %mul3A_296 = arith.muli %scan3A_135, %mul3A_295 : i32
          %add3A_297 = arith.constant 5 : i32
          %add3A_298 = arith.addi %mul3A_296, %add3A_297 : i32
          %get3A_299 = arith.index_cast %add3A_298 : i32 to index
          %get3A_300 = arith.constant 0 : index
          %get3A_301 = tpu.vector_load %arg15[%get3A_299, %get3A_300] {strides = array<i32>} : memref<64x64xf32, #tpu.memory_space<vmem>>, vector<16xf32>,
          %mul3A_302 = vector.broadcast %squeeze3A_294 : f32 to vector<16xf32>
          %mul3A_303 = arith.mulf %mul3A_302, %get3A_301 : vector<16xf32>
          %add3A_304 = arith.addf %add3A_274, %mul3A_303 : vector<16xf32>
          %get3A_305 = arith.index_cast %add3A_298 : i32 to index
          %get3A_306 = arith.constant 16 : index
          %get3A_307 = tpu.vector_load %arg15[%get3A_305, %get3A_306] {strides = array<i32>} : memref<64x64xf32, #tpu.memory_space<vmem>>, vector<16xf32>,
          %mul3A_308 = vector.broadcast %squeeze3A_294 : f32 to vector<16xf32>
          %mul3A_309 = arith.mulf %mul3A_308, %get3A_307 : vector<16xf32>
          %add3A_310 = arith.addf %add3A_280, %mul3A_309 : vector<16xf32>
          %get3A_311 = arith.index_cast %add3A_298 : i32 to index
          %get3A_312 = arith.constant 32 : index
          %get3A_313 = tpu.vector_load %arg15[%get3A_311, %get3A_312] {strides = array<i32>} : memref<64x64xf32, #tpu.memory_space<vmem>>, vector<16xf32>,
          %mul3A_314 = vector.broadcast %squeeze3A_294 : f32 to vector<16xf32>
          %mul3A_315 = arith.mulf %mul3A_314, %get3A_313 : vector<16xf32>
          %add3A_316 = arith.addf %add3A_286, %mul3A_315 : vector<16xf32>
          %get3A_317 = arith.index_cast %add3A_298 : i32 to index
          %get3A_318 = arith.constant 48 : index
          %get3A_319 = tpu.vector_load %arg15[%get3A_317, %get3A_318] {strides = array<i32>} : memref<64x64xf32, #tpu.memory_space<vmem>>, vector<16xf32>,
          %mul3A_320 = vector.broadcast %squeeze3A_294 : f32 to vector<16xf32>
          %mul3A_321 = arith.mulf %mul3A_320, %get3A_319 : vector<16xf32>
          %add3A_322 = arith.addf %add3A_292, %mul3A_321 : vector<16xf32>
          %slice3A_323 = vector.extract_strided_slice %get3A_142 {offsets = [6], sizes = [1], strides = [1]} : vector<16xf32> to vector<1xf32>
          %squeeze3A_324 = vector.extract %slice3A_323[0] : f32 from vector<1xf32>
          %mul3A_325 = arith.constant 16 : i32
          %mul3A_326 = arith.muli %scan3A_135, %mul3A_325 : i32
          %add3A_327 = arith.constant 6 : i32
          %add3A_328 = arith.addi %mul3A_326, %add3A_327 : i32
          %get3A_329 = arith.index_cast %add3A_328 : i32 to index
          %get3A_330 = arith.constant 0 : index
          %get3A_331 = tpu.vector_load %arg15[%get3A_329, %get3A_330] {strides = array<i32>} : memref<64x64xf32, #tpu.memory_space<vmem>>, vector<16xf32>,
          %mul3A_332 = vector.broadcast %squeeze3A_324 : f32 to vector<16xf32>
          %mul3A_333 = arith.mulf %mul3A_332, %get3A_331 : vector<16xf32>
          %add3A_334 = arith.addf %add3A_304, %mul3A_333 : vector<16xf32>
          %get3A_335 = arith.index_cast %add3A_328 : i32 to index
          %get3A_336 = arith.constant 16 : index
          %get3A_337 = tpu.vector_load %arg15[%get3A_335, %get3A_336] {strides = array<i32>} : memref<64x64xf32, #tpu.memory_space<vmem>>, vector<16xf32>,
          %mul3A_338 = vector.broadcast %squeeze3A_324 : f32 to vector<16xf32>
          %mul3A_339 = arith.mulf %mul3A_338, %get3A_337 : vector<16xf32>
          %add3A_340 = arith.addf %add3A_310, %mul3A_339 : vector<16xf32>
          %get3A_341 = arith.index_cast %add3A_328 : i32 to index
          %get3A_342 = arith.constant 32 : index
          %get3A_343 = tpu.vector_load %arg15[%get3A_341, %get3A_342] {strides = array<i32>} : memref<64x64xf32, #tpu.memory_space<vmem>>, vector<16xf32>,
          %mul3A_344 = vector.broadcast %squeeze3A_324 : f32 to vector<16xf32>
          %mul3A_345 = arith.mulf %mul3A_344, %get3A_343 : vector<16xf32>
          %add3A_346 = arith.addf %add3A_316, %mul3A_345 : vector<16xf32>
          %get3A_347 = arith.index_cast %add3A_328 : i32 to index
          %get3A_348 = arith.constant 48 : index
          %get3A_349 = tpu.vector_load %arg15[%get3A_347, %get3A_348] {strides = array<i32>} : memref<64x64xf32, #tpu.memory_space<vmem>>, vector<16xf32>,
          %mul3A_350 = vector.broadcast %squeeze3A_324 : f32 to vector<16xf32>
          %mul3A_351 = arith.mulf %mul3A_350, %get3A_349 : vector<16xf32>
          %add3A_352 = arith.addf %add3A_322, %mul3A_351 : vector<16xf32>
          %slice3A_353 = vector.extract_strided_slice %get3A_142 {offsets = [7], sizes = [1], strides = [1]} : vector<16xf32> to vector<1xf32>
          %squeeze3A_354 = vector.extract %slice3A_353[0] : f32 from vector<1xf32>
          %mul3A_355 = arith.constant 16 : i32
          %mul3A_356 = arith.muli %scan3A_135, %mul3A_355 : i32
          %add3A_357 = arith.constant 7 : i32
          %add3A_358 = arith.addi %mul3A_356, %add3A_357 : i32
          %get3A_359 = arith.index_cast %add3A_358 : i32 to index
          %get3A_360 = arith.constant 0 : index
          %get3A_361 = tpu.vector_load %arg15[%get3A_359, %get3A_360] {strides = array<i32>} : memref<64x64xf32, #tpu.memory_space<vmem>>, vector<16xf32>,
          %mul3A_362 = vector.broadcast %squeeze3A_354 : f32 to vector<16xf32>
          %mul3A_363 = arith.mulf %mul3A_362, %get3A_361 : vector<16xf32>
          %add3A_364 = arith.addf %add3A_334, %mul3A_363 : vector<16xf32>
          %get3A_365 = arith.index_cast %add3A_358 : i32 to index
          %get3A_366 = arith.constant 16 : index
          %get3A_367 = tpu.vector_load %arg15[%get3A_365, %get3A_366] {strides = array<i32>} : memref<64x64xf32, #tpu.memory_space<vmem>>, vector<16xf32>,
          %mul3A_368 = vector.broadcast %squeeze3A_354 : f32 to vector<16xf32>
          %mul3A_369 = arith.mulf %mul3A_368, %get3A_367 : vector<16xf32>
          %add3A_370 = arith.addf %add3A_340, %mul3A_369 : vector<16xf32>
          %get3A_371 = arith.index_cast %add3A_358 : i32 to index
          %get3A_372 = arith.constant 32 : index
          %get3A_373 = tpu.vector_load %arg15[%get3A_371, %get3A_372] {strides = array<i32>} : memref<64x64xf32, #tpu.memory_space<vmem>>, vector<16xf32>,
          %mul3A_374 = vector.broadcast %squeeze3A_354 : f32 to vector<16xf32>
          %mul3A_375 = arith.mulf %mul3A_374, %get3A_373 : vector<16xf32>
          %add3A_376 = arith.addf %add3A_346, %mul3A_375 : vector<16xf32>
          %get3A_377 = arith.index_cast %add3A_358 : i32 to index
          %get3A_378 = arith.constant 48 : index
          %get3A_379 = tpu.vector_load %arg15[%get3A_377, %get3A_378] {strides = array<i32>} : memref<64x64xf32, #tpu.memory_space<vmem>>, vector<16xf32>,
          %mul3A_380 = vector.broadcast %squeeze3A_354 : f32 to vector<16xf32>
          %mul3A_381 = arith.mulf %mul3A_380, %get3A_379 : vector<16xf32>
          %add3A_382 = arith.addf %add3A_352, %mul3A_381 : vector<16xf32>
          %slice3A_383 = vector.extract_strided_slice %get3A_142 {offsets = [8], sizes = [1], strides = [1]} : vector<16xf32> to vector<1xf32>
          %squeeze3A_384 = vector.extract %slice3A_383[0] : f32 from vector<1xf32>
          %mul3A_385 = arith.constant 16 : i32
          %mul3A_386 = arith.muli %scan3A_135, %mul3A_385 : i32
          %add3A_387 = arith.constant 8 : i32
          %add3A_388 = arith.addi %mul3A_386, %add3A_387 : i32
          %get3A_389 = arith.index_cast %add3A_388 : i32 to index
          %get3A_390 = arith.constant 0 : index
          %get3A_391 = tpu.vector_load %arg15[%get3A_389, %get3A_390] {strides = array<i32>} : memref<64x64xf32, #tpu.memory_space<vmem>>, vector<16xf32>,
          %mul3A_392 = vector.broadcast %squeeze3A_384 : f32 to vector<16xf32>
          %mul3A_393 = arith.mulf %mul3A_392, %get3A_391 : vector<16xf32>
          %add3A_394 = arith.addf %add3A_364, %mul3A_393 : vector<16xf32>
          %get3A_395 = arith.index_cast %add3A_388 : i32 to index
          %get3A_396 = arith.constant 16 : index
          %get3A_397 = tpu.vector_load %arg15[%get3A_395, %get3A_396] {strides = array<i32>} : memref<64x64xf32, #tpu.memory_space<vmem>>, vector<16xf32>,
          %mul3A_398 = vector.broadcast %squeeze3A_384 : f32 to vector<16xf32>
          %mul3A_399 = arith.mulf %mul3A_398, %get3A_397 : vector<16xf32>
          %add3A_400 = arith.addf %add3A_370, %mul3A_399 : vector<16xf32>
          %get3A_401 = arith.index_cast %add3A_388 : i32 to index
          %get3A_402 = arith.constant 32 : index
          %get3A_403 = tpu.vector_load %arg15[%get3A_401, %get3A_402] {strides = array<i32>} : memref<64x64xf32, #tpu.memory_space<vmem>>, vector<16xf32>,
          %mul3A_404 = vector.broadcast %squeeze3A_384 : f32 to vector<16xf32>
          %mul3A_405 = arith.mulf %mul3A_404, %get3A_403 : vector<16xf32>
          %add3A_406 = arith.addf %add3A_376, %mul3A_405 : vector<16xf32>
          %get3A_407 = arith.index_cast %add3A_388 : i32 to index
          %get3A_408 = arith.constant 48 : index
          %get3A_409 = tpu.vector_load %arg15[%get3A_407, %get3A_408] {strides = array<i32>} : memref<64x64xf32, #tpu.memory_space<vmem>>, vector<16xf32>,
          %mul3A_410 = vector.broadcast %squeeze3A_384 : f32 to vector<16xf32>
          %mul3A_411 = arith.mulf %mul3A_410, %get3A_409 : vector<16xf32>
          %add3A_412 = arith.addf %add3A_382, %mul3A_411 : vector<16xf32>
          %slice3A_413 = vector.extract_strided_slice %get3A_142 {offsets = [9], sizes = [1], strides = [1]} : vector<16xf32> to vector<1xf32>
          %squeeze3A_414 = vector.extract %slice3A_413[0] : f32 from vector<1xf32>
          %mul3A_415 = arith.constant 16 : i32
          %mul3A_416 = arith.muli %scan3A_135, %mul3A_415 : i32
          %add3A_417 = arith.constant 9 : i32
          %add3A_418 = arith.addi %mul3A_416, %add3A_417 : i32
          %get3A_419 = arith.index_cast %add3A_418 : i32 to index
          %get3A_420 = arith.constant 0 : index
          %get3A_421 = tpu.vector_load %arg15[%get3A_419, %get3A_420] {strides = array<i32>} : memref<64x64xf32, #tpu.memory_space<vmem>>, vector<16xf32>,
          %mul3A_422 = vector.broadcast %squeeze3A_414 : f32 to vector<16xf32>
          %mul3A_423 = arith.mulf %mul3A_422, %get3A_421 : vector<16xf32>
          %add3A_424 = arith.addf %add3A_394, %mul3A_423 : vector<16xf32>
          %get3A_425 = arith.index_cast %add3A_418 : i32 to index
          %get3A_426 = arith.constant 16 : index
          %get3A_427 = tpu.vector_load %arg15[%get3A_425, %get3A_426] {strides = array<i32>} : memref<64x64xf32, #tpu.memory_space<vmem>>, vector<16xf32>,
          %mul3A_428 = vector.broadcast %squeeze3A_414 : f32 to vector<16xf32>
          %mul3A_429 = arith.mulf %mul3A_428, %get3A_427 : vector<16xf32>
          %add3A_430 = arith.addf %add3A_400, %mul3A_429 : vector<16xf32>
          %get3A_431 = arith.index_cast %add3A_418 : i32 to index
          %get3A_432 = arith.constant 32 : index
          %get3A_433 = tpu.vector_load %arg15[%get3A_431, %get3A_432] {strides = array<i32>} : memref<64x64xf32, #tpu.memory_space<vmem>>, vector<16xf32>,
          %mul3A_434 = vector.broadcast %squeeze3A_414 : f32 to vector<16xf32>
          %mul3A_435 = arith.mulf %mul3A_434, %get3A_433 : vector<16xf32>
          %add3A_436 = arith.addf %add3A_406, %mul3A_435 : vector<16xf32>
          %get3A_437 = arith.index_cast %add3A_418 : i32 to index
          %get3A_438 = arith.constant 48 : index
          %get3A_439 = tpu.vector_load %arg15[%get3A_437, %get3A_438] {strides = array<i32>} : memref<64x64xf32, #tpu.memory_space<vmem>>, vector<16xf32>,
          %mul3A_440 = vector.broadcast %squeeze3A_414 : f32 to vector<16xf32>
          %mul3A_441 = arith.mulf %mul3A_440, %get3A_439 : vector<16xf32>
          %add3A_442 = arith.addf %add3A_412, %mul3A_441 : vector<16xf32>
          %slice3A_443 = vector.extract_strided_slice %get3A_142 {offsets = [10], sizes = [1], strides = [1]} : vector<16xf32> to vector<1xf32>
          %squeeze3A_444 = vector.extract %slice3A_443[0] : f32 from vector<1xf32>
          %mul3A_445 = arith.constant 16 : i32
          %mul3A_446 = arith.muli %scan3A_135, %mul3A_445 : i32
          %add3A_447 = arith.constant 10 : i32
          %add3A_448 = arith.addi %mul3A_446, %add3A_447 : i32
          %get3A_449 = arith.index_cast %add3A_448 : i32 to index
          %get3A_450 = arith.constant 0 : index
          %get3A_451 = tpu.vector_load %arg15[%get3A_449, %get3A_450] {strides = array<i32>} : memref<64x64xf32, #tpu.memory_space<vmem>>, vector<16xf32>,
          %mul3A_452 = vector.broadcast %squeeze3A_444 : f32 to vector<16xf32>
          %mul3A_453 = arith.mulf %mul3A_452, %get3A_451 : vector<16xf32>
          %add3A_454 = arith.addf %add3A_424, %mul3A_453 : vector<16xf32>
          %get3A_455 = arith.index_cast %add3A_448 : i32 to index
          %get3A_456 = arith.constant 16 : index
          %get3A_457 = tpu.vector_load %arg15[%get3A_455, %get3A_456] {strides = array<i32>} : memref<64x64xf32, #tpu.memory_space<vmem>>, vector<16xf32>,
          %mul3A_458 = vector.broadcast %squeeze3A_444 : f32 to vector<16xf32>
          %mul3A_459 = arith.mulf %mul3A_458, %get3A_457 : vector<16xf32>
          %add3A_460 = arith.addf %add3A_430, %mul3A_459 : vector<16xf32>
          %get3A_461 = arith.index_cast %add3A_448 : i32 to index
          %get3A_462 = arith.constant 32 : index
          %get3A_463 = tpu.vector_load %arg15[%get3A_461, %get3A_462] {strides = array<i32>} : memref<64x64xf32, #tpu.memory_space<vmem>>, vector<16xf32>,
          %mul3A_464 = vector.broadcast %squeeze3A_444 : f32 to vector<16xf32>
          %mul3A_465 = arith.mulf %mul3A_464, %get3A_463 : vector<16xf32>
          %add3A_466 = arith.addf %add3A_436, %mul3A_465 : vector<16xf32>
          %get3A_467 = arith.index_cast %add3A_448 : i32 to index
          %get3A_468 = arith.constant 48 : index
          %get3A_469 = tpu.vector_load %arg15[%get3A_467, %get3A_468] {strides = array<i32>} : memref<64x64xf32, #tpu.memory_space<vmem>>, vector<16xf32>,
          %mul3A_470 = vector.broadcast %squeeze3A_444 : f32 to vector<16xf32>
          %mul3A_471 = arith.mulf %mul3A_470, %get3A_469 : vector<16xf32>
          %add3A_472 = arith.addf %add3A_442, %mul3A_471 : vector<16xf32>
          %slice3A_473 = vector.extract_strided_slice %get3A_142 {offsets = [11], sizes = [1], strides = [1]} : vector<16xf32> to vector<1xf32>
          %squeeze3A_474 = vector.extract %slice3A_473[0] : f32 from vector<1xf32>
          %mul3A_475 = arith.constant 16 : i32
          %mul3A_476 = arith.muli %scan3A_135, %mul3A_475 : i32
          %add3A_477 = arith.constant 11 : i32
          %add3A_478 = arith.addi %mul3A_476, %add3A_477 : i32
          %get3A_479 = arith.index_cast %add3A_478 : i32 to index
          %get3A_480 = arith.constant 0 : index
          %get3A_481 = tpu.vector_load %arg15[%get3A_479, %get3A_480] {strides = array<i32>} : memref<64x64xf32, #tpu.memory_space<vmem>>, vector<16xf32>,
          %mul3A_482 = vector.broadcast %squeeze3A_474 : f32 to vector<16xf32>
          %mul3A_483 = arith.mulf %mul3A_482, %get3A_481 : vector<16xf32>
          %add3A_484 = arith.addf %add3A_454, %mul3A_483 : vector<16xf32>
          %get3A_485 = arith.index_cast %add3A_478 : i32 to index
          %get3A_486 = arith.constant 16 : index
          %get3A_487 = tpu.vector_load %arg15[%get3A_485, %get3A_486] {strides = array<i32>} : memref<64x64xf32, #tpu.memory_space<vmem>>, vector<16xf32>,
          %mul3A_488 = vector.broadcast %squeeze3A_474 : f32 to vector<16xf32>
          %mul3A_489 = arith.mulf %mul3A_488, %get3A_487 : vector<16xf32>
          %add3A_490 = arith.addf %add3A_460, %mul3A_489 : vector<16xf32>
          %get3A_491 = arith.index_cast %add3A_478 : i32 to index
          %get3A_492 = arith.constant 32 : index
          %get3A_493 = tpu.vector_load %arg15[%get3A_491, %get3A_492] {strides = array<i32>} : memref<64x64xf32, #tpu.memory_space<vmem>>, vector<16xf32>,
          %mul3A_494 = vector.broadcast %squeeze3A_474 : f32 to vector<16xf32>
          %mul3A_495 = arith.mulf %mul3A_494, %get3A_493 : vector<16xf32>
          %add3A_496 = arith.addf %add3A_466, %mul3A_495 : vector<16xf32>
          %get3A_497 = arith.index_cast %add3A_478 : i32 to index
          %get3A_498 = arith.constant 48 : index
          %get3A_499 = tpu.vector_load %arg15[%get3A_497, %get3A_498] {strides = array<i32>} : memref<64x64xf32, #tpu.memory_space<vmem>>, vector<16xf32>,
          %mul3A_500 = vector.broadcast %squeeze3A_474 : f32 to vector<16xf32>
          %mul3A_501 = arith.mulf %mul3A_500, %get3A_499 : vector<16xf32>
          %add3A_502 = arith.addf %add3A_472, %mul3A_501 : vector<16xf32>
          %slice3A_503 = vector.extract_strided_slice %get3A_142 {offsets = [12], sizes = [1], strides = [1]} : vector<16xf32> to vector<1xf32>
          %squeeze3A_504 = vector.extract %slice3A_503[0] : f32 from vector<1xf32>
          %mul3A_505 = arith.constant 16 : i32
          %mul3A_506 = arith.muli %scan3A_135, %mul3A_505 : i32
          %add3A_507 = arith.constant 12 : i32
          %add3A_508 = arith.addi %mul3A_506, %add3A_507 : i32
          %get3A_509 = arith.index_cast %add3A_508 : i32 to index
          %get3A_510 = arith.constant 0 : index
          %get3A_511 = tpu.vector_load %arg15[%get3A_509, %get3A_510] {strides = array<i32>} : memref<64x64xf32, #tpu.memory_space<vmem>>, vector<16xf32>,
          %mul3A_512 = vector.broadcast %squeeze3A_504 : f32 to vector<16xf32>
          %mul3A_513 = arith.mulf %mul3A_512, %get3A_511 : vector<16xf32>
          %add3A_514 = arith.addf %add3A_484, %mul3A_513 : vector<16xf32>
          %get3A_515 = arith.index_cast %add3A_508 : i32 to index
          %get3A_516 = arith.constant 16 : index
          %get3A_517 = tpu.vector_load %arg15[%get3A_515, %get3A_516] {strides = array<i32>} : memref<64x64xf32, #tpu.memory_space<vmem>>, vector<16xf32>,
          %mul3A_518 = vector.broadcast %squeeze3A_504 : f32 to vector<16xf32>
          %mul3A_519 = arith.mulf %mul3A_518, %get3A_517 : vector<16xf32>
          %add3A_520 = arith.addf %add3A_490, %mul3A_519 : vector<16xf32>
          %get3A_521 = arith.index_cast %add3A_508 : i32 to index
          %get3A_522 = arith.constant 32 : index
          %get3A_523 = tpu.vector_load %arg15[%get3A_521, %get3A_522] {strides = array<i32>} : memref<64x64xf32, #tpu.memory_space<vmem>>, vector<16xf32>,
          %mul3A_524 = vector.broadcast %squeeze3A_504 : f32 to vector<16xf32>
          %mul3A_525 = arith.mulf %mul3A_524, %get3A_523 : vector<16xf32>
          %add3A_526 = arith.addf %add3A_496, %mul3A_525 : vector<16xf32>
          %get3A_527 = arith.index_cast %add3A_508 : i32 to index
          %get3A_528 = arith.constant 48 : index
          %get3A_529 = tpu.vector_load %arg15[%get3A_527, %get3A_528] {strides = array<i32>} : memref<64x64xf32, #tpu.memory_space<vmem>>, vector<16xf32>,
          %mul3A_530 = vector.broadcast %squeeze3A_504 : f32 to vector<16xf32>
          %mul3A_531 = arith.mulf %mul3A_530, %get3A_529 : vector<16xf32>
          %add3A_532 = arith.addf %add3A_502, %mul3A_531 : vector<16xf32>
          %slice3A_533 = vector.extract_strided_slice %get3A_142 {offsets = [13], sizes = [1], strides = [1]} : vector<16xf32> to vector<1xf32>
          %squeeze3A_534 = vector.extract %slice3A_533[0] : f32 from vector<1xf32>
          %mul3A_535 = arith.constant 16 : i32
          %mul3A_536 = arith.muli %scan3A_135, %mul3A_535 : i32
          %add3A_537 = arith.constant 13 : i32
          %add3A_538 = arith.addi %mul3A_536, %add3A_537 : i32
          %get3A_539 = arith.index_cast %add3A_538 : i32 to index
          %get3A_540 = arith.constant 0 : index
          %get3A_541 = tpu.vector_load %arg15[%get3A_539, %get3A_540] {strides = array<i32>} : memref<64x64xf32, #tpu.memory_space<vmem>>, vector<16xf32>,
          %mul3A_542 = vector.broadcast %squeeze3A_534 : f32 to vector<16xf32>
          %mul3A_543 = arith.mulf %mul3A_542, %get3A_541 : vector<16xf32>
          %add3A_544 = arith.addf %add3A_514, %mul3A_543 : vector<16xf32>
          %get3A_545 = arith.index_cast %add3A_538 : i32 to index
          %get3A_546 = arith.constant 16 : index
          %get3A_547 = tpu.vector_load %arg15[%get3A_545, %get3A_546] {strides = array<i32>} : memref<64x64xf32, #tpu.memory_space<vmem>>, vector<16xf32>,
          %mul3A_548 = vector.broadcast %squeeze3A_534 : f32 to vector<16xf32>
          %mul3A_549 = arith.mulf %mul3A_548, %get3A_547 : vector<16xf32>
          %add3A_550 = arith.addf %add3A_520, %mul3A_549 : vector<16xf32>
          %get3A_551 = arith.index_cast %add3A_538 : i32 to index
          %get3A_552 = arith.constant 32 : index
          %get3A_553 = tpu.vector_load %arg15[%get3A_551, %get3A_552] {strides = array<i32>} : memref<64x64xf32, #tpu.memory_space<vmem>>, vector<16xf32>,
          %mul3A_554 = vector.broadcast %squeeze3A_534 : f32 to vector<16xf32>
          %mul3A_555 = arith.mulf %mul3A_554, %get3A_553 : vector<16xf32>
          %add3A_556 = arith.addf %add3A_526, %mul3A_555 : vector<16xf32>
          %get3A_557 = arith.index_cast %add3A_538 : i32 to index
          %get3A_558 = arith.constant 48 : index
          %get3A_559 = tpu.vector_load %arg15[%get3A_557, %get3A_558] {strides = array<i32>} : memref<64x64xf32, #tpu.memory_space<vmem>>, vector<16xf32>,
          %mul3A_560 = vector.broadcast %squeeze3A_534 : f32 to vector<16xf32>
          %mul3A_561 = arith.mulf %mul3A_560, %get3A_559 : vector<16xf32>
          %add3A_562 = arith.addf %add3A_532, %mul3A_561 : vector<16xf32>
          %slice3A_563 = vector.extract_strided_slice %get3A_142 {offsets = [14], sizes = [1], strides = [1]} : vector<16xf32> to vector<1xf32>
          %squeeze3A_564 = vector.extract %slice3A_563[0] : f32 from vector<1xf32>
          %mul3A_565 = arith.constant 16 : i32
          %mul3A_566 = arith.muli %scan3A_135, %mul3A_565 : i32
          %add3A_567 = arith.constant 14 : i32
          %add3A_568 = arith.addi %mul3A_566, %add3A_567 : i32
          %get3A_569 = arith.index_cast %add3A_568 : i32 to index
          %get3A_570 = arith.constant 0 : index
          %get3A_571 = tpu.vector_load %arg15[%get3A_569, %get3A_570] {strides = array<i32>} : memref<64x64xf32, #tpu.memory_space<vmem>>, vector<16xf32>,
          %mul3A_572 = vector.broadcast %squeeze3A_564 : f32 to vector<16xf32>
          %mul3A_573 = arith.mulf %mul3A_572, %get3A_571 : vector<16xf32>
          %add3A_574 = arith.addf %add3A_544, %mul3A_573 : vector<16xf32>
          %get3A_575 = arith.index_cast %add3A_568 : i32 to index
          %get3A_576 = arith.constant 16 : index
          %get3A_577 = tpu.vector_load %arg15[%get3A_575, %get3A_576] {strides = array<i32>} : memref<64x64xf32, #tpu.memory_space<vmem>>, vector<16xf32>,
          %mul3A_578 = vector.broadcast %squeeze3A_564 : f32 to vector<16xf32>
          %mul3A_579 = arith.mulf %mul3A_578, %get3A_577 : vector<16xf32>
          %add3A_580 = arith.addf %add3A_550, %mul3A_579 : vector<16xf32>
          %get3A_581 = arith.index_cast %add3A_568 : i32 to index
          %get3A_582 = arith.constant 32 : index
          %get3A_583 = tpu.vector_load %arg15[%get3A_581, %get3A_582] {strides = array<i32>} : memref<64x64xf32, #tpu.memory_space<vmem>>, vector<16xf32>,
          %mul3A_584 = vector.broadcast %squeeze3A_564 : f32 to vector<16xf32>
          %mul3A_585 = arith.mulf %mul3A_584, %get3A_583 : vector<16xf32>
          %add3A_586 = arith.addf %add3A_556, %mul3A_585 : vector<16xf32>
          %get3A_587 = arith.index_cast %add3A_568 : i32 to index
          %get3A_588 = arith.constant 48 : index
          %get3A_589 = tpu.vector_load %arg15[%get3A_587, %get3A_588] {strides = array<i32>} : memref<64x64xf32, #tpu.memory_space<vmem>>, vector<16xf32>,
          %mul3A_590 = vector.broadcast %squeeze3A_564 : f32 to vector<16xf32>
          %mul3A_591 = arith.mulf %mul3A_590, %get3A_589 : vector<16xf32>
          %add3A_592 = arith.addf %add3A_562, %mul3A_591 : vector<16xf32>
          %slice3A_593 = vector.extract_strided_slice %get3A_142 {offsets = [15], sizes = [1], strides = [1]} : vector<16xf32> to vector<1xf32>
          %squeeze3A_594 = vector.extract %slice3A_593[0] : f32 from vector<1xf32>
          %mul3A_595 = arith.constant 16 : i32
          %mul3A_596 = arith.muli %scan3A_135, %mul3A_595 : i32
          %add3A_597 = arith.constant 15 : i32
          %add3A_598 = arith.addi %mul3A_596, %add3A_597 : i32
          %get3A_599 = arith.index_cast %add3A_598 : i32 to index
          %get3A_600 = arith.constant 0 : index
          %get3A_601 = tpu.vector_load %arg15[%get3A_599, %get3A_600] {strides = array<i32>} : memref<64x64xf32, #tpu.memory_space<vmem>>, vector<16xf32>,
          %mul3A_602 = vector.broadcast %squeeze3A_594 : f32 to vector<16xf32>
          %mul3A_603 = arith.mulf %mul3A_602, %get3A_601 : vector<16xf32>
          %add3A_604 = arith.addf %add3A_574, %mul3A_603 : vector<16xf32>
          %get3A_605 = arith.index_cast %add3A_598 : i32 to index
          %get3A_606 = arith.constant 16 : index
          %get3A_607 = tpu.vector_load %arg15[%get3A_605, %get3A_606] {strides = array<i32>} : memref<64x64xf32, #tpu.memory_space<vmem>>, vector<16xf32>,
          %mul3A_608 = vector.broadcast %squeeze3A_594 : f32 to vector<16xf32>
          %mul3A_609 = arith.mulf %mul3A_608, %get3A_607 : vector<16xf32>
          %add3A_610 = arith.addf %add3A_580, %mul3A_609 : vector<16xf32>
          %get3A_611 = arith.index_cast %add3A_598 : i32 to index
          %get3A_612 = arith.constant 32 : index
          %get3A_613 = tpu.vector_load %arg15[%get3A_611, %get3A_612] {strides = array<i32>} : memref<64x64xf32, #tpu.memory_space<vmem>>, vector<16xf32>,
          %mul3A_614 = vector.broadcast %squeeze3A_594 : f32 to vector<16xf32>
          %mul3A_615 = arith.mulf %mul3A_614, %get3A_613 : vector<16xf32>
          %add3A_616 = arith.addf %add3A_586, %mul3A_615 : vector<16xf32>
          %get3A_617 = arith.index_cast %add3A_598 : i32 to index
          %get3A_618 = arith.constant 48 : index
          %get3A_619 = tpu.vector_load %arg15[%get3A_617, %get3A_618] {strides = array<i32>} : memref<64x64xf32, #tpu.memory_space<vmem>>, vector<16xf32>,
          %mul3A_620 = vector.broadcast %squeeze3A_594 : f32 to vector<16xf32>
          %mul3A_621 = arith.mulf %mul3A_620, %get3A_619 : vector<16xf32>
          %add3A_622 = arith.addf %add3A_592, %mul3A_621 : vector<16xf32>
          scf.yield %add3A_604, %add3A_610, %add3A_616, %add3A_622 : vector<16xf32>, vector<16xf32>, vector<16xf32>, vector<16xf32>
        }
        %scan3A_126 = arith.constant 4 : i32
        %swap3A_127 = arith.constant 0 : index
        %swap3A_128 = tpu.vector_load %arg17[%swap3A_127] {strides = array<i32>} : memref<64xf32, #tpu.memory_space<vmem>>, vector<16xf32>,
        tpu.vector_store %arg17[%swap3A_127], %scan3A_125#0 {strides = array<i32>} : memref<64xf32, #tpu.memory_space<vmem>>, vector<16xf32>,
        %swap3A_129 = arith.constant 16 : index
        %swap3A_130 = tpu.vector_load %arg17[%swap3A_129] {strides = array<i32>} : memref<64xf32, #tpu.memory_space<vmem>>, vector<16xf32>,
        tpu.vector_store %arg17[%swap3A_129], %scan3A_125#1 {strides = array<i32>} : memref<64xf32, #tpu.memory_space<vmem>>, vector<16xf32>,
        %swap3A_131 = arith.constant 32 : index
        %swap3A_132 = tpu.vector_load %arg17[%swap3A_131] {strides = array<i32>} : memref<64xf32, #tpu.memory_space<vmem>>, vector<16xf32>,
        tpu.vector_store %arg17[%swap3A_131], %scan3A_125#2 {strides = array<i32>} : memref<64xf32, #tpu.memory_space<vmem>>, vector<16xf32>,
        %swap3A_133 = arith.constant 48 : index
        %swap3A_134 = tpu.vector_load %arg17[%swap3A_133] {strides = array<i32>} : memref<64xf32, #tpu.memory_space<vmem>>, vector<16xf32>,
        tpu.vector_store %arg17[%swap3A_133], %scan3A_125#3 {strides = array<i32>} : memref<64xf32, #tpu.memory_space<vmem>>, vector<16xf32>,
      } else {
      }
      "tpu.region"() ({
        %run_scoped3A = tpu.sem_alloc : memref<!tpu.dma_semaphore, #tpu.memory_space<semaphore_mem>>
        tpu.enqueue_dma source(%arg17 : memref<64xf32, #tpu.memory_space<vmem>>) target(%arg9 : memref<64xf32, #tpu.memory_space<hbm>>) target_semaphore(%run_scoped3A : memref<!tpu.dma_semaphore, #tpu.memory_space<semaphore_mem>>)
        tpu.wait_dma2 semaphore(%run_scoped3A : memref<!tpu.dma_semaphore, #tpu.memory_space<semaphore_mem>>) src(%arg17 : memref<64xf32, #tpu.memory_space<vmem>>) dst(%arg9 : memref<64xf32, #tpu.memory_space<hbm>>)
        tpu.yield
      }) : () -> ()
    } else {
    }
    %eq3A_2 = arith.constant 1 : i32
    %eq3A_3 = arith.cmpi eq, %arg1, %eq3A_2 : i32
    %convert_element_type3A_4 = arith.extui %eq3A_3 : i1 to i32
    %cond3A_5 = arith.constant 0 : i32
    %cond3A_6 = arith.cmpi ne, %convert_element_type3A_4, %cond3A_5 : i32
    scf.if %cond3A_6 {
      tpu.enqueue_dma source(%arg7 : memref<64x64xf32, #tpu.memory_space<hbm>>) target(%arg14 : memref<64x64xf32, #tpu.memory_space<vmem>>) target_semaphore(%arg18 : memref<!tpu.dma_semaphore, #tpu.memory_space<semaphore_mem>>)
      "tpu.region"() ({
        %run_scoped3A = tpu.sem_alloc : memref<!tpu.dma_semaphore, #tpu.memory_space<semaphore_mem>>
        tpu.enqueue_dma source(%arg5 : memref<1xi32, #tpu.memory_space<hbm>>) target(%arg11 : memref<1xi32, #tpu.memory_space<vmem>>) target_semaphore(%run_scoped3A : memref<!tpu.dma_semaphore, #tpu.memory_space<semaphore_mem>>)
        tpu.wait_dma2 semaphore(%run_scoped3A : memref<!tpu.dma_semaphore, #tpu.memory_space<semaphore_mem>>) src(%arg5 : memref<1xi32, #tpu.memory_space<hbm>>) dst(%arg11 : memref<1xi32, #tpu.memory_space<vmem>>)
        tpu.yield
      }) : () -> ()
      %broadcast_in_dim3A = arith.constant 0 : i32
      %broadcast_in_dim3A_7 = vector.broadcast %broadcast_in_dim3A : i32 to vector<16xi32>
      %gather3A = tpu.vector_load_idx %arg11[%broadcast_in_dim3A_7] : memref<1xi32, #tpu.memory_space<vmem>>[vector<16xi32>], vector<16xi32>,
      %slice3A = vector.extract_strided_slice %gather3A {offsets = [0], sizes = [1], strides = [1]} : vector<16xi32> to vector<1xi32>
      %squeeze3A = vector.extract %slice3A[0] : i32 from vector<1xi32>
      %lt3A = arith.constant 0 : i32
      %lt3A_8 = arith.cmpi slt, %squeeze3A, %lt3A : i32
      %neg3A = arith.constant 0 : i32
      %neg3A_9 = arith.subi %neg3A, %squeeze3A : i32
      %select_n3A = arith.select %lt3A_8, %neg3A_9, %squeeze3A : i32
      %sub3A = arith.constant 1 : i32
      %sub3A_10 = arith.subi %select_n3A, %sub3A : i32
      %lt3A_11 = arith.constant 0 : i32
      %lt3A_12 = arith.cmpi slt, %sub3A_10, %lt3A_11 : i32
      %add3A = arith.constant 16384 : i32
      %add3A_13 = arith.addi %sub3A_10, %add3A : i32
      %select_n3A_14 = arith.select %lt3A_12, %add3A_13, %sub3A_10 : i32
      %shift_right_arithmetic3A = arith.constant 4 : i32
      %shift_right_arithmetic3A_15 = arith.shrsi %select_n3A_14, %shift_right_arithmetic3A : i32
      %shift_left3A = arith.constant 4 : i32
      %shift_left3A_16 = arith.shli %shift_right_arithmetic3A_15, %shift_left3A : i32
      %multiple_of3A = tpu.assume_multiple %shift_left3A_16, 16 : i32
      "tpu.region"() ({
        %run_scoped3A = tpu.sem_alloc : memref<!tpu.dma_semaphore, #tpu.memory_space<semaphore_mem>>
        %dma_start3A = tpu.memref_slice %arg3[%multiple_of3A] : memref<16384xi32, #tpu.memory_space<hbm>> -> memref<16xi32, #tpu.memory_space<hbm>>
        %dma_start3A_119 = tpu.memref_slice %arg3[%multiple_of3A] : memref<16384xi32, #tpu.memory_space<hbm>> -> memref<16xi32, #tpu.memory_space<hbm>>
        tpu.enqueue_dma source(%dma_start3A_119 : memref<16xi32, #tpu.memory_space<hbm>>) target(%arg12 : memref<16xi32, #tpu.memory_space<vmem>>) target_semaphore(%run_scoped3A : memref<!tpu.dma_semaphore, #tpu.memory_space<semaphore_mem>>)
        %dma_wait3A = tpu.memref_slice %arg3[%multiple_of3A] : memref<16384xi32, #tpu.memory_space<hbm>> -> memref<16xi32, #tpu.memory_space<hbm>>
        %dma_wait3A_120 = tpu.memref_slice %arg3[%multiple_of3A] : memref<16384xi32, #tpu.memory_space<hbm>> -> memref<16xi32, #tpu.memory_space<hbm>>
        tpu.wait_dma2 semaphore(%run_scoped3A : memref<!tpu.dma_semaphore, #tpu.memory_space<semaphore_mem>>) src(%dma_wait3A_120 : memref<16xi32, #tpu.memory_space<hbm>>) dst(%arg12 : memref<16xi32, #tpu.memory_space<vmem>>)
        tpu.yield
      }) : () -> ()
      %sub3A_17 = arith.subi %select_n3A_14, %multiple_of3A : i32
      %broadcast_in_dim3A_18 = vector.broadcast %sub3A_17 : i32 to vector<16xi32>
      %gather3A_19 = tpu.vector_load_idx %arg12[%broadcast_in_dim3A_18] : memref<16xi32, #tpu.memory_space<vmem>>[vector<16xi32>], vector<16xi32>,
      %slice3A_20 = vector.extract_strided_slice %gather3A_19 {offsets = [0], sizes = [1], strides = [1]} : vector<16xi32> to vector<1xi32>
      %squeeze3A_21 = vector.extract %slice3A_20[0] : i32 from vector<1xi32>
      %shift_right_arithmetic3A_22 = arith.constant 7 : i32
      %shift_right_arithmetic3A_23 = arith.shrsi %squeeze3A_21, %shift_right_arithmetic3A_22 : i32
      %shift_left3A_24 = arith.constant 7 : i32
      %shift_left3A_25 = arith.shli %shift_right_arithmetic3A_23, %shift_left3A_24 : i32
      %multiple_of3A_26 = tpu.assume_multiple %shift_left3A_25, 128 : i32
      "tpu.region"() ({
        %run_scoped3A = tpu.sem_alloc : memref<!tpu.dma_semaphore, #tpu.memory_space<semaphore_mem>>
        %dma_start3A = arith.constant 0 : i32
        %dma_start3A_119 = tpu.memref_slice %arg6[%dma_start3A, %multiple_of3A_26] : memref<64x1000000xf32, #tpu.memory_space<hbm>> -> memref<64x128xf32, #tpu.memory_space<hbm>>
        %dma_start3A_120 = arith.constant 0 : i32
        %dma_start3A_121 = tpu.memref_slice %arg6[%dma_start3A_120, %multiple_of3A_26] : memref<64x1000000xf32, #tpu.memory_space<hbm>> -> memref<64x128xf32, #tpu.memory_space<hbm>>
        tpu.enqueue_dma source(%dma_start3A_121 : memref<64x128xf32, #tpu.memory_space<hbm>>) target(%arg13 : memref<64x128xf32, #tpu.memory_space<vmem>>) target_semaphore(%run_scoped3A : memref<!tpu.dma_semaphore, #tpu.memory_space<semaphore_mem>>)
        %dma_wait3A = arith.constant 0 : i32
        %dma_wait3A_122 = tpu.memref_slice %arg6[%dma_wait3A, %multiple_of3A_26] : memref<64x1000000xf32, #tpu.memory_space<hbm>> -> memref<64x128xf32, #tpu.memory_space<hbm>>
        %dma_wait3A_123 = arith.constant 0 : i32
        %dma_wait3A_124 = tpu.memref_slice %arg6[%dma_wait3A_123, %multiple_of3A_26] : memref<64x1000000xf32, #tpu.memory_space<hbm>> -> memref<64x128xf32, #tpu.memory_space<hbm>>
        tpu.wait_dma2 semaphore(%run_scoped3A : memref<!tpu.dma_semaphore, #tpu.memory_space<semaphore_mem>>) src(%dma_wait3A_124 : memref<64x128xf32, #tpu.memory_space<hbm>>) dst(%arg13 : memref<64x128xf32, #tpu.memory_space<vmem>>)
        tpu.yield
      }) : () -> ()
      %sub3A_27 = arith.subi %squeeze3A_21, %multiple_of3A_26 : i32
      %broadcast_in_dim3A_28 = vector.broadcast %sub3A_27 : i32 to vector<16xi32>
      %iota3A = tpu.iota {dimensions = array<i32: 0>} : vector<16xi32>
      %add3A_29 = arith.constant 0 : i32
      %add3A_30 = vector.broadcast %add3A_29 : i32 to vector<16xi32>
      %add3A_31 = arith.addi %iota3A, %add3A_30 : vector<16xi32>
      %gather3A_32 = tpu.vector_load_idx %arg13[%add3A_31, %broadcast_in_dim3A_28] : memref<64x128xf32, #tpu.memory_space<vmem>>[vector<16xi32>, vector<16xi32>], vector<16xf32>,
      %swap3A = arith.constant 0 : index
      %swap3A_33 = tpu.vector_load %arg16[%swap3A] {strides = array<i32>} : memref<64xf32, #tpu.memory_space<vmem>>, vector<16xf32>,
      tpu.vector_store %arg16[%swap3A], %gather3A_32 {strides = array<i32>} : memref<64xf32, #tpu.memory_space<vmem>>, vector<16xf32>,
      %add3A_34 = arith.constant 16 : i32
      %add3A_35 = vector.broadcast %add3A_34 : i32 to vector<16xi32>
      %add3A_36 = arith.addi %iota3A, %add3A_35 : vector<16xi32>
      %gather3A_37 = tpu.vector_load_idx %arg13[%add3A_36, %broadcast_in_dim3A_28] : memref<64x128xf32, #tpu.memory_space<vmem>>[vector<16xi32>, vector<16xi32>], vector<16xf32>,
      %swap3A_38 = arith.constant 16 : index
      %swap3A_39 = tpu.vector_load %arg16[%swap3A_38] {strides = array<i32>} : memref<64xf32, #tpu.memory_space<vmem>>, vector<16xf32>,
      tpu.vector_store %arg16[%swap3A_38], %gather3A_37 {strides = array<i32>} : memref<64xf32, #tpu.memory_space<vmem>>, vector<16xf32>,
      %add3A_40 = arith.constant 32 : i32
      %add3A_41 = vector.broadcast %add3A_40 : i32 to vector<16xi32>
      %add3A_42 = arith.addi %iota3A, %add3A_41 : vector<16xi32>
      %gather3A_43 = tpu.vector_load_idx %arg13[%add3A_42, %broadcast_in_dim3A_28] : memref<64x128xf32, #tpu.memory_space<vmem>>[vector<16xi32>, vector<16xi32>], vector<16xf32>,
      %swap3A_44 = arith.constant 32 : index
      %swap3A_45 = tpu.vector_load %arg16[%swap3A_44] {strides = array<i32>} : memref<64xf32, #tpu.memory_space<vmem>>, vector<16xf32>,
      tpu.vector_store %arg16[%swap3A_44], %gather3A_43 {strides = array<i32>} : memref<64xf32, #tpu.memory_space<vmem>>, vector<16xf32>,
      %add3A_46 = arith.constant 48 : i32
      %add3A_47 = vector.broadcast %add3A_46 : i32 to vector<16xi32>
      %add3A_48 = arith.addi %iota3A, %add3A_47 : vector<16xi32>
      %gather3A_49 = tpu.vector_load_idx %arg13[%add3A_48, %broadcast_in_dim3A_28] : memref<64x128xf32, #tpu.memory_space<vmem>>[vector<16xi32>, vector<16xi32>], vector<16xf32>,
      %swap3A_50 = arith.constant 48 : index
      %swap3A_51 = tpu.vector_load %arg16[%swap3A_50] {strides = array<i32>} : memref<64xf32, #tpu.memory_space<vmem>>, vector<16xf32>,
      tpu.vector_store %arg16[%swap3A_50], %gather3A_49 {strides = array<i32>} : memref<64xf32, #tpu.memory_space<vmem>>, vector<16xf32>,
      tpu.wait_dma2 semaphore(%arg18 : memref<!tpu.dma_semaphore, #tpu.memory_space<semaphore_mem>>) src(%arg7 : memref<64x64xf32, #tpu.memory_space<hbm>>) dst(%arg14 : memref<64x64xf32, #tpu.memory_space<vmem>>)
      %broadcast_in_dim3A_52 = arith.constant 0.000000e+00 : f32
      %broadcast_in_dim3A_53 = vector.broadcast %broadcast_in_dim3A_52 : f32 to vector<16xf32>
      %scan3A = arith.constant 0 : i32
      %scan3A_54 = arith.constant 4 : i32
      %scan3A_55 = arith.addi %scan3A, %scan3A_54 : i32
      %scan3A_56 = arith.constant 1 : i32
      %scan3A_57:4 = scf.for %scan3A_119 = %scan3A to %scan3A_55 step %scan3A_56 iter_args(%scan3A_120 = %broadcast_in_dim3A_53, %scan3A_121 = %broadcast_in_dim3A_53, %scan3A_122 = %broadcast_in_dim3A_53, %scan3A_123 = %broadcast_in_dim3A_53) -> (vector<16xf32>, vector<16xf32>, vector<16xf32>, vector<16xf32>)  : i32 {
        %mul3A_124 = arith.constant 16 : i32
        %mul3A_125 = arith.muli %scan3A_119, %mul3A_124 : i32
        %get3A = arith.index_cast %mul3A_125 : i32 to index
        %get3A_126 = tpu.vector_load %arg16[%get3A] {strides = array<i32>} : memref<64xf32, #tpu.memory_space<vmem>>, vector<16xf32>,
        %slice3A_127 = vector.extract_strided_slice %get3A_126 {offsets = [0], sizes = [1], strides = [1]} : vector<16xf32> to vector<1xf32>
        %squeeze3A_128 = vector.extract %slice3A_127[0] : f32 from vector<1xf32>
        %mul3A_129 = arith.constant 16 : i32
        %mul3A_130 = arith.muli %scan3A_119, %mul3A_129 : i32
        %add3A_131 = arith.constant 0 : i32
        %add3A_132 = arith.addi %mul3A_130, %add3A_131 : i32
        %get3A_133 = arith.index_cast %add3A_132 : i32 to index
        %get3A_134 = arith.constant 0 : index
        %get3A_135 = tpu.vector_load %arg14[%get3A_133, %get3A_134] {strides = array<i32>} : memref<64x64xf32, #tpu.memory_space<vmem>>, vector<16xf32>,
        %mul3A_136 = vector.broadcast %squeeze3A_128 : f32 to vector<16xf32>
        %mul3A_137 = arith.mulf %mul3A_136, %get3A_135 : vector<16xf32>
        %add3A_138 = arith.addf %scan3A_120, %mul3A_137 : vector<16xf32>
        %get3A_139 = arith.index_cast %add3A_132 : i32 to index
        %get3A_140 = arith.constant 16 : index
        %get3A_141 = tpu.vector_load %arg14[%get3A_139, %get3A_140] {strides = array<i32>} : memref<64x64xf32, #tpu.memory_space<vmem>>, vector<16xf32>,
        %mul3A_142 = vector.broadcast %squeeze3A_128 : f32 to vector<16xf32>
        %mul3A_143 = arith.mulf %mul3A_142, %get3A_141 : vector<16xf32>
        %add3A_144 = arith.addf %scan3A_121, %mul3A_143 : vector<16xf32>
        %get3A_145 = arith.index_cast %add3A_132 : i32 to index
        %get3A_146 = arith.constant 32 : index
        %get3A_147 = tpu.vector_load %arg14[%get3A_145, %get3A_146] {strides = array<i32>} : memref<64x64xf32, #tpu.memory_space<vmem>>, vector<16xf32>,
        %mul3A_148 = vector.broadcast %squeeze3A_128 : f32 to vector<16xf32>
        %mul3A_149 = arith.mulf %mul3A_148, %get3A_147 : vector<16xf32>
        %add3A_150 = arith.addf %scan3A_122, %mul3A_149 : vector<16xf32>
        %get3A_151 = arith.index_cast %add3A_132 : i32 to index
        %get3A_152 = arith.constant 48 : index
        %get3A_153 = tpu.vector_load %arg14[%get3A_151, %get3A_152] {strides = array<i32>} : memref<64x64xf32, #tpu.memory_space<vmem>>, vector<16xf32>,
        %mul3A_154 = vector.broadcast %squeeze3A_128 : f32 to vector<16xf32>
        %mul3A_155 = arith.mulf %mul3A_154, %get3A_153 : vector<16xf32>
        %add3A_156 = arith.addf %scan3A_123, %mul3A_155 : vector<16xf32>
        %slice3A_157 = vector.extract_strided_slice %get3A_126 {offsets = [1], sizes = [1], strides = [1]} : vector<16xf32> to vector<1xf32>
        %squeeze3A_158 = vector.extract %slice3A_157[0] : f32 from vector<1xf32>
        %mul3A_159 = arith.constant 16 : i32
        %mul3A_160 = arith.muli %scan3A_119, %mul3A_159 : i32
        %add3A_161 = arith.constant 1 : i32
        %add3A_162 = arith.addi %mul3A_160, %add3A_161 : i32
        %get3A_163 = arith.index_cast %add3A_162 : i32 to index
        %get3A_164 = arith.constant 0 : index
        %get3A_165 = tpu.vector_load %arg14[%get3A_163, %get3A_164] {strides = array<i32>} : memref<64x64xf32, #tpu.memory_space<vmem>>, vector<16xf32>,
        %mul3A_166 = vector.broadcast %squeeze3A_158 : f32 to vector<16xf32>
        %mul3A_167 = arith.mulf %mul3A_166, %get3A_165 : vector<16xf32>
        %add3A_168 = arith.addf %add3A_138, %mul3A_167 : vector<16xf32>
        %get3A_169 = arith.index_cast %add3A_162 : i32 to index
        %get3A_170 = arith.constant 16 : index
        %get3A_171 = tpu.vector_load %arg14[%get3A_169, %get3A_170] {strides = array<i32>} : memref<64x64xf32, #tpu.memory_space<vmem>>, vector<16xf32>,
        %mul3A_172 = vector.broadcast %squeeze3A_158 : f32 to vector<16xf32>
        %mul3A_173 = arith.mulf %mul3A_172, %get3A_171 : vector<16xf32>
        %add3A_174 = arith.addf %add3A_144, %mul3A_173 : vector<16xf32>
        %get3A_175 = arith.index_cast %add3A_162 : i32 to index
        %get3A_176 = arith.constant 32 : index
        %get3A_177 = tpu.vector_load %arg14[%get3A_175, %get3A_176] {strides = array<i32>} : memref<64x64xf32, #tpu.memory_space<vmem>>, vector<16xf32>,
        %mul3A_178 = vector.broadcast %squeeze3A_158 : f32 to vector<16xf32>
        %mul3A_179 = arith.mulf %mul3A_178, %get3A_177 : vector<16xf32>
        %add3A_180 = arith.addf %add3A_150, %mul3A_179 : vector<16xf32>
        %get3A_181 = arith.index_cast %add3A_162 : i32 to index
        %get3A_182 = arith.constant 48 : index
        %get3A_183 = tpu.vector_load %arg14[%get3A_181, %get3A_182] {strides = array<i32>} : memref<64x64xf32, #tpu.memory_space<vmem>>, vector<16xf32>,
        %mul3A_184 = vector.broadcast %squeeze3A_158 : f32 to vector<16xf32>
        %mul3A_185 = arith.mulf %mul3A_184, %get3A_183 : vector<16xf32>
        %add3A_186 = arith.addf %add3A_156, %mul3A_185 : vector<16xf32>
        %slice3A_187 = vector.extract_strided_slice %get3A_126 {offsets = [2], sizes = [1], strides = [1]} : vector<16xf32> to vector<1xf32>
        %squeeze3A_188 = vector.extract %slice3A_187[0] : f32 from vector<1xf32>
        %mul3A_189 = arith.constant 16 : i32
        %mul3A_190 = arith.muli %scan3A_119, %mul3A_189 : i32
        %add3A_191 = arith.constant 2 : i32
        %add3A_192 = arith.addi %mul3A_190, %add3A_191 : i32
        %get3A_193 = arith.index_cast %add3A_192 : i32 to index
        %get3A_194 = arith.constant 0 : index
        %get3A_195 = tpu.vector_load %arg14[%get3A_193, %get3A_194] {strides = array<i32>} : memref<64x64xf32, #tpu.memory_space<vmem>>, vector<16xf32>,
        %mul3A_196 = vector.broadcast %squeeze3A_188 : f32 to vector<16xf32>
        %mul3A_197 = arith.mulf %mul3A_196, %get3A_195 : vector<16xf32>
        %add3A_198 = arith.addf %add3A_168, %mul3A_197 : vector<16xf32>
        %get3A_199 = arith.index_cast %add3A_192 : i32 to index
        %get3A_200 = arith.constant 16 : index
        %get3A_201 = tpu.vector_load %arg14[%get3A_199, %get3A_200] {strides = array<i32>} : memref<64x64xf32, #tpu.memory_space<vmem>>, vector<16xf32>,
        %mul3A_202 = vector.broadcast %squeeze3A_188 : f32 to vector<16xf32>
        %mul3A_203 = arith.mulf %mul3A_202, %get3A_201 : vector<16xf32>
        %add3A_204 = arith.addf %add3A_174, %mul3A_203 : vector<16xf32>
        %get3A_205 = arith.index_cast %add3A_192 : i32 to index
        %get3A_206 = arith.constant 32 : index
        %get3A_207 = tpu.vector_load %arg14[%get3A_205, %get3A_206] {strides = array<i32>} : memref<64x64xf32, #tpu.memory_space<vmem>>, vector<16xf32>,
        %mul3A_208 = vector.broadcast %squeeze3A_188 : f32 to vector<16xf32>
        %mul3A_209 = arith.mulf %mul3A_208, %get3A_207 : vector<16xf32>
        %add3A_210 = arith.addf %add3A_180, %mul3A_209 : vector<16xf32>
        %get3A_211 = arith.index_cast %add3A_192 : i32 to index
        %get3A_212 = arith.constant 48 : index
        %get3A_213 = tpu.vector_load %arg14[%get3A_211, %get3A_212] {strides = array<i32>} : memref<64x64xf32, #tpu.memory_space<vmem>>, vector<16xf32>,
        %mul3A_214 = vector.broadcast %squeeze3A_188 : f32 to vector<16xf32>
        %mul3A_215 = arith.mulf %mul3A_214, %get3A_213 : vector<16xf32>
        %add3A_216 = arith.addf %add3A_186, %mul3A_215 : vector<16xf32>
        %slice3A_217 = vector.extract_strided_slice %get3A_126 {offsets = [3], sizes = [1], strides = [1]} : vector<16xf32> to vector<1xf32>
        %squeeze3A_218 = vector.extract %slice3A_217[0] : f32 from vector<1xf32>
        %mul3A_219 = arith.constant 16 : i32
        %mul3A_220 = arith.muli %scan3A_119, %mul3A_219 : i32
        %add3A_221 = arith.constant 3 : i32
        %add3A_222 = arith.addi %mul3A_220, %add3A_221 : i32
        %get3A_223 = arith.index_cast %add3A_222 : i32 to index
        %get3A_224 = arith.constant 0 : index
        %get3A_225 = tpu.vector_load %arg14[%get3A_223, %get3A_224] {strides = array<i32>} : memref<64x64xf32, #tpu.memory_space<vmem>>, vector<16xf32>,
        %mul3A_226 = vector.broadcast %squeeze3A_218 : f32 to vector<16xf32>
        %mul3A_227 = arith.mulf %mul3A_226, %get3A_225 : vector<16xf32>
        %add3A_228 = arith.addf %add3A_198, %mul3A_227 : vector<16xf32>
        %get3A_229 = arith.index_cast %add3A_222 : i32 to index
        %get3A_230 = arith.constant 16 : index
        %get3A_231 = tpu.vector_load %arg14[%get3A_229, %get3A_230] {strides = array<i32>} : memref<64x64xf32, #tpu.memory_space<vmem>>, vector<16xf32>,
        %mul3A_232 = vector.broadcast %squeeze3A_218 : f32 to vector<16xf32>
        %mul3A_233 = arith.mulf %mul3A_232, %get3A_231 : vector<16xf32>
        %add3A_234 = arith.addf %add3A_204, %mul3A_233 : vector<16xf32>
        %get3A_235 = arith.index_cast %add3A_222 : i32 to index
        %get3A_236 = arith.constant 32 : index
        %get3A_237 = tpu.vector_load %arg14[%get3A_235, %get3A_236] {strides = array<i32>} : memref<64x64xf32, #tpu.memory_space<vmem>>, vector<16xf32>,
        %mul3A_238 = vector.broadcast %squeeze3A_218 : f32 to vector<16xf32>
        %mul3A_239 = arith.mulf %mul3A_238, %get3A_237 : vector<16xf32>
        %add3A_240 = arith.addf %add3A_210, %mul3A_239 : vector<16xf32>
        %get3A_241 = arith.index_cast %add3A_222 : i32 to index
        %get3A_242 = arith.constant 48 : index
        %get3A_243 = tpu.vector_load %arg14[%get3A_241, %get3A_242] {strides = array<i32>} : memref<64x64xf32, #tpu.memory_space<vmem>>, vector<16xf32>,
        %mul3A_244 = vector.broadcast %squeeze3A_218 : f32 to vector<16xf32>
        %mul3A_245 = arith.mulf %mul3A_244, %get3A_243 : vector<16xf32>
        %add3A_246 = arith.addf %add3A_216, %mul3A_245 : vector<16xf32>
        %slice3A_247 = vector.extract_strided_slice %get3A_126 {offsets = [4], sizes = [1], strides = [1]} : vector<16xf32> to vector<1xf32>
        %squeeze3A_248 = vector.extract %slice3A_247[0] : f32 from vector<1xf32>
        %mul3A_249 = arith.constant 16 : i32
        %mul3A_250 = arith.muli %scan3A_119, %mul3A_249 : i32
        %add3A_251 = arith.constant 4 : i32
        %add3A_252 = arith.addi %mul3A_250, %add3A_251 : i32
        %get3A_253 = arith.index_cast %add3A_252 : i32 to index
        %get3A_254 = arith.constant 0 : index
        %get3A_255 = tpu.vector_load %arg14[%get3A_253, %get3A_254] {strides = array<i32>} : memref<64x64xf32, #tpu.memory_space<vmem>>, vector<16xf32>,
        %mul3A_256 = vector.broadcast %squeeze3A_248 : f32 to vector<16xf32>
        %mul3A_257 = arith.mulf %mul3A_256, %get3A_255 : vector<16xf32>
        %add3A_258 = arith.addf %add3A_228, %mul3A_257 : vector<16xf32>
        %get3A_259 = arith.index_cast %add3A_252 : i32 to index
        %get3A_260 = arith.constant 16 : index
        %get3A_261 = tpu.vector_load %arg14[%get3A_259, %get3A_260] {strides = array<i32>} : memref<64x64xf32, #tpu.memory_space<vmem>>, vector<16xf32>,
        %mul3A_262 = vector.broadcast %squeeze3A_248 : f32 to vector<16xf32>
        %mul3A_263 = arith.mulf %mul3A_262, %get3A_261 : vector<16xf32>
        %add3A_264 = arith.addf %add3A_234, %mul3A_263 : vector<16xf32>
        %get3A_265 = arith.index_cast %add3A_252 : i32 to index
        %get3A_266 = arith.constant 32 : index
        %get3A_267 = tpu.vector_load %arg14[%get3A_265, %get3A_266] {strides = array<i32>} : memref<64x64xf32, #tpu.memory_space<vmem>>, vector<16xf32>,
        %mul3A_268 = vector.broadcast %squeeze3A_248 : f32 to vector<16xf32>
        %mul3A_269 = arith.mulf %mul3A_268, %get3A_267 : vector<16xf32>
        %add3A_270 = arith.addf %add3A_240, %mul3A_269 : vector<16xf32>
        %get3A_271 = arith.index_cast %add3A_252 : i32 to index
        %get3A_272 = arith.constant 48 : index
        %get3A_273 = tpu.vector_load %arg14[%get3A_271, %get3A_272] {strides = array<i32>} : memref<64x64xf32, #tpu.memory_space<vmem>>, vector<16xf32>,
        %mul3A_274 = vector.broadcast %squeeze3A_248 : f32 to vector<16xf32>
        %mul3A_275 = arith.mulf %mul3A_274, %get3A_273 : vector<16xf32>
        %add3A_276 = arith.addf %add3A_246, %mul3A_275 : vector<16xf32>
        %slice3A_277 = vector.extract_strided_slice %get3A_126 {offsets = [5], sizes = [1], strides = [1]} : vector<16xf32> to vector<1xf32>
        %squeeze3A_278 = vector.extract %slice3A_277[0] : f32 from vector<1xf32>
        %mul3A_279 = arith.constant 16 : i32
        %mul3A_280 = arith.muli %scan3A_119, %mul3A_279 : i32
        %add3A_281 = arith.constant 5 : i32
        %add3A_282 = arith.addi %mul3A_280, %add3A_281 : i32
        %get3A_283 = arith.index_cast %add3A_282 : i32 to index
        %get3A_284 = arith.constant 0 : index
        %get3A_285 = tpu.vector_load %arg14[%get3A_283, %get3A_284] {strides = array<i32>} : memref<64x64xf32, #tpu.memory_space<vmem>>, vector<16xf32>,
        %mul3A_286 = vector.broadcast %squeeze3A_278 : f32 to vector<16xf32>
        %mul3A_287 = arith.mulf %mul3A_286, %get3A_285 : vector<16xf32>
        %add3A_288 = arith.addf %add3A_258, %mul3A_287 : vector<16xf32>
        %get3A_289 = arith.index_cast %add3A_282 : i32 to index
        %get3A_290 = arith.constant 16 : index
        %get3A_291 = tpu.vector_load %arg14[%get3A_289, %get3A_290] {strides = array<i32>} : memref<64x64xf32, #tpu.memory_space<vmem>>, vector<16xf32>,
        %mul3A_292 = vector.broadcast %squeeze3A_278 : f32 to vector<16xf32>
        %mul3A_293 = arith.mulf %mul3A_292, %get3A_291 : vector<16xf32>
        %add3A_294 = arith.addf %add3A_264, %mul3A_293 : vector<16xf32>
        %get3A_295 = arith.index_cast %add3A_282 : i32 to index
        %get3A_296 = arith.constant 32 : index
        %get3A_297 = tpu.vector_load %arg14[%get3A_295, %get3A_296] {strides = array<i32>} : memref<64x64xf32, #tpu.memory_space<vmem>>, vector<16xf32>,
        %mul3A_298 = vector.broadcast %squeeze3A_278 : f32 to vector<16xf32>
        %mul3A_299 = arith.mulf %mul3A_298, %get3A_297 : vector<16xf32>
        %add3A_300 = arith.addf %add3A_270, %mul3A_299 : vector<16xf32>
        %get3A_301 = arith.index_cast %add3A_282 : i32 to index
        %get3A_302 = arith.constant 48 : index
        %get3A_303 = tpu.vector_load %arg14[%get3A_301, %get3A_302] {strides = array<i32>} : memref<64x64xf32, #tpu.memory_space<vmem>>, vector<16xf32>,
        %mul3A_304 = vector.broadcast %squeeze3A_278 : f32 to vector<16xf32>
        %mul3A_305 = arith.mulf %mul3A_304, %get3A_303 : vector<16xf32>
        %add3A_306 = arith.addf %add3A_276, %mul3A_305 : vector<16xf32>
        %slice3A_307 = vector.extract_strided_slice %get3A_126 {offsets = [6], sizes = [1], strides = [1]} : vector<16xf32> to vector<1xf32>
        %squeeze3A_308 = vector.extract %slice3A_307[0] : f32 from vector<1xf32>
        %mul3A_309 = arith.constant 16 : i32
        %mul3A_310 = arith.muli %scan3A_119, %mul3A_309 : i32
        %add3A_311 = arith.constant 6 : i32
        %add3A_312 = arith.addi %mul3A_310, %add3A_311 : i32
        %get3A_313 = arith.index_cast %add3A_312 : i32 to index
        %get3A_314 = arith.constant 0 : index
        %get3A_315 = tpu.vector_load %arg14[%get3A_313, %get3A_314] {strides = array<i32>} : memref<64x64xf32, #tpu.memory_space<vmem>>, vector<16xf32>,
        %mul3A_316 = vector.broadcast %squeeze3A_308 : f32 to vector<16xf32>
        %mul3A_317 = arith.mulf %mul3A_316, %get3A_315 : vector<16xf32>
        %add3A_318 = arith.addf %add3A_288, %mul3A_317 : vector<16xf32>
        %get3A_319 = arith.index_cast %add3A_312 : i32 to index
        %get3A_320 = arith.constant 16 : index
        %get3A_321 = tpu.vector_load %arg14[%get3A_319, %get3A_320] {strides = array<i32>} : memref<64x64xf32, #tpu.memory_space<vmem>>, vector<16xf32>,
        %mul3A_322 = vector.broadcast %squeeze3A_308 : f32 to vector<16xf32>
        %mul3A_323 = arith.mulf %mul3A_322, %get3A_321 : vector<16xf32>
        %add3A_324 = arith.addf %add3A_294, %mul3A_323 : vector<16xf32>
        %get3A_325 = arith.index_cast %add3A_312 : i32 to index
        %get3A_326 = arith.constant 32 : index
        %get3A_327 = tpu.vector_load %arg14[%get3A_325, %get3A_326] {strides = array<i32>} : memref<64x64xf32, #tpu.memory_space<vmem>>, vector<16xf32>,
        %mul3A_328 = vector.broadcast %squeeze3A_308 : f32 to vector<16xf32>
        %mul3A_329 = arith.mulf %mul3A_328, %get3A_327 : vector<16xf32>
        %add3A_330 = arith.addf %add3A_300, %mul3A_329 : vector<16xf32>
        %get3A_331 = arith.index_cast %add3A_312 : i32 to index
        %get3A_332 = arith.constant 48 : index
        %get3A_333 = tpu.vector_load %arg14[%get3A_331, %get3A_332] {strides = array<i32>} : memref<64x64xf32, #tpu.memory_space<vmem>>, vector<16xf32>,
        %mul3A_334 = vector.broadcast %squeeze3A_308 : f32 to vector<16xf32>
        %mul3A_335 = arith.mulf %mul3A_334, %get3A_333 : vector<16xf32>
        %add3A_336 = arith.addf %add3A_306, %mul3A_335 : vector<16xf32>
        %slice3A_337 = vector.extract_strided_slice %get3A_126 {offsets = [7], sizes = [1], strides = [1]} : vector<16xf32> to vector<1xf32>
        %squeeze3A_338 = vector.extract %slice3A_337[0] : f32 from vector<1xf32>
        %mul3A_339 = arith.constant 16 : i32
        %mul3A_340 = arith.muli %scan3A_119, %mul3A_339 : i32
        %add3A_341 = arith.constant 7 : i32
        %add3A_342 = arith.addi %mul3A_340, %add3A_341 : i32
        %get3A_343 = arith.index_cast %add3A_342 : i32 to index
        %get3A_344 = arith.constant 0 : index
        %get3A_345 = tpu.vector_load %arg14[%get3A_343, %get3A_344] {strides = array<i32>} : memref<64x64xf32, #tpu.memory_space<vmem>>, vector<16xf32>,
        %mul3A_346 = vector.broadcast %squeeze3A_338 : f32 to vector<16xf32>
        %mul3A_347 = arith.mulf %mul3A_346, %get3A_345 : vector<16xf32>
        %add3A_348 = arith.addf %add3A_318, %mul3A_347 : vector<16xf32>
        %get3A_349 = arith.index_cast %add3A_342 : i32 to index
        %get3A_350 = arith.constant 16 : index
        %get3A_351 = tpu.vector_load %arg14[%get3A_349, %get3A_350] {strides = array<i32>} : memref<64x64xf32, #tpu.memory_space<vmem>>, vector<16xf32>,
        %mul3A_352 = vector.broadcast %squeeze3A_338 : f32 to vector<16xf32>
        %mul3A_353 = arith.mulf %mul3A_352, %get3A_351 : vector<16xf32>
        %add3A_354 = arith.addf %add3A_324, %mul3A_353 : vector<16xf32>
        %get3A_355 = arith.index_cast %add3A_342 : i32 to index
        %get3A_356 = arith.constant 32 : index
        %get3A_357 = tpu.vector_load %arg14[%get3A_355, %get3A_356] {strides = array<i32>} : memref<64x64xf32, #tpu.memory_space<vmem>>, vector<16xf32>,
        %mul3A_358 = vector.broadcast %squeeze3A_338 : f32 to vector<16xf32>
        %mul3A_359 = arith.mulf %mul3A_358, %get3A_357 : vector<16xf32>
        %add3A_360 = arith.addf %add3A_330, %mul3A_359 : vector<16xf32>
        %get3A_361 = arith.index_cast %add3A_342 : i32 to index
        %get3A_362 = arith.constant 48 : index
        %get3A_363 = tpu.vector_load %arg14[%get3A_361, %get3A_362] {strides = array<i32>} : memref<64x64xf32, #tpu.memory_space<vmem>>, vector<16xf32>,
        %mul3A_364 = vector.broadcast %squeeze3A_338 : f32 to vector<16xf32>
        %mul3A_365 = arith.mulf %mul3A_364, %get3A_363 : vector<16xf32>
        %add3A_366 = arith.addf %add3A_336, %mul3A_365 : vector<16xf32>
        %slice3A_367 = vector.extract_strided_slice %get3A_126 {offsets = [8], sizes = [1], strides = [1]} : vector<16xf32> to vector<1xf32>
        %squeeze3A_368 = vector.extract %slice3A_367[0] : f32 from vector<1xf32>
        %mul3A_369 = arith.constant 16 : i32
        %mul3A_370 = arith.muli %scan3A_119, %mul3A_369 : i32
        %add3A_371 = arith.constant 8 : i32
        %add3A_372 = arith.addi %mul3A_370, %add3A_371 : i32
        %get3A_373 = arith.index_cast %add3A_372 : i32 to index
        %get3A_374 = arith.constant 0 : index
        %get3A_375 = tpu.vector_load %arg14[%get3A_373, %get3A_374] {strides = array<i32>} : memref<64x64xf32, #tpu.memory_space<vmem>>, vector<16xf32>,
        %mul3A_376 = vector.broadcast %squeeze3A_368 : f32 to vector<16xf32>
        %mul3A_377 = arith.mulf %mul3A_376, %get3A_375 : vector<16xf32>
        %add3A_378 = arith.addf %add3A_348, %mul3A_377 : vector<16xf32>
        %get3A_379 = arith.index_cast %add3A_372 : i32 to index
        %get3A_380 = arith.constant 16 : index
        %get3A_381 = tpu.vector_load %arg14[%get3A_379, %get3A_380] {strides = array<i32>} : memref<64x64xf32, #tpu.memory_space<vmem>>, vector<16xf32>,
        %mul3A_382 = vector.broadcast %squeeze3A_368 : f32 to vector<16xf32>
        %mul3A_383 = arith.mulf %mul3A_382, %get3A_381 : vector<16xf32>
        %add3A_384 = arith.addf %add3A_354, %mul3A_383 : vector<16xf32>
        %get3A_385 = arith.index_cast %add3A_372 : i32 to index
        %get3A_386 = arith.constant 32 : index
        %get3A_387 = tpu.vector_load %arg14[%get3A_385, %get3A_386] {strides = array<i32>} : memref<64x64xf32, #tpu.memory_space<vmem>>, vector<16xf32>,
        %mul3A_388 = vector.broadcast %squeeze3A_368 : f32 to vector<16xf32>
        %mul3A_389 = arith.mulf %mul3A_388, %get3A_387 : vector<16xf32>
        %add3A_390 = arith.addf %add3A_360, %mul3A_389 : vector<16xf32>
        %get3A_391 = arith.index_cast %add3A_372 : i32 to index
        %get3A_392 = arith.constant 48 : index
        %get3A_393 = tpu.vector_load %arg14[%get3A_391, %get3A_392] {strides = array<i32>} : memref<64x64xf32, #tpu.memory_space<vmem>>, vector<16xf32>,
        %mul3A_394 = vector.broadcast %squeeze3A_368 : f32 to vector<16xf32>
        %mul3A_395 = arith.mulf %mul3A_394, %get3A_393 : vector<16xf32>
        %add3A_396 = arith.addf %add3A_366, %mul3A_395 : vector<16xf32>
        %slice3A_397 = vector.extract_strided_slice %get3A_126 {offsets = [9], sizes = [1], strides = [1]} : vector<16xf32> to vector<1xf32>
        %squeeze3A_398 = vector.extract %slice3A_397[0] : f32 from vector<1xf32>
        %mul3A_399 = arith.constant 16 : i32
        %mul3A_400 = arith.muli %scan3A_119, %mul3A_399 : i32
        %add3A_401 = arith.constant 9 : i32
        %add3A_402 = arith.addi %mul3A_400, %add3A_401 : i32
        %get3A_403 = arith.index_cast %add3A_402 : i32 to index
        %get3A_404 = arith.constant 0 : index
        %get3A_405 = tpu.vector_load %arg14[%get3A_403, %get3A_404] {strides = array<i32>} : memref<64x64xf32, #tpu.memory_space<vmem>>, vector<16xf32>,
        %mul3A_406 = vector.broadcast %squeeze3A_398 : f32 to vector<16xf32>
        %mul3A_407 = arith.mulf %mul3A_406, %get3A_405 : vector<16xf32>
        %add3A_408 = arith.addf %add3A_378, %mul3A_407 : vector<16xf32>
        %get3A_409 = arith.index_cast %add3A_402 : i32 to index
        %get3A_410 = arith.constant 16 : index
        %get3A_411 = tpu.vector_load %arg14[%get3A_409, %get3A_410] {strides = array<i32>} : memref<64x64xf32, #tpu.memory_space<vmem>>, vector<16xf32>,
        %mul3A_412 = vector.broadcast %squeeze3A_398 : f32 to vector<16xf32>
        %mul3A_413 = arith.mulf %mul3A_412, %get3A_411 : vector<16xf32>
        %add3A_414 = arith.addf %add3A_384, %mul3A_413 : vector<16xf32>
        %get3A_415 = arith.index_cast %add3A_402 : i32 to index
        %get3A_416 = arith.constant 32 : index
        %get3A_417 = tpu.vector_load %arg14[%get3A_415, %get3A_416] {strides = array<i32>} : memref<64x64xf32, #tpu.memory_space<vmem>>, vector<16xf32>,
        %mul3A_418 = vector.broadcast %squeeze3A_398 : f32 to vector<16xf32>
        %mul3A_419 = arith.mulf %mul3A_418, %get3A_417 : vector<16xf32>
        %add3A_420 = arith.addf %add3A_390, %mul3A_419 : vector<16xf32>
        %get3A_421 = arith.index_cast %add3A_402 : i32 to index
        %get3A_422 = arith.constant 48 : index
        %get3A_423 = tpu.vector_load %arg14[%get3A_421, %get3A_422] {strides = array<i32>} : memref<64x64xf32, #tpu.memory_space<vmem>>, vector<16xf32>,
        %mul3A_424 = vector.broadcast %squeeze3A_398 : f32 to vector<16xf32>
        %mul3A_425 = arith.mulf %mul3A_424, %get3A_423 : vector<16xf32>
        %add3A_426 = arith.addf %add3A_396, %mul3A_425 : vector<16xf32>
        %slice3A_427 = vector.extract_strided_slice %get3A_126 {offsets = [10], sizes = [1], strides = [1]} : vector<16xf32> to vector<1xf32>
        %squeeze3A_428 = vector.extract %slice3A_427[0] : f32 from vector<1xf32>
        %mul3A_429 = arith.constant 16 : i32
        %mul3A_430 = arith.muli %scan3A_119, %mul3A_429 : i32
        %add3A_431 = arith.constant 10 : i32
        %add3A_432 = arith.addi %mul3A_430, %add3A_431 : i32
        %get3A_433 = arith.index_cast %add3A_432 : i32 to index
        %get3A_434 = arith.constant 0 : index
        %get3A_435 = tpu.vector_load %arg14[%get3A_433, %get3A_434] {strides = array<i32>} : memref<64x64xf32, #tpu.memory_space<vmem>>, vector<16xf32>,
        %mul3A_436 = vector.broadcast %squeeze3A_428 : f32 to vector<16xf32>
        %mul3A_437 = arith.mulf %mul3A_436, %get3A_435 : vector<16xf32>
        %add3A_438 = arith.addf %add3A_408, %mul3A_437 : vector<16xf32>
        %get3A_439 = arith.index_cast %add3A_432 : i32 to index
        %get3A_440 = arith.constant 16 : index
        %get3A_441 = tpu.vector_load %arg14[%get3A_439, %get3A_440] {strides = array<i32>} : memref<64x64xf32, #tpu.memory_space<vmem>>, vector<16xf32>,
        %mul3A_442 = vector.broadcast %squeeze3A_428 : f32 to vector<16xf32>
        %mul3A_443 = arith.mulf %mul3A_442, %get3A_441 : vector<16xf32>
        %add3A_444 = arith.addf %add3A_414, %mul3A_443 : vector<16xf32>
        %get3A_445 = arith.index_cast %add3A_432 : i32 to index
        %get3A_446 = arith.constant 32 : index
        %get3A_447 = tpu.vector_load %arg14[%get3A_445, %get3A_446] {strides = array<i32>} : memref<64x64xf32, #tpu.memory_space<vmem>>, vector<16xf32>,
        %mul3A_448 = vector.broadcast %squeeze3A_428 : f32 to vector<16xf32>
        %mul3A_449 = arith.mulf %mul3A_448, %get3A_447 : vector<16xf32>
        %add3A_450 = arith.addf %add3A_420, %mul3A_449 : vector<16xf32>
        %get3A_451 = arith.index_cast %add3A_432 : i32 to index
        %get3A_452 = arith.constant 48 : index
        %get3A_453 = tpu.vector_load %arg14[%get3A_451, %get3A_452] {strides = array<i32>} : memref<64x64xf32, #tpu.memory_space<vmem>>, vector<16xf32>,
        %mul3A_454 = vector.broadcast %squeeze3A_428 : f32 to vector<16xf32>
        %mul3A_455 = arith.mulf %mul3A_454, %get3A_453 : vector<16xf32>
        %add3A_456 = arith.addf %add3A_426, %mul3A_455 : vector<16xf32>
        %slice3A_457 = vector.extract_strided_slice %get3A_126 {offsets = [11], sizes = [1], strides = [1]} : vector<16xf32> to vector<1xf32>
        %squeeze3A_458 = vector.extract %slice3A_457[0] : f32 from vector<1xf32>
        %mul3A_459 = arith.constant 16 : i32
        %mul3A_460 = arith.muli %scan3A_119, %mul3A_459 : i32
        %add3A_461 = arith.constant 11 : i32
        %add3A_462 = arith.addi %mul3A_460, %add3A_461 : i32
        %get3A_463 = arith.index_cast %add3A_462 : i32 to index
        %get3A_464 = arith.constant 0 : index
        %get3A_465 = tpu.vector_load %arg14[%get3A_463, %get3A_464] {strides = array<i32>} : memref<64x64xf32, #tpu.memory_space<vmem>>, vector<16xf32>,
        %mul3A_466 = vector.broadcast %squeeze3A_458 : f32 to vector<16xf32>
        %mul3A_467 = arith.mulf %mul3A_466, %get3A_465 : vector<16xf32>
        %add3A_468 = arith.addf %add3A_438, %mul3A_467 : vector<16xf32>
        %get3A_469 = arith.index_cast %add3A_462 : i32 to index
        %get3A_470 = arith.constant 16 : index
        %get3A_471 = tpu.vector_load %arg14[%get3A_469, %get3A_470] {strides = array<i32>} : memref<64x64xf32, #tpu.memory_space<vmem>>, vector<16xf32>,
        %mul3A_472 = vector.broadcast %squeeze3A_458 : f32 to vector<16xf32>
        %mul3A_473 = arith.mulf %mul3A_472, %get3A_471 : vector<16xf32>
        %add3A_474 = arith.addf %add3A_444, %mul3A_473 : vector<16xf32>
        %get3A_475 = arith.index_cast %add3A_462 : i32 to index
        %get3A_476 = arith.constant 32 : index
        %get3A_477 = tpu.vector_load %arg14[%get3A_475, %get3A_476] {strides = array<i32>} : memref<64x64xf32, #tpu.memory_space<vmem>>, vector<16xf32>,
        %mul3A_478 = vector.broadcast %squeeze3A_458 : f32 to vector<16xf32>
        %mul3A_479 = arith.mulf %mul3A_478, %get3A_477 : vector<16xf32>
        %add3A_480 = arith.addf %add3A_450, %mul3A_479 : vector<16xf32>
        %get3A_481 = arith.index_cast %add3A_462 : i32 to index
        %get3A_482 = arith.constant 48 : index
        %get3A_483 = tpu.vector_load %arg14[%get3A_481, %get3A_482] {strides = array<i32>} : memref<64x64xf32, #tpu.memory_space<vmem>>, vector<16xf32>,
        %mul3A_484 = vector.broadcast %squeeze3A_458 : f32 to vector<16xf32>
        %mul3A_485 = arith.mulf %mul3A_484, %get3A_483 : vector<16xf32>
        %add3A_486 = arith.addf %add3A_456, %mul3A_485 : vector<16xf32>
        %slice3A_487 = vector.extract_strided_slice %get3A_126 {offsets = [12], sizes = [1], strides = [1]} : vector<16xf32> to vector<1xf32>
        %squeeze3A_488 = vector.extract %slice3A_487[0] : f32 from vector<1xf32>
        %mul3A_489 = arith.constant 16 : i32
        %mul3A_490 = arith.muli %scan3A_119, %mul3A_489 : i32
        %add3A_491 = arith.constant 12 : i32
        %add3A_492 = arith.addi %mul3A_490, %add3A_491 : i32
        %get3A_493 = arith.index_cast %add3A_492 : i32 to index
        %get3A_494 = arith.constant 0 : index
        %get3A_495 = tpu.vector_load %arg14[%get3A_493, %get3A_494] {strides = array<i32>} : memref<64x64xf32, #tpu.memory_space<vmem>>, vector<16xf32>,
        %mul3A_496 = vector.broadcast %squeeze3A_488 : f32 to vector<16xf32>
        %mul3A_497 = arith.mulf %mul3A_496, %get3A_495 : vector<16xf32>
        %add3A_498 = arith.addf %add3A_468, %mul3A_497 : vector<16xf32>
        %get3A_499 = arith.index_cast %add3A_492 : i32 to index
        %get3A_500 = arith.constant 16 : index
        %get3A_501 = tpu.vector_load %arg14[%get3A_499, %get3A_500] {strides = array<i32>} : memref<64x64xf32, #tpu.memory_space<vmem>>, vector<16xf32>,
        %mul3A_502 = vector.broadcast %squeeze3A_488 : f32 to vector<16xf32>
        %mul3A_503 = arith.mulf %mul3A_502, %get3A_501 : vector<16xf32>
        %add3A_504 = arith.addf %add3A_474, %mul3A_503 : vector<16xf32>
        %get3A_505 = arith.index_cast %add3A_492 : i32 to index
        %get3A_506 = arith.constant 32 : index
        %get3A_507 = tpu.vector_load %arg14[%get3A_505, %get3A_506] {strides = array<i32>} : memref<64x64xf32, #tpu.memory_space<vmem>>, vector<16xf32>,
        %mul3A_508 = vector.broadcast %squeeze3A_488 : f32 to vector<16xf32>
        %mul3A_509 = arith.mulf %mul3A_508, %get3A_507 : vector<16xf32>
        %add3A_510 = arith.addf %add3A_480, %mul3A_509 : vector<16xf32>
        %get3A_511 = arith.index_cast %add3A_492 : i32 to index
        %get3A_512 = arith.constant 48 : index
        %get3A_513 = tpu.vector_load %arg14[%get3A_511, %get3A_512] {strides = array<i32>} : memref<64x64xf32, #tpu.memory_space<vmem>>, vector<16xf32>,
        %mul3A_514 = vector.broadcast %squeeze3A_488 : f32 to vector<16xf32>
        %mul3A_515 = arith.mulf %mul3A_514, %get3A_513 : vector<16xf32>
        %add3A_516 = arith.addf %add3A_486, %mul3A_515 : vector<16xf32>
        %slice3A_517 = vector.extract_strided_slice %get3A_126 {offsets = [13], sizes = [1], strides = [1]} : vector<16xf32> to vector<1xf32>
        %squeeze3A_518 = vector.extract %slice3A_517[0] : f32 from vector<1xf32>
        %mul3A_519 = arith.constant 16 : i32
        %mul3A_520 = arith.muli %scan3A_119, %mul3A_519 : i32
        %add3A_521 = arith.constant 13 : i32
        %add3A_522 = arith.addi %mul3A_520, %add3A_521 : i32
        %get3A_523 = arith.index_cast %add3A_522 : i32 to index
        %get3A_524 = arith.constant 0 : index
        %get3A_525 = tpu.vector_load %arg14[%get3A_523, %get3A_524] {strides = array<i32>} : memref<64x64xf32, #tpu.memory_space<vmem>>, vector<16xf32>,
        %mul3A_526 = vector.broadcast %squeeze3A_518 : f32 to vector<16xf32>
        %mul3A_527 = arith.mulf %mul3A_526, %get3A_525 : vector<16xf32>
        %add3A_528 = arith.addf %add3A_498, %mul3A_527 : vector<16xf32>
        %get3A_529 = arith.index_cast %add3A_522 : i32 to index
        %get3A_530 = arith.constant 16 : index
        %get3A_531 = tpu.vector_load %arg14[%get3A_529, %get3A_530] {strides = array<i32>} : memref<64x64xf32, #tpu.memory_space<vmem>>, vector<16xf32>,
        %mul3A_532 = vector.broadcast %squeeze3A_518 : f32 to vector<16xf32>
        %mul3A_533 = arith.mulf %mul3A_532, %get3A_531 : vector<16xf32>
        %add3A_534 = arith.addf %add3A_504, %mul3A_533 : vector<16xf32>
        %get3A_535 = arith.index_cast %add3A_522 : i32 to index
        %get3A_536 = arith.constant 32 : index
        %get3A_537 = tpu.vector_load %arg14[%get3A_535, %get3A_536] {strides = array<i32>} : memref<64x64xf32, #tpu.memory_space<vmem>>, vector<16xf32>,
        %mul3A_538 = vector.broadcast %squeeze3A_518 : f32 to vector<16xf32>
        %mul3A_539 = arith.mulf %mul3A_538, %get3A_537 : vector<16xf32>
        %add3A_540 = arith.addf %add3A_510, %mul3A_539 : vector<16xf32>
        %get3A_541 = arith.index_cast %add3A_522 : i32 to index
        %get3A_542 = arith.constant 48 : index
        %get3A_543 = tpu.vector_load %arg14[%get3A_541, %get3A_542] {strides = array<i32>} : memref<64x64xf32, #tpu.memory_space<vmem>>, vector<16xf32>,
        %mul3A_544 = vector.broadcast %squeeze3A_518 : f32 to vector<16xf32>
        %mul3A_545 = arith.mulf %mul3A_544, %get3A_543 : vector<16xf32>
        %add3A_546 = arith.addf %add3A_516, %mul3A_545 : vector<16xf32>
        %slice3A_547 = vector.extract_strided_slice %get3A_126 {offsets = [14], sizes = [1], strides = [1]} : vector<16xf32> to vector<1xf32>
        %squeeze3A_548 = vector.extract %slice3A_547[0] : f32 from vector<1xf32>
        %mul3A_549 = arith.constant 16 : i32
        %mul3A_550 = arith.muli %scan3A_119, %mul3A_549 : i32
        %add3A_551 = arith.constant 14 : i32
        %add3A_552 = arith.addi %mul3A_550, %add3A_551 : i32
        %get3A_553 = arith.index_cast %add3A_552 : i32 to index
        %get3A_554 = arith.constant 0 : index
        %get3A_555 = tpu.vector_load %arg14[%get3A_553, %get3A_554] {strides = array<i32>} : memref<64x64xf32, #tpu.memory_space<vmem>>, vector<16xf32>,
        %mul3A_556 = vector.broadcast %squeeze3A_548 : f32 to vector<16xf32>
        %mul3A_557 = arith.mulf %mul3A_556, %get3A_555 : vector<16xf32>
        %add3A_558 = arith.addf %add3A_528, %mul3A_557 : vector<16xf32>
        %get3A_559 = arith.index_cast %add3A_552 : i32 to index
        %get3A_560 = arith.constant 16 : index
        %get3A_561 = tpu.vector_load %arg14[%get3A_559, %get3A_560] {strides = array<i32>} : memref<64x64xf32, #tpu.memory_space<vmem>>, vector<16xf32>,
        %mul3A_562 = vector.broadcast %squeeze3A_548 : f32 to vector<16xf32>
        %mul3A_563 = arith.mulf %mul3A_562, %get3A_561 : vector<16xf32>
        %add3A_564 = arith.addf %add3A_534, %mul3A_563 : vector<16xf32>
        %get3A_565 = arith.index_cast %add3A_552 : i32 to index
        %get3A_566 = arith.constant 32 : index
        %get3A_567 = tpu.vector_load %arg14[%get3A_565, %get3A_566] {strides = array<i32>} : memref<64x64xf32, #tpu.memory_space<vmem>>, vector<16xf32>,
        %mul3A_568 = vector.broadcast %squeeze3A_548 : f32 to vector<16xf32>
        %mul3A_569 = arith.mulf %mul3A_568, %get3A_567 : vector<16xf32>
        %add3A_570 = arith.addf %add3A_540, %mul3A_569 : vector<16xf32>
        %get3A_571 = arith.index_cast %add3A_552 : i32 to index
        %get3A_572 = arith.constant 48 : index
        %get3A_573 = tpu.vector_load %arg14[%get3A_571, %get3A_572] {strides = array<i32>} : memref<64x64xf32, #tpu.memory_space<vmem>>, vector<16xf32>,
        %mul3A_574 = vector.broadcast %squeeze3A_548 : f32 to vector<16xf32>
        %mul3A_575 = arith.mulf %mul3A_574, %get3A_573 : vector<16xf32>
        %add3A_576 = arith.addf %add3A_546, %mul3A_575 : vector<16xf32>
        %slice3A_577 = vector.extract_strided_slice %get3A_126 {offsets = [15], sizes = [1], strides = [1]} : vector<16xf32> to vector<1xf32>
        %squeeze3A_578 = vector.extract %slice3A_577[0] : f32 from vector<1xf32>
        %mul3A_579 = arith.constant 16 : i32
        %mul3A_580 = arith.muli %scan3A_119, %mul3A_579 : i32
        %add3A_581 = arith.constant 15 : i32
        %add3A_582 = arith.addi %mul3A_580, %add3A_581 : i32
        %get3A_583 = arith.index_cast %add3A_582 : i32 to index
        %get3A_584 = arith.constant 0 : index
        %get3A_585 = tpu.vector_load %arg14[%get3A_583, %get3A_584] {strides = array<i32>} : memref<64x64xf32, #tpu.memory_space<vmem>>, vector<16xf32>,
        %mul3A_586 = vector.broadcast %squeeze3A_578 : f32 to vector<16xf32>
        %mul3A_587 = arith.mulf %mul3A_586, %get3A_585 : vector<16xf32>
        %add3A_588 = arith.addf %add3A_558, %mul3A_587 : vector<16xf32>
        %get3A_589 = arith.index_cast %add3A_582 : i32 to index
        %get3A_590 = arith.constant 16 : index
        %get3A_591 = tpu.vector_load %arg14[%get3A_589, %get3A_590] {strides = array<i32>} : memref<64x64xf32, #tpu.memory_space<vmem>>, vector<16xf32>,
        %mul3A_592 = vector.broadcast %squeeze3A_578 : f32 to vector<16xf32>
        %mul3A_593 = arith.mulf %mul3A_592, %get3A_591 : vector<16xf32>
        %add3A_594 = arith.addf %add3A_564, %mul3A_593 : vector<16xf32>
        %get3A_595 = arith.index_cast %add3A_582 : i32 to index
        %get3A_596 = arith.constant 32 : index
        %get3A_597 = tpu.vector_load %arg14[%get3A_595, %get3A_596] {strides = array<i32>} : memref<64x64xf32, #tpu.memory_space<vmem>>, vector<16xf32>,
        %mul3A_598 = vector.broadcast %squeeze3A_578 : f32 to vector<16xf32>
        %mul3A_599 = arith.mulf %mul3A_598, %get3A_597 : vector<16xf32>
        %add3A_600 = arith.addf %add3A_570, %mul3A_599 : vector<16xf32>
        %get3A_601 = arith.index_cast %add3A_582 : i32 to index
        %get3A_602 = arith.constant 48 : index
        %get3A_603 = tpu.vector_load %arg14[%get3A_601, %get3A_602] {strides = array<i32>} : memref<64x64xf32, #tpu.memory_space<vmem>>, vector<16xf32>,
        %mul3A_604 = vector.broadcast %squeeze3A_578 : f32 to vector<16xf32>
        %mul3A_605 = arith.mulf %mul3A_604, %get3A_603 : vector<16xf32>
        %add3A_606 = arith.addf %add3A_576, %mul3A_605 : vector<16xf32>
        scf.yield %add3A_588, %add3A_594, %add3A_600, %add3A_606 : vector<16xf32>, vector<16xf32>, vector<16xf32>, vector<16xf32>
      }
      %scan3A_58 = arith.constant 4 : i32
      %mul3A = arith.constant 2.000000e+00 : f32
      %mul3A_59 = vector.broadcast %mul3A : f32 to vector<16xf32>
      %mul3A_60 = arith.mulf %mul3A_59, %scan3A_57#0 : vector<16xf32>
      %exp3A = math.exp %mul3A_60 : vector<16xf32>
      %add3A_61 = arith.constant 1.000000e+00 : f32
      %add3A_62 = vector.broadcast %add3A_61 : f32 to vector<16xf32>
      %add3A_63 = arith.addf %exp3A, %add3A_62 : vector<16xf32>
      %div3A = arith.constant 2.000000e+00 : f32
      %div3A_64 = vector.broadcast %div3A : f32 to vector<16xf32>
      %div3A_65 = arith.divf %div3A_64, %add3A_63 : vector<16xf32>
      %sub3A_66 = arith.constant 1.000000e+00 : f32
      %sub3A_67 = vector.broadcast %sub3A_66 : f32 to vector<16xf32>
      %sub3A_68 = arith.subf %sub3A_67, %div3A_65 : vector<16xf32>
      %swap3A_69 = arith.constant 0 : index
      %swap3A_70 = tpu.vector_load %arg17[%swap3A_69] {strides = array<i32>} : memref<64xf32, #tpu.memory_space<vmem>>, vector<16xf32>,
      tpu.vector_store %arg17[%swap3A_69], %sub3A_68 {strides = array<i32>} : memref<64xf32, #tpu.memory_space<vmem>>, vector<16xf32>,
      %mul3A_71 = arith.constant 2.000000e+00 : f32
      %mul3A_72 = vector.broadcast %mul3A_71 : f32 to vector<16xf32>
      %mul3A_73 = arith.mulf %mul3A_72, %scan3A_57#1 : vector<16xf32>
      %exp3A_74 = math.exp %mul3A_73 : vector<16xf32>
      %add3A_75 = arith.constant 1.000000e+00 : f32
      %add3A_76 = vector.broadcast %add3A_75 : f32 to vector<16xf32>
      %add3A_77 = arith.addf %exp3A_74, %add3A_76 : vector<16xf32>
      %div3A_78 = arith.constant 2.000000e+00 : f32
      %div3A_79 = vector.broadcast %div3A_78 : f32 to vector<16xf32>
      %div3A_80 = arith.divf %div3A_79, %add3A_77 : vector<16xf32>
      %sub3A_81 = arith.constant 1.000000e+00 : f32
      %sub3A_82 = vector.broadcast %sub3A_81 : f32 to vector<16xf32>
      %sub3A_83 = arith.subf %sub3A_82, %div3A_80 : vector<16xf32>
      %swap3A_84 = arith.constant 16 : index
      %swap3A_85 = tpu.vector_load %arg17[%swap3A_84] {strides = array<i32>} : memref<64xf32, #tpu.memory_space<vmem>>, vector<16xf32>,
      tpu.vector_store %arg17[%swap3A_84], %sub3A_83 {strides = array<i32>} : memref<64xf32, #tpu.memory_space<vmem>>, vector<16xf32>,
      %mul3A_86 = arith.constant 2.000000e+00 : f32
      %mul3A_87 = vector.broadcast %mul3A_86 : f32 to vector<16xf32>
      %mul3A_88 = arith.mulf %mul3A_87, %scan3A_57#2 : vector<16xf32>
      %exp3A_89 = math.exp %mul3A_88 : vector<16xf32>
      %add3A_90 = arith.constant 1.000000e+00 : f32
      %add3A_91 = vector.broadcast %add3A_90 : f32 to vector<16xf32>
      %add3A_92 = arith.addf %exp3A_89, %add3A_91 : vector<16xf32>
      %div3A_93 = arith.constant 2.000000e+00 : f32
      %div3A_94 = vector.broadcast %div3A_93 : f32 to vector<16xf32>
      %div3A_95 = arith.divf %div3A_94, %add3A_92 : vector<16xf32>
      %sub3A_96 = arith.constant 1.000000e+00 : f32
      %sub3A_97 = vector.broadcast %sub3A_96 : f32 to vector<16xf32>
      %sub3A_98 = arith.subf %sub3A_97, %div3A_95 : vector<16xf32>
      %swap3A_99 = arith.constant 32 : index
      %swap3A_100 = tpu.vector_load %arg17[%swap3A_99] {strides = array<i32>} : memref<64xf32, #tpu.memory_space<vmem>>, vector<16xf32>,
      tpu.vector_store %arg17[%swap3A_99], %sub3A_98 {strides = array<i32>} : memref<64xf32, #tpu.memory_space<vmem>>, vector<16xf32>,
      %mul3A_101 = arith.constant 2.000000e+00 : f32
      %mul3A_102 = vector.broadcast %mul3A_101 : f32 to vector<16xf32>
      %mul3A_103 = arith.mulf %mul3A_102, %scan3A_57#3 : vector<16xf32>
      %exp3A_104 = math.exp %mul3A_103 : vector<16xf32>
      %add3A_105 = arith.constant 1.000000e+00 : f32
      %add3A_106 = vector.broadcast %add3A_105 : f32 to vector<16xf32>
      %add3A_107 = arith.addf %exp3A_104, %add3A_106 : vector<16xf32>
      %div3A_108 = arith.constant 2.000000e+00 : f32
      %div3A_109 = vector.broadcast %div3A_108 : f32 to vector<16xf32>
      %div3A_110 = arith.divf %div3A_109, %add3A_107 : vector<16xf32>
      %sub3A_111 = arith.constant 1.000000e+00 : f32
      %sub3A_112 = vector.broadcast %sub3A_111 : f32 to vector<16xf32>
      %sub3A_113 = arith.subf %sub3A_112, %div3A_110 : vector<16xf32>
      %swap3A_114 = arith.constant 48 : index
      %swap3A_115 = tpu.vector_load %arg17[%swap3A_114] {strides = array<i32>} : memref<64xf32, #tpu.memory_space<vmem>>, vector<16xf32>,
      tpu.vector_store %arg17[%swap3A_114], %sub3A_113 {strides = array<i32>} : memref<64xf32, #tpu.memory_space<vmem>>, vector<16xf32>,
      %convert_element_type3A_116 = arith.extui %lt3A_8 : i1 to i32
      %cond3A_117 = arith.constant 0 : i32
      %cond3A_118 = arith.cmpi ne, %convert_element_type3A_116, %cond3A_117 : i32
      scf.if %cond3A_118 {
        "tpu.region"() ({
          %run_scoped3A = tpu.sem_alloc : memref<!tpu.dma_semaphore, #tpu.memory_space<semaphore_mem>>
          tpu.enqueue_dma source(%arg8 : memref<64x64xf32, #tpu.memory_space<hbm>>) target(%arg15 : memref<64x64xf32, #tpu.memory_space<vmem>>) target_semaphore(%run_scoped3A : memref<!tpu.dma_semaphore, #tpu.memory_space<semaphore_mem>>)
          tpu.wait_dma2 semaphore(%run_scoped3A : memref<!tpu.dma_semaphore, #tpu.memory_space<semaphore_mem>>) src(%arg8 : memref<64x64xf32, #tpu.memory_space<hbm>>) dst(%arg15 : memref<64x64xf32, #tpu.memory_space<vmem>>)
          tpu.yield
        }) : () -> ()
        %broadcast_in_dim3A_119 = arith.constant 0.000000e+00 : f32
        %broadcast_in_dim3A_120 = vector.broadcast %broadcast_in_dim3A_119 : f32 to vector<16xf32>
        %scan3A_121 = arith.constant 0 : i32
        %scan3A_122 = arith.constant 4 : i32
        %scan3A_123 = arith.addi %scan3A_121, %scan3A_122 : i32
        %scan3A_124 = arith.constant 1 : i32
        %scan3A_125:4 = scf.for %scan3A_135 = %scan3A_121 to %scan3A_123 step %scan3A_124 iter_args(%scan3A_136 = %broadcast_in_dim3A_120, %scan3A_137 = %broadcast_in_dim3A_120, %scan3A_138 = %broadcast_in_dim3A_120, %scan3A_139 = %broadcast_in_dim3A_120) -> (vector<16xf32>, vector<16xf32>, vector<16xf32>, vector<16xf32>)  : i32 {
          %mul3A_140 = arith.constant 16 : i32
          %mul3A_141 = arith.muli %scan3A_135, %mul3A_140 : i32
          %get3A = arith.index_cast %mul3A_141 : i32 to index
          %get3A_142 = tpu.vector_load %arg17[%get3A] {strides = array<i32>} : memref<64xf32, #tpu.memory_space<vmem>>, vector<16xf32>,
          %slice3A_143 = vector.extract_strided_slice %get3A_142 {offsets = [0], sizes = [1], strides = [1]} : vector<16xf32> to vector<1xf32>
          %squeeze3A_144 = vector.extract %slice3A_143[0] : f32 from vector<1xf32>
          %mul3A_145 = arith.constant 16 : i32
          %mul3A_146 = arith.muli %scan3A_135, %mul3A_145 : i32
          %add3A_147 = arith.constant 0 : i32
          %add3A_148 = arith.addi %mul3A_146, %add3A_147 : i32
          %get3A_149 = arith.index_cast %add3A_148 : i32 to index
          %get3A_150 = arith.constant 0 : index
          %get3A_151 = tpu.vector_load %arg15[%get3A_149, %get3A_150] {strides = array<i32>} : memref<64x64xf32, #tpu.memory_space<vmem>>, vector<16xf32>,
          %mul3A_152 = vector.broadcast %squeeze3A_144 : f32 to vector<16xf32>
          %mul3A_153 = arith.mulf %mul3A_152, %get3A_151 : vector<16xf32>
          %add3A_154 = arith.addf %scan3A_136, %mul3A_153 : vector<16xf32>
          %get3A_155 = arith.index_cast %add3A_148 : i32 to index
          %get3A_156 = arith.constant 16 : index
          %get3A_157 = tpu.vector_load %arg15[%get3A_155, %get3A_156] {strides = array<i32>} : memref<64x64xf32, #tpu.memory_space<vmem>>, vector<16xf32>,
          %mul3A_158 = vector.broadcast %squeeze3A_144 : f32 to vector<16xf32>
          %mul3A_159 = arith.mulf %mul3A_158, %get3A_157 : vector<16xf32>
          %add3A_160 = arith.addf %scan3A_137, %mul3A_159 : vector<16xf32>
          %get3A_161 = arith.index_cast %add3A_148 : i32 to index
          %get3A_162 = arith.constant 32 : index
          %get3A_163 = tpu.vector_load %arg15[%get3A_161, %get3A_162] {strides = array<i32>} : memref<64x64xf32, #tpu.memory_space<vmem>>, vector<16xf32>,
          %mul3A_164 = vector.broadcast %squeeze3A_144 : f32 to vector<16xf32>
          %mul3A_165 = arith.mulf %mul3A_164, %get3A_163 : vector<16xf32>
          %add3A_166 = arith.addf %scan3A_138, %mul3A_165 : vector<16xf32>
          %get3A_167 = arith.index_cast %add3A_148 : i32 to index
          %get3A_168 = arith.constant 48 : index
          %get3A_169 = tpu.vector_load %arg15[%get3A_167, %get3A_168] {strides = array<i32>} : memref<64x64xf32, #tpu.memory_space<vmem>>, vector<16xf32>,
          %mul3A_170 = vector.broadcast %squeeze3A_144 : f32 to vector<16xf32>
          %mul3A_171 = arith.mulf %mul3A_170, %get3A_169 : vector<16xf32>
          %add3A_172 = arith.addf %scan3A_139, %mul3A_171 : vector<16xf32>
          %slice3A_173 = vector.extract_strided_slice %get3A_142 {offsets = [1], sizes = [1], strides = [1]} : vector<16xf32> to vector<1xf32>
          %squeeze3A_174 = vector.extract %slice3A_173[0] : f32 from vector<1xf32>
          %mul3A_175 = arith.constant 16 : i32
          %mul3A_176 = arith.muli %scan3A_135, %mul3A_175 : i32
          %add3A_177 = arith.constant 1 : i32
          %add3A_178 = arith.addi %mul3A_176, %add3A_177 : i32
          %get3A_179 = arith.index_cast %add3A_178 : i32 to index
          %get3A_180 = arith.constant 0 : index
          %get3A_181 = tpu.vector_load %arg15[%get3A_179, %get3A_180] {strides = array<i32>} : memref<64x64xf32, #tpu.memory_space<vmem>>, vector<16xf32>,
          %mul3A_182 = vector.broadcast %squeeze3A_174 : f32 to vector<16xf32>
          %mul3A_183 = arith.mulf %mul3A_182, %get3A_181 : vector<16xf32>
          %add3A_184 = arith.addf %add3A_154, %mul3A_183 : vector<16xf32>
          %get3A_185 = arith.index_cast %add3A_178 : i32 to index
          %get3A_186 = arith.constant 16 : index
          %get3A_187 = tpu.vector_load %arg15[%get3A_185, %get3A_186] {strides = array<i32>} : memref<64x64xf32, #tpu.memory_space<vmem>>, vector<16xf32>,
          %mul3A_188 = vector.broadcast %squeeze3A_174 : f32 to vector<16xf32>
          %mul3A_189 = arith.mulf %mul3A_188, %get3A_187 : vector<16xf32>
          %add3A_190 = arith.addf %add3A_160, %mul3A_189 : vector<16xf32>
          %get3A_191 = arith.index_cast %add3A_178 : i32 to index
          %get3A_192 = arith.constant 32 : index
          %get3A_193 = tpu.vector_load %arg15[%get3A_191, %get3A_192] {strides = array<i32>} : memref<64x64xf32, #tpu.memory_space<vmem>>, vector<16xf32>,
          %mul3A_194 = vector.broadcast %squeeze3A_174 : f32 to vector<16xf32>
          %mul3A_195 = arith.mulf %mul3A_194, %get3A_193 : vector<16xf32>
          %add3A_196 = arith.addf %add3A_166, %mul3A_195 : vector<16xf32>
          %get3A_197 = arith.index_cast %add3A_178 : i32 to index
          %get3A_198 = arith.constant 48 : index
          %get3A_199 = tpu.vector_load %arg15[%get3A_197, %get3A_198] {strides = array<i32>} : memref<64x64xf32, #tpu.memory_space<vmem>>, vector<16xf32>,
          %mul3A_200 = vector.broadcast %squeeze3A_174 : f32 to vector<16xf32>
          %mul3A_201 = arith.mulf %mul3A_200, %get3A_199 : vector<16xf32>
          %add3A_202 = arith.addf %add3A_172, %mul3A_201 : vector<16xf32>
          %slice3A_203 = vector.extract_strided_slice %get3A_142 {offsets = [2], sizes = [1], strides = [1]} : vector<16xf32> to vector<1xf32>
          %squeeze3A_204 = vector.extract %slice3A_203[0] : f32 from vector<1xf32>
          %mul3A_205 = arith.constant 16 : i32
          %mul3A_206 = arith.muli %scan3A_135, %mul3A_205 : i32
          %add3A_207 = arith.constant 2 : i32
          %add3A_208 = arith.addi %mul3A_206, %add3A_207 : i32
          %get3A_209 = arith.index_cast %add3A_208 : i32 to index
          %get3A_210 = arith.constant 0 : index
          %get3A_211 = tpu.vector_load %arg15[%get3A_209, %get3A_210] {strides = array<i32>} : memref<64x64xf32, #tpu.memory_space<vmem>>, vector<16xf32>,
          %mul3A_212 = vector.broadcast %squeeze3A_204 : f32 to vector<16xf32>
          %mul3A_213 = arith.mulf %mul3A_212, %get3A_211 : vector<16xf32>
          %add3A_214 = arith.addf %add3A_184, %mul3A_213 : vector<16xf32>
          %get3A_215 = arith.index_cast %add3A_208 : i32 to index
          %get3A_216 = arith.constant 16 : index
          %get3A_217 = tpu.vector_load %arg15[%get3A_215, %get3A_216] {strides = array<i32>} : memref<64x64xf32, #tpu.memory_space<vmem>>, vector<16xf32>,
          %mul3A_218 = vector.broadcast %squeeze3A_204 : f32 to vector<16xf32>
          %mul3A_219 = arith.mulf %mul3A_218, %get3A_217 : vector<16xf32>
          %add3A_220 = arith.addf %add3A_190, %mul3A_219 : vector<16xf32>
          %get3A_221 = arith.index_cast %add3A_208 : i32 to index
          %get3A_222 = arith.constant 32 : index
          %get3A_223 = tpu.vector_load %arg15[%get3A_221, %get3A_222] {strides = array<i32>} : memref<64x64xf32, #tpu.memory_space<vmem>>, vector<16xf32>,
          %mul3A_224 = vector.broadcast %squeeze3A_204 : f32 to vector<16xf32>
          %mul3A_225 = arith.mulf %mul3A_224, %get3A_223 : vector<16xf32>
          %add3A_226 = arith.addf %add3A_196, %mul3A_225 : vector<16xf32>
          %get3A_227 = arith.index_cast %add3A_208 : i32 to index
          %get3A_228 = arith.constant 48 : index
          %get3A_229 = tpu.vector_load %arg15[%get3A_227, %get3A_228] {strides = array<i32>} : memref<64x64xf32, #tpu.memory_space<vmem>>, vector<16xf32>,
          %mul3A_230 = vector.broadcast %squeeze3A_204 : f32 to vector<16xf32>
          %mul3A_231 = arith.mulf %mul3A_230, %get3A_229 : vector<16xf32>
          %add3A_232 = arith.addf %add3A_202, %mul3A_231 : vector<16xf32>
          %slice3A_233 = vector.extract_strided_slice %get3A_142 {offsets = [3], sizes = [1], strides = [1]} : vector<16xf32> to vector<1xf32>
          %squeeze3A_234 = vector.extract %slice3A_233[0] : f32 from vector<1xf32>
          %mul3A_235 = arith.constant 16 : i32
          %mul3A_236 = arith.muli %scan3A_135, %mul3A_235 : i32
          %add3A_237 = arith.constant 3 : i32
          %add3A_238 = arith.addi %mul3A_236, %add3A_237 : i32
          %get3A_239 = arith.index_cast %add3A_238 : i32 to index
          %get3A_240 = arith.constant 0 : index
          %get3A_241 = tpu.vector_load %arg15[%get3A_239, %get3A_240] {strides = array<i32>} : memref<64x64xf32, #tpu.memory_space<vmem>>, vector<16xf32>,
          %mul3A_242 = vector.broadcast %squeeze3A_234 : f32 to vector<16xf32>
          %mul3A_243 = arith.mulf %mul3A_242, %get3A_241 : vector<16xf32>
          %add3A_244 = arith.addf %add3A_214, %mul3A_243 : vector<16xf32>
          %get3A_245 = arith.index_cast %add3A_238 : i32 to index
          %get3A_246 = arith.constant 16 : index
          %get3A_247 = tpu.vector_load %arg15[%get3A_245, %get3A_246] {strides = array<i32>} : memref<64x64xf32, #tpu.memory_space<vmem>>, vector<16xf32>,
          %mul3A_248 = vector.broadcast %squeeze3A_234 : f32 to vector<16xf32>
          %mul3A_249 = arith.mulf %mul3A_248, %get3A_247 : vector<16xf32>
          %add3A_250 = arith.addf %add3A_220, %mul3A_249 : vector<16xf32>
          %get3A_251 = arith.index_cast %add3A_238 : i32 to index
          %get3A_252 = arith.constant 32 : index
          %get3A_253 = tpu.vector_load %arg15[%get3A_251, %get3A_252] {strides = array<i32>} : memref<64x64xf32, #tpu.memory_space<vmem>>, vector<16xf32>,
          %mul3A_254 = vector.broadcast %squeeze3A_234 : f32 to vector<16xf32>
          %mul3A_255 = arith.mulf %mul3A_254, %get3A_253 : vector<16xf32>
          %add3A_256 = arith.addf %add3A_226, %mul3A_255 : vector<16xf32>
          %get3A_257 = arith.index_cast %add3A_238 : i32 to index
          %get3A_258 = arith.constant 48 : index
          %get3A_259 = tpu.vector_load %arg15[%get3A_257, %get3A_258] {strides = array<i32>} : memref<64x64xf32, #tpu.memory_space<vmem>>, vector<16xf32>,
          %mul3A_260 = vector.broadcast %squeeze3A_234 : f32 to vector<16xf32>
          %mul3A_261 = arith.mulf %mul3A_260, %get3A_259 : vector<16xf32>
          %add3A_262 = arith.addf %add3A_232, %mul3A_261 : vector<16xf32>
          %slice3A_263 = vector.extract_strided_slice %get3A_142 {offsets = [4], sizes = [1], strides = [1]} : vector<16xf32> to vector<1xf32>
          %squeeze3A_264 = vector.extract %slice3A_263[0] : f32 from vector<1xf32>
          %mul3A_265 = arith.constant 16 : i32
          %mul3A_266 = arith.muli %scan3A_135, %mul3A_265 : i32
          %add3A_267 = arith.constant 4 : i32
          %add3A_268 = arith.addi %mul3A_266, %add3A_267 : i32
          %get3A_269 = arith.index_cast %add3A_268 : i32 to index
          %get3A_270 = arith.constant 0 : index
          %get3A_271 = tpu.vector_load %arg15[%get3A_269, %get3A_270] {strides = array<i32>} : memref<64x64xf32, #tpu.memory_space<vmem>>, vector<16xf32>,
          %mul3A_272 = vector.broadcast %squeeze3A_264 : f32 to vector<16xf32>
          %mul3A_273 = arith.mulf %mul3A_272, %get3A_271 : vector<16xf32>
          %add3A_274 = arith.addf %add3A_244, %mul3A_273 : vector<16xf32>
          %get3A_275 = arith.index_cast %add3A_268 : i32 to index
          %get3A_276 = arith.constant 16 : index
          %get3A_277 = tpu.vector_load %arg15[%get3A_275, %get3A_276] {strides = array<i32>} : memref<64x64xf32, #tpu.memory_space<vmem>>, vector<16xf32>,
          %mul3A_278 = vector.broadcast %squeeze3A_264 : f32 to vector<16xf32>
          %mul3A_279 = arith.mulf %mul3A_278, %get3A_277 : vector<16xf32>
          %add3A_280 = arith.addf %add3A_250, %mul3A_279 : vector<16xf32>
          %get3A_281 = arith.index_cast %add3A_268 : i32 to index
          %get3A_282 = arith.constant 32 : index
          %get3A_283 = tpu.vector_load %arg15[%get3A_281, %get3A_282] {strides = array<i32>} : memref<64x64xf32, #tpu.memory_space<vmem>>, vector<16xf32>,
          %mul3A_284 = vector.broadcast %squeeze3A_264 : f32 to vector<16xf32>
          %mul3A_285 = arith.mulf %mul3A_284, %get3A_283 : vector<16xf32>
          %add3A_286 = arith.addf %add3A_256, %mul3A_285 : vector<16xf32>
          %get3A_287 = arith.index_cast %add3A_268 : i32 to index
          %get3A_288 = arith.constant 48 : index
          %get3A_289 = tpu.vector_load %arg15[%get3A_287, %get3A_288] {strides = array<i32>} : memref<64x64xf32, #tpu.memory_space<vmem>>, vector<16xf32>,
          %mul3A_290 = vector.broadcast %squeeze3A_264 : f32 to vector<16xf32>
          %mul3A_291 = arith.mulf %mul3A_290, %get3A_289 : vector<16xf32>
          %add3A_292 = arith.addf %add3A_262, %mul3A_291 : vector<16xf32>
          %slice3A_293 = vector.extract_strided_slice %get3A_142 {offsets = [5], sizes = [1], strides = [1]} : vector<16xf32> to vector<1xf32>
          %squeeze3A_294 = vector.extract %slice3A_293[0] : f32 from vector<1xf32>
          %mul3A_295 = arith.constant 16 : i32
          %mul3A_296 = arith.muli %scan3A_135, %mul3A_295 : i32
          %add3A_297 = arith.constant 5 : i32
          %add3A_298 = arith.addi %mul3A_296, %add3A_297 : i32
          %get3A_299 = arith.index_cast %add3A_298 : i32 to index
          %get3A_300 = arith.constant 0 : index
          %get3A_301 = tpu.vector_load %arg15[%get3A_299, %get3A_300] {strides = array<i32>} : memref<64x64xf32, #tpu.memory_space<vmem>>, vector<16xf32>,
          %mul3A_302 = vector.broadcast %squeeze3A_294 : f32 to vector<16xf32>
          %mul3A_303 = arith.mulf %mul3A_302, %get3A_301 : vector<16xf32>
          %add3A_304 = arith.addf %add3A_274, %mul3A_303 : vector<16xf32>
          %get3A_305 = arith.index_cast %add3A_298 : i32 to index
          %get3A_306 = arith.constant 16 : index
          %get3A_307 = tpu.vector_load %arg15[%get3A_305, %get3A_306] {strides = array<i32>} : memref<64x64xf32, #tpu.memory_space<vmem>>, vector<16xf32>,
          %mul3A_308 = vector.broadcast %squeeze3A_294 : f32 to vector<16xf32>
          %mul3A_309 = arith.mulf %mul3A_308, %get3A_307 : vector<16xf32>
          %add3A_310 = arith.addf %add3A_280, %mul3A_309 : vector<16xf32>
          %get3A_311 = arith.index_cast %add3A_298 : i32 to index
          %get3A_312 = arith.constant 32 : index
          %get3A_313 = tpu.vector_load %arg15[%get3A_311, %get3A_312] {strides = array<i32>} : memref<64x64xf32, #tpu.memory_space<vmem>>, vector<16xf32>,
          %mul3A_314 = vector.broadcast %squeeze3A_294 : f32 to vector<16xf32>
          %mul3A_315 = arith.mulf %mul3A_314, %get3A_313 : vector<16xf32>
          %add3A_316 = arith.addf %add3A_286, %mul3A_315 : vector<16xf32>
          %get3A_317 = arith.index_cast %add3A_298 : i32 to index
          %get3A_318 = arith.constant 48 : index
          %get3A_319 = tpu.vector_load %arg15[%get3A_317, %get3A_318] {strides = array<i32>} : memref<64x64xf32, #tpu.memory_space<vmem>>, vector<16xf32>,
          %mul3A_320 = vector.broadcast %squeeze3A_294 : f32 to vector<16xf32>
          %mul3A_321 = arith.mulf %mul3A_320, %get3A_319 : vector<16xf32>
          %add3A_322 = arith.addf %add3A_292, %mul3A_321 : vector<16xf32>
          %slice3A_323 = vector.extract_strided_slice %get3A_142 {offsets = [6], sizes = [1], strides = [1]} : vector<16xf32> to vector<1xf32>
          %squeeze3A_324 = vector.extract %slice3A_323[0] : f32 from vector<1xf32>
          %mul3A_325 = arith.constant 16 : i32
          %mul3A_326 = arith.muli %scan3A_135, %mul3A_325 : i32
          %add3A_327 = arith.constant 6 : i32
          %add3A_328 = arith.addi %mul3A_326, %add3A_327 : i32
          %get3A_329 = arith.index_cast %add3A_328 : i32 to index
          %get3A_330 = arith.constant 0 : index
          %get3A_331 = tpu.vector_load %arg15[%get3A_329, %get3A_330] {strides = array<i32>} : memref<64x64xf32, #tpu.memory_space<vmem>>, vector<16xf32>,
          %mul3A_332 = vector.broadcast %squeeze3A_324 : f32 to vector<16xf32>
          %mul3A_333 = arith.mulf %mul3A_332, %get3A_331 : vector<16xf32>
          %add3A_334 = arith.addf %add3A_304, %mul3A_333 : vector<16xf32>
          %get3A_335 = arith.index_cast %add3A_328 : i32 to index
          %get3A_336 = arith.constant 16 : index
          %get3A_337 = tpu.vector_load %arg15[%get3A_335, %get3A_336] {strides = array<i32>} : memref<64x64xf32, #tpu.memory_space<vmem>>, vector<16xf32>,
          %mul3A_338 = vector.broadcast %squeeze3A_324 : f32 to vector<16xf32>
          %mul3A_339 = arith.mulf %mul3A_338, %get3A_337 : vector<16xf32>
          %add3A_340 = arith.addf %add3A_310, %mul3A_339 : vector<16xf32>
          %get3A_341 = arith.index_cast %add3A_328 : i32 to index
          %get3A_342 = arith.constant 32 : index
          %get3A_343 = tpu.vector_load %arg15[%get3A_341, %get3A_342] {strides = array<i32>} : memref<64x64xf32, #tpu.memory_space<vmem>>, vector<16xf32>,
          %mul3A_344 = vector.broadcast %squeeze3A_324 : f32 to vector<16xf32>
          %mul3A_345 = arith.mulf %mul3A_344, %get3A_343 : vector<16xf32>
          %add3A_346 = arith.addf %add3A_316, %mul3A_345 : vector<16xf32>
          %get3A_347 = arith.index_cast %add3A_328 : i32 to index
          %get3A_348 = arith.constant 48 : index
          %get3A_349 = tpu.vector_load %arg15[%get3A_347, %get3A_348] {strides = array<i32>} : memref<64x64xf32, #tpu.memory_space<vmem>>, vector<16xf32>,
          %mul3A_350 = vector.broadcast %squeeze3A_324 : f32 to vector<16xf32>
          %mul3A_351 = arith.mulf %mul3A_350, %get3A_349 : vector<16xf32>
          %add3A_352 = arith.addf %add3A_322, %mul3A_351 : vector<16xf32>
          %slice3A_353 = vector.extract_strided_slice %get3A_142 {offsets = [7], sizes = [1], strides = [1]} : vector<16xf32> to vector<1xf32>
          %squeeze3A_354 = vector.extract %slice3A_353[0] : f32 from vector<1xf32>
          %mul3A_355 = arith.constant 16 : i32
          %mul3A_356 = arith.muli %scan3A_135, %mul3A_355 : i32
          %add3A_357 = arith.constant 7 : i32
          %add3A_358 = arith.addi %mul3A_356, %add3A_357 : i32
          %get3A_359 = arith.index_cast %add3A_358 : i32 to index
          %get3A_360 = arith.constant 0 : index
          %get3A_361 = tpu.vector_load %arg15[%get3A_359, %get3A_360] {strides = array<i32>} : memref<64x64xf32, #tpu.memory_space<vmem>>, vector<16xf32>,
          %mul3A_362 = vector.broadcast %squeeze3A_354 : f32 to vector<16xf32>
          %mul3A_363 = arith.mulf %mul3A_362, %get3A_361 : vector<16xf32>
          %add3A_364 = arith.addf %add3A_334, %mul3A_363 : vector<16xf32>
          %get3A_365 = arith.index_cast %add3A_358 : i32 to index
          %get3A_366 = arith.constant 16 : index
          %get3A_367 = tpu.vector_load %arg15[%get3A_365, %get3A_366] {strides = array<i32>} : memref<64x64xf32, #tpu.memory_space<vmem>>, vector<16xf32>,
          %mul3A_368 = vector.broadcast %squeeze3A_354 : f32 to vector<16xf32>
          %mul3A_369 = arith.mulf %mul3A_368, %get3A_367 : vector<16xf32>
          %add3A_370 = arith.addf %add3A_340, %mul3A_369 : vector<16xf32>
          %get3A_371 = arith.index_cast %add3A_358 : i32 to index
          %get3A_372 = arith.constant 32 : index
          %get3A_373 = tpu.vector_load %arg15[%get3A_371, %get3A_372] {strides = array<i32>} : memref<64x64xf32, #tpu.memory_space<vmem>>, vector<16xf32>,
          %mul3A_374 = vector.broadcast %squeeze3A_354 : f32 to vector<16xf32>
          %mul3A_375 = arith.mulf %mul3A_374, %get3A_373 : vector<16xf32>
          %add3A_376 = arith.addf %add3A_346, %mul3A_375 : vector<16xf32>
          %get3A_377 = arith.index_cast %add3A_358 : i32 to index
          %get3A_378 = arith.constant 48 : index
          %get3A_379 = tpu.vector_load %arg15[%get3A_377, %get3A_378] {strides = array<i32>} : memref<64x64xf32, #tpu.memory_space<vmem>>, vector<16xf32>,
          %mul3A_380 = vector.broadcast %squeeze3A_354 : f32 to vector<16xf32>
          %mul3A_381 = arith.mulf %mul3A_380, %get3A_379 : vector<16xf32>
          %add3A_382 = arith.addf %add3A_352, %mul3A_381 : vector<16xf32>
          %slice3A_383 = vector.extract_strided_slice %get3A_142 {offsets = [8], sizes = [1], strides = [1]} : vector<16xf32> to vector<1xf32>
          %squeeze3A_384 = vector.extract %slice3A_383[0] : f32 from vector<1xf32>
          %mul3A_385 = arith.constant 16 : i32
          %mul3A_386 = arith.muli %scan3A_135, %mul3A_385 : i32
          %add3A_387 = arith.constant 8 : i32
          %add3A_388 = arith.addi %mul3A_386, %add3A_387 : i32
          %get3A_389 = arith.index_cast %add3A_388 : i32 to index
          %get3A_390 = arith.constant 0 : index
          %get3A_391 = tpu.vector_load %arg15[%get3A_389, %get3A_390] {strides = array<i32>} : memref<64x64xf32, #tpu.memory_space<vmem>>, vector<16xf32>,
          %mul3A_392 = vector.broadcast %squeeze3A_384 : f32 to vector<16xf32>
          %mul3A_393 = arith.mulf %mul3A_392, %get3A_391 : vector<16xf32>
          %add3A_394 = arith.addf %add3A_364, %mul3A_393 : vector<16xf32>
          %get3A_395 = arith.index_cast %add3A_388 : i32 to index
          %get3A_396 = arith.constant 16 : index
          %get3A_397 = tpu.vector_load %arg15[%get3A_395, %get3A_396] {strides = array<i32>} : memref<64x64xf32, #tpu.memory_space<vmem>>, vector<16xf32>,
          %mul3A_398 = vector.broadcast %squeeze3A_384 : f32 to vector<16xf32>
          %mul3A_399 = arith.mulf %mul3A_398, %get3A_397 : vector<16xf32>
          %add3A_400 = arith.addf %add3A_370, %mul3A_399 : vector<16xf32>
          %get3A_401 = arith.index_cast %add3A_388 : i32 to index
          %get3A_402 = arith.constant 32 : index
          %get3A_403 = tpu.vector_load %arg15[%get3A_401, %get3A_402] {strides = array<i32>} : memref<64x64xf32, #tpu.memory_space<vmem>>, vector<16xf32>,
          %mul3A_404 = vector.broadcast %squeeze3A_384 : f32 to vector<16xf32>
          %mul3A_405 = arith.mulf %mul3A_404, %get3A_403 : vector<16xf32>
          %add3A_406 = arith.addf %add3A_376, %mul3A_405 : vector<16xf32>
          %get3A_407 = arith.index_cast %add3A_388 : i32 to index
          %get3A_408 = arith.constant 48 : index
          %get3A_409 = tpu.vector_load %arg15[%get3A_407, %get3A_408] {strides = array<i32>} : memref<64x64xf32, #tpu.memory_space<vmem>>, vector<16xf32>,
          %mul3A_410 = vector.broadcast %squeeze3A_384 : f32 to vector<16xf32>
          %mul3A_411 = arith.mulf %mul3A_410, %get3A_409 : vector<16xf32>
          %add3A_412 = arith.addf %add3A_382, %mul3A_411 : vector<16xf32>
          %slice3A_413 = vector.extract_strided_slice %get3A_142 {offsets = [9], sizes = [1], strides = [1]} : vector<16xf32> to vector<1xf32>
          %squeeze3A_414 = vector.extract %slice3A_413[0] : f32 from vector<1xf32>
          %mul3A_415 = arith.constant 16 : i32
          %mul3A_416 = arith.muli %scan3A_135, %mul3A_415 : i32
          %add3A_417 = arith.constant 9 : i32
          %add3A_418 = arith.addi %mul3A_416, %add3A_417 : i32
          %get3A_419 = arith.index_cast %add3A_418 : i32 to index
          %get3A_420 = arith.constant 0 : index
          %get3A_421 = tpu.vector_load %arg15[%get3A_419, %get3A_420] {strides = array<i32>} : memref<64x64xf32, #tpu.memory_space<vmem>>, vector<16xf32>,
          %mul3A_422 = vector.broadcast %squeeze3A_414 : f32 to vector<16xf32>
          %mul3A_423 = arith.mulf %mul3A_422, %get3A_421 : vector<16xf32>
          %add3A_424 = arith.addf %add3A_394, %mul3A_423 : vector<16xf32>
          %get3A_425 = arith.index_cast %add3A_418 : i32 to index
          %get3A_426 = arith.constant 16 : index
          %get3A_427 = tpu.vector_load %arg15[%get3A_425, %get3A_426] {strides = array<i32>} : memref<64x64xf32, #tpu.memory_space<vmem>>, vector<16xf32>,
          %mul3A_428 = vector.broadcast %squeeze3A_414 : f32 to vector<16xf32>
          %mul3A_429 = arith.mulf %mul3A_428, %get3A_427 : vector<16xf32>
          %add3A_430 = arith.addf %add3A_400, %mul3A_429 : vector<16xf32>
          %get3A_431 = arith.index_cast %add3A_418 : i32 to index
          %get3A_432 = arith.constant 32 : index
          %get3A_433 = tpu.vector_load %arg15[%get3A_431, %get3A_432] {strides = array<i32>} : memref<64x64xf32, #tpu.memory_space<vmem>>, vector<16xf32>,
          %mul3A_434 = vector.broadcast %squeeze3A_414 : f32 to vector<16xf32>
          %mul3A_435 = arith.mulf %mul3A_434, %get3A_433 : vector<16xf32>
          %add3A_436 = arith.addf %add3A_406, %mul3A_435 : vector<16xf32>
          %get3A_437 = arith.index_cast %add3A_418 : i32 to index
          %get3A_438 = arith.constant 48 : index
          %get3A_439 = tpu.vector_load %arg15[%get3A_437, %get3A_438] {strides = array<i32>} : memref<64x64xf32, #tpu.memory_space<vmem>>, vector<16xf32>,
          %mul3A_440 = vector.broadcast %squeeze3A_414 : f32 to vector<16xf32>
          %mul3A_441 = arith.mulf %mul3A_440, %get3A_439 : vector<16xf32>
          %add3A_442 = arith.addf %add3A_412, %mul3A_441 : vector<16xf32>
          %slice3A_443 = vector.extract_strided_slice %get3A_142 {offsets = [10], sizes = [1], strides = [1]} : vector<16xf32> to vector<1xf32>
          %squeeze3A_444 = vector.extract %slice3A_443[0] : f32 from vector<1xf32>
          %mul3A_445 = arith.constant 16 : i32
          %mul3A_446 = arith.muli %scan3A_135, %mul3A_445 : i32
          %add3A_447 = arith.constant 10 : i32
          %add3A_448 = arith.addi %mul3A_446, %add3A_447 : i32
          %get3A_449 = arith.index_cast %add3A_448 : i32 to index
          %get3A_450 = arith.constant 0 : index
          %get3A_451 = tpu.vector_load %arg15[%get3A_449, %get3A_450] {strides = array<i32>} : memref<64x64xf32, #tpu.memory_space<vmem>>, vector<16xf32>,
          %mul3A_452 = vector.broadcast %squeeze3A_444 : f32 to vector<16xf32>
          %mul3A_453 = arith.mulf %mul3A_452, %get3A_451 : vector<16xf32>
          %add3A_454 = arith.addf %add3A_424, %mul3A_453 : vector<16xf32>
          %get3A_455 = arith.index_cast %add3A_448 : i32 to index
          %get3A_456 = arith.constant 16 : index
          %get3A_457 = tpu.vector_load %arg15[%get3A_455, %get3A_456] {strides = array<i32>} : memref<64x64xf32, #tpu.memory_space<vmem>>, vector<16xf32>,
          %mul3A_458 = vector.broadcast %squeeze3A_444 : f32 to vector<16xf32>
          %mul3A_459 = arith.mulf %mul3A_458, %get3A_457 : vector<16xf32>
          %add3A_460 = arith.addf %add3A_430, %mul3A_459 : vector<16xf32>
          %get3A_461 = arith.index_cast %add3A_448 : i32 to index
          %get3A_462 = arith.constant 32 : index
          %get3A_463 = tpu.vector_load %arg15[%get3A_461, %get3A_462] {strides = array<i32>} : memref<64x64xf32, #tpu.memory_space<vmem>>, vector<16xf32>,
          %mul3A_464 = vector.broadcast %squeeze3A_444 : f32 to vector<16xf32>
          %mul3A_465 = arith.mulf %mul3A_464, %get3A_463 : vector<16xf32>
          %add3A_466 = arith.addf %add3A_436, %mul3A_465 : vector<16xf32>
          %get3A_467 = arith.index_cast %add3A_448 : i32 to index
          %get3A_468 = arith.constant 48 : index
          %get3A_469 = tpu.vector_load %arg15[%get3A_467, %get3A_468] {strides = array<i32>} : memref<64x64xf32, #tpu.memory_space<vmem>>, vector<16xf32>,
          %mul3A_470 = vector.broadcast %squeeze3A_444 : f32 to vector<16xf32>
          %mul3A_471 = arith.mulf %mul3A_470, %get3A_469 : vector<16xf32>
          %add3A_472 = arith.addf %add3A_442, %mul3A_471 : vector<16xf32>
          %slice3A_473 = vector.extract_strided_slice %get3A_142 {offsets = [11], sizes = [1], strides = [1]} : vector<16xf32> to vector<1xf32>
          %squeeze3A_474 = vector.extract %slice3A_473[0] : f32 from vector<1xf32>
          %mul3A_475 = arith.constant 16 : i32
          %mul3A_476 = arith.muli %scan3A_135, %mul3A_475 : i32
          %add3A_477 = arith.constant 11 : i32
          %add3A_478 = arith.addi %mul3A_476, %add3A_477 : i32
          %get3A_479 = arith.index_cast %add3A_478 : i32 to index
          %get3A_480 = arith.constant 0 : index
          %get3A_481 = tpu.vector_load %arg15[%get3A_479, %get3A_480] {strides = array<i32>} : memref<64x64xf32, #tpu.memory_space<vmem>>, vector<16xf32>,
          %mul3A_482 = vector.broadcast %squeeze3A_474 : f32 to vector<16xf32>
          %mul3A_483 = arith.mulf %mul3A_482, %get3A_481 : vector<16xf32>
          %add3A_484 = arith.addf %add3A_454, %mul3A_483 : vector<16xf32>
          %get3A_485 = arith.index_cast %add3A_478 : i32 to index
          %get3A_486 = arith.constant 16 : index
          %get3A_487 = tpu.vector_load %arg15[%get3A_485, %get3A_486] {strides = array<i32>} : memref<64x64xf32, #tpu.memory_space<vmem>>, vector<16xf32>,
          %mul3A_488 = vector.broadcast %squeeze3A_474 : f32 to vector<16xf32>
          %mul3A_489 = arith.mulf %mul3A_488, %get3A_487 : vector<16xf32>
          %add3A_490 = arith.addf %add3A_460, %mul3A_489 : vector<16xf32>
          %get3A_491 = arith.index_cast %add3A_478 : i32 to index
          %get3A_492 = arith.constant 32 : index
          %get3A_493 = tpu.vector_load %arg15[%get3A_491, %get3A_492] {strides = array<i32>} : memref<64x64xf32, #tpu.memory_space<vmem>>, vector<16xf32>,
          %mul3A_494 = vector.broadcast %squeeze3A_474 : f32 to vector<16xf32>
          %mul3A_495 = arith.mulf %mul3A_494, %get3A_493 : vector<16xf32>
          %add3A_496 = arith.addf %add3A_466, %mul3A_495 : vector<16xf32>
          %get3A_497 = arith.index_cast %add3A_478 : i32 to index
          %get3A_498 = arith.constant 48 : index
          %get3A_499 = tpu.vector_load %arg15[%get3A_497, %get3A_498] {strides = array<i32>} : memref<64x64xf32, #tpu.memory_space<vmem>>, vector<16xf32>,
          %mul3A_500 = vector.broadcast %squeeze3A_474 : f32 to vector<16xf32>
          %mul3A_501 = arith.mulf %mul3A_500, %get3A_499 : vector<16xf32>
          %add3A_502 = arith.addf %add3A_472, %mul3A_501 : vector<16xf32>
          %slice3A_503 = vector.extract_strided_slice %get3A_142 {offsets = [12], sizes = [1], strides = [1]} : vector<16xf32> to vector<1xf32>
          %squeeze3A_504 = vector.extract %slice3A_503[0] : f32 from vector<1xf32>
          %mul3A_505 = arith.constant 16 : i32
          %mul3A_506 = arith.muli %scan3A_135, %mul3A_505 : i32
          %add3A_507 = arith.constant 12 : i32
          %add3A_508 = arith.addi %mul3A_506, %add3A_507 : i32
          %get3A_509 = arith.index_cast %add3A_508 : i32 to index
          %get3A_510 = arith.constant 0 : index
          %get3A_511 = tpu.vector_load %arg15[%get3A_509, %get3A_510] {strides = array<i32>} : memref<64x64xf32, #tpu.memory_space<vmem>>, vector<16xf32>,
          %mul3A_512 = vector.broadcast %squeeze3A_504 : f32 to vector<16xf32>
          %mul3A_513 = arith.mulf %mul3A_512, %get3A_511 : vector<16xf32>
          %add3A_514 = arith.addf %add3A_484, %mul3A_513 : vector<16xf32>
          %get3A_515 = arith.index_cast %add3A_508 : i32 to index
          %get3A_516 = arith.constant 16 : index
          %get3A_517 = tpu.vector_load %arg15[%get3A_515, %get3A_516] {strides = array<i32>} : memref<64x64xf32, #tpu.memory_space<vmem>>, vector<16xf32>,
          %mul3A_518 = vector.broadcast %squeeze3A_504 : f32 to vector<16xf32>
          %mul3A_519 = arith.mulf %mul3A_518, %get3A_517 : vector<16xf32>
          %add3A_520 = arith.addf %add3A_490, %mul3A_519 : vector<16xf32>
          %get3A_521 = arith.index_cast %add3A_508 : i32 to index
          %get3A_522 = arith.constant 32 : index
          %get3A_523 = tpu.vector_load %arg15[%get3A_521, %get3A_522] {strides = array<i32>} : memref<64x64xf32, #tpu.memory_space<vmem>>, vector<16xf32>,
          %mul3A_524 = vector.broadcast %squeeze3A_504 : f32 to vector<16xf32>
          %mul3A_525 = arith.mulf %mul3A_524, %get3A_523 : vector<16xf32>
          %add3A_526 = arith.addf %add3A_496, %mul3A_525 : vector<16xf32>
          %get3A_527 = arith.index_cast %add3A_508 : i32 to index
          %get3A_528 = arith.constant 48 : index
          %get3A_529 = tpu.vector_load %arg15[%get3A_527, %get3A_528] {strides = array<i32>} : memref<64x64xf32, #tpu.memory_space<vmem>>, vector<16xf32>,
          %mul3A_530 = vector.broadcast %squeeze3A_504 : f32 to vector<16xf32>
          %mul3A_531 = arith.mulf %mul3A_530, %get3A_529 : vector<16xf32>
          %add3A_532 = arith.addf %add3A_502, %mul3A_531 : vector<16xf32>
          %slice3A_533 = vector.extract_strided_slice %get3A_142 {offsets = [13], sizes = [1], strides = [1]} : vector<16xf32> to vector<1xf32>
          %squeeze3A_534 = vector.extract %slice3A_533[0] : f32 from vector<1xf32>
          %mul3A_535 = arith.constant 16 : i32
          %mul3A_536 = arith.muli %scan3A_135, %mul3A_535 : i32
          %add3A_537 = arith.constant 13 : i32
          %add3A_538 = arith.addi %mul3A_536, %add3A_537 : i32
          %get3A_539 = arith.index_cast %add3A_538 : i32 to index
          %get3A_540 = arith.constant 0 : index
          %get3A_541 = tpu.vector_load %arg15[%get3A_539, %get3A_540] {strides = array<i32>} : memref<64x64xf32, #tpu.memory_space<vmem>>, vector<16xf32>,
          %mul3A_542 = vector.broadcast %squeeze3A_534 : f32 to vector<16xf32>
          %mul3A_543 = arith.mulf %mul3A_542, %get3A_541 : vector<16xf32>
          %add3A_544 = arith.addf %add3A_514, %mul3A_543 : vector<16xf32>
          %get3A_545 = arith.index_cast %add3A_538 : i32 to index
          %get3A_546 = arith.constant 16 : index
          %get3A_547 = tpu.vector_load %arg15[%get3A_545, %get3A_546] {strides = array<i32>} : memref<64x64xf32, #tpu.memory_space<vmem>>, vector<16xf32>,
          %mul3A_548 = vector.broadcast %squeeze3A_534 : f32 to vector<16xf32>
          %mul3A_549 = arith.mulf %mul3A_548, %get3A_547 : vector<16xf32>
          %add3A_550 = arith.addf %add3A_520, %mul3A_549 : vector<16xf32>
          %get3A_551 = arith.index_cast %add3A_538 : i32 to index
          %get3A_552 = arith.constant 32 : index
          %get3A_553 = tpu.vector_load %arg15[%get3A_551, %get3A_552] {strides = array<i32>} : memref<64x64xf32, #tpu.memory_space<vmem>>, vector<16xf32>,
          %mul3A_554 = vector.broadcast %squeeze3A_534 : f32 to vector<16xf32>
          %mul3A_555 = arith.mulf %mul3A_554, %get3A_553 : vector<16xf32>
          %add3A_556 = arith.addf %add3A_526, %mul3A_555 : vector<16xf32>
          %get3A_557 = arith.index_cast %add3A_538 : i32 to index
          %get3A_558 = arith.constant 48 : index
          %get3A_559 = tpu.vector_load %arg15[%get3A_557, %get3A_558] {strides = array<i32>} : memref<64x64xf32, #tpu.memory_space<vmem>>, vector<16xf32>,
          %mul3A_560 = vector.broadcast %squeeze3A_534 : f32 to vector<16xf32>
          %mul3A_561 = arith.mulf %mul3A_560, %get3A_559 : vector<16xf32>
          %add3A_562 = arith.addf %add3A_532, %mul3A_561 : vector<16xf32>
          %slice3A_563 = vector.extract_strided_slice %get3A_142 {offsets = [14], sizes = [1], strides = [1]} : vector<16xf32> to vector<1xf32>
          %squeeze3A_564 = vector.extract %slice3A_563[0] : f32 from vector<1xf32>
          %mul3A_565 = arith.constant 16 : i32
          %mul3A_566 = arith.muli %scan3A_135, %mul3A_565 : i32
          %add3A_567 = arith.constant 14 : i32
          %add3A_568 = arith.addi %mul3A_566, %add3A_567 : i32
          %get3A_569 = arith.index_cast %add3A_568 : i32 to index
          %get3A_570 = arith.constant 0 : index
          %get3A_571 = tpu.vector_load %arg15[%get3A_569, %get3A_570] {strides = array<i32>} : memref<64x64xf32, #tpu.memory_space<vmem>>, vector<16xf32>,
          %mul3A_572 = vector.broadcast %squeeze3A_564 : f32 to vector<16xf32>
          %mul3A_573 = arith.mulf %mul3A_572, %get3A_571 : vector<16xf32>
          %add3A_574 = arith.addf %add3A_544, %mul3A_573 : vector<16xf32>
          %get3A_575 = arith.index_cast %add3A_568 : i32 to index
          %get3A_576 = arith.constant 16 : index
          %get3A_577 = tpu.vector_load %arg15[%get3A_575, %get3A_576] {strides = array<i32>} : memref<64x64xf32, #tpu.memory_space<vmem>>, vector<16xf32>,
          %mul3A_578 = vector.broadcast %squeeze3A_564 : f32 to vector<16xf32>
          %mul3A_579 = arith.mulf %mul3A_578, %get3A_577 : vector<16xf32>
          %add3A_580 = arith.addf %add3A_550, %mul3A_579 : vector<16xf32>
          %get3A_581 = arith.index_cast %add3A_568 : i32 to index
          %get3A_582 = arith.constant 32 : index
          %get3A_583 = tpu.vector_load %arg15[%get3A_581, %get3A_582] {strides = array<i32>} : memref<64x64xf32, #tpu.memory_space<vmem>>, vector<16xf32>,
          %mul3A_584 = vector.broadcast %squeeze3A_564 : f32 to vector<16xf32>
          %mul3A_585 = arith.mulf %mul3A_584, %get3A_583 : vector<16xf32>
          %add3A_586 = arith.addf %add3A_556, %mul3A_585 : vector<16xf32>
          %get3A_587 = arith.index_cast %add3A_568 : i32 to index
          %get3A_588 = arith.constant 48 : index
          %get3A_589 = tpu.vector_load %arg15[%get3A_587, %get3A_588] {strides = array<i32>} : memref<64x64xf32, #tpu.memory_space<vmem>>, vector<16xf32>,
          %mul3A_590 = vector.broadcast %squeeze3A_564 : f32 to vector<16xf32>
          %mul3A_591 = arith.mulf %mul3A_590, %get3A_589 : vector<16xf32>
          %add3A_592 = arith.addf %add3A_562, %mul3A_591 : vector<16xf32>
          %slice3A_593 = vector.extract_strided_slice %get3A_142 {offsets = [15], sizes = [1], strides = [1]} : vector<16xf32> to vector<1xf32>
          %squeeze3A_594 = vector.extract %slice3A_593[0] : f32 from vector<1xf32>
          %mul3A_595 = arith.constant 16 : i32
          %mul3A_596 = arith.muli %scan3A_135, %mul3A_595 : i32
          %add3A_597 = arith.constant 15 : i32
          %add3A_598 = arith.addi %mul3A_596, %add3A_597 : i32
          %get3A_599 = arith.index_cast %add3A_598 : i32 to index
          %get3A_600 = arith.constant 0 : index
          %get3A_601 = tpu.vector_load %arg15[%get3A_599, %get3A_600] {strides = array<i32>} : memref<64x64xf32, #tpu.memory_space<vmem>>, vector<16xf32>,
          %mul3A_602 = vector.broadcast %squeeze3A_594 : f32 to vector<16xf32>
          %mul3A_603 = arith.mulf %mul3A_602, %get3A_601 : vector<16xf32>
          %add3A_604 = arith.addf %add3A_574, %mul3A_603 : vector<16xf32>
          %get3A_605 = arith.index_cast %add3A_598 : i32 to index
          %get3A_606 = arith.constant 16 : index
          %get3A_607 = tpu.vector_load %arg15[%get3A_605, %get3A_606] {strides = array<i32>} : memref<64x64xf32, #tpu.memory_space<vmem>>, vector<16xf32>,
          %mul3A_608 = vector.broadcast %squeeze3A_594 : f32 to vector<16xf32>
          %mul3A_609 = arith.mulf %mul3A_608, %get3A_607 : vector<16xf32>
          %add3A_610 = arith.addf %add3A_580, %mul3A_609 : vector<16xf32>
          %get3A_611 = arith.index_cast %add3A_598 : i32 to index
          %get3A_612 = arith.constant 32 : index
          %get3A_613 = tpu.vector_load %arg15[%get3A_611, %get3A_612] {strides = array<i32>} : memref<64x64xf32, #tpu.memory_space<vmem>>, vector<16xf32>,
          %mul3A_614 = vector.broadcast %squeeze3A_594 : f32 to vector<16xf32>
          %mul3A_615 = arith.mulf %mul3A_614, %get3A_613 : vector<16xf32>
          %add3A_616 = arith.addf %add3A_586, %mul3A_615 : vector<16xf32>
          %get3A_617 = arith.index_cast %add3A_598 : i32 to index
          %get3A_618 = arith.constant 48 : index
          %get3A_619 = tpu.vector_load %arg15[%get3A_617, %get3A_618] {strides = array<i32>} : memref<64x64xf32, #tpu.memory_space<vmem>>, vector<16xf32>,
          %mul3A_620 = vector.broadcast %squeeze3A_594 : f32 to vector<16xf32>
          %mul3A_621 = arith.mulf %mul3A_620, %get3A_619 : vector<16xf32>
          %add3A_622 = arith.addf %add3A_592, %mul3A_621 : vector<16xf32>
          scf.yield %add3A_604, %add3A_610, %add3A_616, %add3A_622 : vector<16xf32>, vector<16xf32>, vector<16xf32>, vector<16xf32>
        }
        %scan3A_126 = arith.constant 4 : i32
        %swap3A_127 = arith.constant 0 : index
        %swap3A_128 = tpu.vector_load %arg17[%swap3A_127] {strides = array<i32>} : memref<64xf32, #tpu.memory_space<vmem>>, vector<16xf32>,
        tpu.vector_store %arg17[%swap3A_127], %scan3A_125#0 {strides = array<i32>} : memref<64xf32, #tpu.memory_space<vmem>>, vector<16xf32>,
        %swap3A_129 = arith.constant 16 : index
        %swap3A_130 = tpu.vector_load %arg17[%swap3A_129] {strides = array<i32>} : memref<64xf32, #tpu.memory_space<vmem>>, vector<16xf32>,
        tpu.vector_store %arg17[%swap3A_129], %scan3A_125#1 {strides = array<i32>} : memref<64xf32, #tpu.memory_space<vmem>>, vector<16xf32>,
        %swap3A_131 = arith.constant 32 : index
        %swap3A_132 = tpu.vector_load %arg17[%swap3A_131] {strides = array<i32>} : memref<64xf32, #tpu.memory_space<vmem>>, vector<16xf32>,
        tpu.vector_store %arg17[%swap3A_131], %scan3A_125#2 {strides = array<i32>} : memref<64xf32, #tpu.memory_space<vmem>>, vector<16xf32>,
        %swap3A_133 = arith.constant 48 : index
        %swap3A_134 = tpu.vector_load %arg17[%swap3A_133] {strides = array<i32>} : memref<64xf32, #tpu.memory_space<vmem>>, vector<16xf32>,
        tpu.vector_store %arg17[%swap3A_133], %scan3A_125#3 {strides = array<i32>} : memref<64xf32, #tpu.memory_space<vmem>>, vector<16xf32>,
      } else {
      }
      "tpu.region"() ({
        %run_scoped3A = tpu.sem_alloc : memref<!tpu.dma_semaphore, #tpu.memory_space<semaphore_mem>>
        tpu.enqueue_dma source(%arg17 : memref<64xf32, #tpu.memory_space<vmem>>) target(%arg10 : memref<64xf32, #tpu.memory_space<hbm>>) target_semaphore(%run_scoped3A : memref<!tpu.dma_semaphore, #tpu.memory_space<semaphore_mem>>)
        tpu.wait_dma2 semaphore(%run_scoped3A : memref<!tpu.dma_semaphore, #tpu.memory_space<semaphore_mem>>) src(%arg17 : memref<64xf32, #tpu.memory_space<vmem>>) dst(%arg10 : memref<64xf32, #tpu.memory_space<hbm>>)
        tpu.yield
      }) : () -> ()
    } else {
    }
    return
  }
}

</mosaic_0001>

<sc_bundles>
// kernel: kernel.3.cloned.1.call-start
scs
__scs_entry_jumppad:
0x0: {  	(pc) =	sbr.rel $0x88, $3  }
0x1: {  	(tag) =	ssettag $0x0;
	lr =	simm.s32 $0x1  }
0x2: {  	[smem:$0x3F9A] =	sst lr;
	_ =	strace $0xD0000000  }
0x3: {  	_ = 	snop  }
0x4: {  	_ = 	snop  }
0x5: {  	_ = 	snop  }
0x6: {  	_ = 	snop  }
0x7: {  	_ = 	snop  }
__scs_overlays_trampoline_lowered:
0x8: {  	[smem:$0x3FA9] =	sst s0  }
0x9: {  	[smem:$0x3FAA] =	sst s1  }
0xa: {  	[smem:$0x3FAB] =	sst s2  }
0xb: {  	[smem:$0x3FAC] =	sst s3  }
0xc: {  	[smem:$0x3FAD] =	sst s4  }
0xd: {  	[smem:$0x3FAE] =	sst s5  }
0xe: {  	[smem:$0x3FAF] =	sst s6  }
0xf: {  	[smem:$0x3FB0] =	sst s7  }
0x10: {  	[smem:$0x3FB1] =	sst s8  }
0x11: {  	[smem:$0x3FB2] =	sst s9;
	s0 =	simm.s32 @!p0 $0x0  }
0x12: {  	s1 =	sld [smem:$0x3F98];
	s0 =	simm.s32 @p0 $0x1  }
0x13: {  	[smem:$0x3FB3] =	sst s0;
	s0 =	simm.s32 @!p1 $0x0  }
0x14: {  	s2 =	sld [smem:$0x3F97];
	s0 =	simm.s32 @p1 $0x1  }
0x15: {  	[smem:$0x3FB4] =	sst s0;
	s0 =	simm.s32 @!p2 $0x0  }
0x16: {  	s3 =	sld [smem:$0x3FDB];
	s0 =	simm.s32 @p2 $0x1  }
0x17: {  	s4 =	simm.s32 $0x1BF5;
	[smem:$0x3FB6] =	sst s0  }
0x18: {  	s0 =	sld [smem:$0x3F99];
	_ =	swait.ge [sflag:s4], $0x0  }
0x19: {  	s7 =	sld [smem:$0x3F9A]  }
0x1a: {  	s8 =	sadd.s32 $0xFFFFE003, lr  }
0x1b: {  	s9 =	sadd.s32 $0xFFFFFEF7, lr;
	s5 =	simm.s32 $0xFFFFFFFF;
	p2 =	slt.u32 s8, $0xFFFFF086  }
0x1c: {  	p1 =	slt.u32 s9, $0xF7A;
	s5 =	simm.s32 @!p2 $0x0  }
0x1d: {  	s5 =	simm.s32 @p1 $0x1;
	p0 =	seq.s32 s7, s2  }
0x1e: {  	s7 =	smul.u32 @!p0 $0xF7A, s2;
	p2 =	seq.s32 @!p0 s5, $0x0  }
0x1f: {  	s9 =	smul.u32 $0xF7A, s1;
	s8 =	simm.s32 @!p0 $0x1BF5;
	p2 =	por !p2, p0  }
0x20: {  	[sflag:s8] =	ssyncset.s32 @!p0 $0xFFFFF086;
	s6 =	sadd.s32 @!p0 s3, s7;
	s7 =	simm.s32 @!p0 $0x108  }
0x21: {  	s3 =	sadd.s32 s3, s9;
	s6 =	sadd.s32 @!p0 $0x88, s6;
	s7 =	simm.s32 @p2 $0x1082  }
0x22: {  	[simem:s7], [sflag:s8] =	dma.local @!p0 [hbm:s6], $0xF7A  }
0x23: {  	s9 =	sor.u32 $0xD0000000, s2;
	s6 =	simm.s32 $0x108;
	_ =	swait.ge @!p0 [sflag:s8], $0x0  }
0x24: {  	s3 =	sadd.s32 $0x88, s3;
	s6 =	simm.s32 @!p1 $0x1082;
	[sflag:s4] =	ssyncset.s32 $0xFFFFF086  }
0x25: {  	[simem:s6], [sflag:s4] =	dma.local [hbm:s3], $0xF7A  }
0x26: {  	[smem:$0x3F9A] =	sst s1;
	(tag) =	ssettag s2;
	_ =	strace s9  }
0x27: {  	s1 =	sld [smem:$0x3FAA]  }
0x28: {  	s2 =	sld [smem:$0x3FAB]  }
0x29: {  	s4 =	sld [smem:$0x3FAD]  }
0x2a: {  	p0 =	seq.s32 s5, $0x0;
	s5 =	sld [smem:$0x3FAE]  }
0x2b: {  	s6 =	sld [smem:$0x3FAF]  }
0x2c: {  	s7 =	sld [smem:$0x3FB0]  }
0x2d: {  	s3 =	simm.s32 $0x108;
	s8 =	sld [smem:$0x3FB1]  }
0x2e: {  	s3 =	simm.s32 @!p0 $0x1082;
	s9 =	sld [smem:$0x3FB2]  }
0x2f: {  	lr =	sadd.s32 s0, s3;
	s0 =	sld [smem:$0x3FA9]  }
0x30: {  	s3 =	sld [smem:$0x3FAC]  }
0x31: {  	[smem:$0x3FB5] =	sst s10  }
0x32: {  	s10 =	sld [smem:$0x3FB3];
	_ =	sdelay $0x3  }
0x33: {  	p0 =	seq.s32 s10, $0x1;
	s10 =	sld [smem:$0x3FB5];
	_ =	sdelay $0x3  }
0x34: {  	[smem:$0x3FB5] =	sst s10  }
0x35: {  	s10 =	sld [smem:$0x3FB4];
	_ =	sdelay $0x3  }
0x36: {  	p1 =	seq.s32 s10, $0x1;
	s10 =	sld [smem:$0x3FB5];
	_ =	sdelay $0x3  }
0x37: {  	[smem:$0x3FB5] =	sst s10  }
0x38: {  	s10 =	sld [smem:$0x3FB6]  }
0x39: {  	_ = 	snop;
	(pc) =	sbr.ind lr, $3  }
0x3a: {  	_ = 	snop  }
0x3b: {  	_ = 	snop  }
0x3c: {  	p2 =	seq.s32 s10, $0x1;
	s10 =	sld [smem:$0x3FB5]  }
0x3d: {  	_ =	shalt  }
0x3e: {  	_ =	shalt  }
0x3f: {  	_ =	shalt  }
0x40: {  	_ =	shalt  }
0x41: {  	_ =	shalt  }
0x42: {  	_ =	shalt  }
0x43: {  	_ =	shalt  }
0x44: {  	_ =	shalt  }
0x45: {  	_ =	shalt  }
0x46: {  	_ =	shalt  }
0x47: {  	_ =	shalt  }
0x48: {  	_ =	shalt  }
0x49: {  	_ =	shalt  }
0x4a: {  	_ =	shalt  }
0x4b: {  	_ =	shalt  }
0x4c: {  	_ =	shalt  }
0x4d: {  	_ =	shalt  }
0x4e: {  	_ =	shalt  }
0x4f: {  	_ =	shalt  }
0x50: {  	_ =	shalt  }
0x51: {  	_ =	shalt  }
0x52: {  	_ =	shalt  }
0x53: {  	_ =	shalt  }
0x54: {  	_ =	shalt  }
0x55: {  	_ =	shalt  }
0x56: {  	_ =	shalt  }
0x57: {  	_ =	shalt  }
0x58: {  	_ =	shalt  }
0x59: {  	_ =	shalt  }
0x5a: {  	_ =	shalt  }
0x5b: {  	_ =	shalt  }
0x5c: {  	_ =	shalt  }
0x5d: {  	_ =	shalt  }
0x5e: {  	_ =	shalt  }
0x5f: {  	_ =	shalt  }
0x60: {  	_ =	shalt  }
0x61: {  	_ =	shalt  }
0x62: {  	_ =	shalt  }
0x63: {  	_ =	shalt  }
0x64: {  	_ =	shalt  }
0x65: {  	_ =	shalt  }
0x66: {  	_ =	shalt  }
0x67: {  	_ =	shalt  }
0x68: {  	_ =	shalt  }
0x69: {  	_ =	shalt  }
0x6a: {  	_ =	shalt  }
0x6b: {  	_ =	shalt  }
0x6c: {  	_ =	shalt  }
0x6d: {  	_ =	shalt  }
0x6e: {  	_ =	shalt  }
0x6f: {  	_ =	shalt  }
0x70: {  	_ =	shalt  }
0x71: {  	_ =	shalt  }
0x72: {  	_ =	shalt  }
0x73: {  	_ =	shalt  }
0x74: {  	_ =	shalt  }
0x75: {  	_ =	shalt  }
0x76: {  	_ =	shalt  }
0x77: {  	_ =	shalt  }
0x78: {  	_ =	shalt  }
0x79: {  	_ =	shalt  }
0x7a: {  	_ =	shalt  }
0x7b: {  	_ =	shalt  }
0x7c: {  	_ =	shalt  }
0x7d: {  	_ =	shalt  }
0x7e: {  	_ =	shalt  }
0x7f: {  	_ =	shalt  }
0x80: {  	_ =	shalt  }
0x81: {  	_ =	shalt  }
0x82: {  	_ =	shalt  }
0x83: {  	_ =	shalt  }
0x84: {  	_ =	shalt  }
0x85: {  	_ =	shalt  }
0x86: {  	_ =	shalt  }
0x87: {  	_ =	shalt  }
.Lfunc_end0:
.L_simem_size_0:
called_computation_lowered:
.L_overlay_start_0:
0x88: {  	s0 =	sld [smem:$0x3FD9]  }
0x89: {  	s1 =	sld [smem:$0x3FFE];
	_ =	sdelay $0x3  }
0x8a: {  	s0 =	sadd.s32 s1, s0  }
0x8b: {  	[smem:$0x3FC1] =	sst s0  }
0x8c: {  	_ = 	snop  }
0x8d: {  	s0 =	sld [smem:$0x3FC9]  }
0x8e: {  	s14 =	sld [smem:$0x3FC8]  }
0x8f: {  	s2 =	sld [smem:$0x3FC7]  }
0x90: {  	s3 =	sld [smem:$0x3FC6]  }
0x91: {  	s4 =	sld [smem:$0x3FD0]  }
0x92: {  	s5 =	sld [smem:$0x3FC5]  }
0x93: {  	s6 =	sld [smem:$0x3FC4]  }
0x94: {  	s8 =	simm.s32 $0xA;
	s9 =	simm.s32 $0x10;
	s7 =	sld [smem:$0x3FC3]  }
0x95: {  	[smem:s9], [sflag:s8] =	dma.local [hbm:s4], $0x1  }
0x96: {  	_ =	swait.eq [sflag:s8], $0x1  }
0x97: {  	[sflag:s8] =	ssyncset.done $0x0  }
0x98: {  	s15 =	sld [smem:$0x10];
	[sflag:s8] =	ssyncadd.s32 $0xFFFFFFFF  }
0x99: {  	s16 =	sld [smem:$0x11];
	(tm) =	ssettm $0x1  }
0x9a: {  	s17 =	sld [smem:$0x3FFB];
	_ =	sdelay $0x3  }
0x9b: {  	_ =	strace s17  }
0x9c: {  	s9 =	sld [smem:$0x3FFC];
	_ =	sdelay $0x3  }
0x9d: {  	_ =	strace s9  }
0x9e: {  	s9 =	sld [smem:$0x3FFD];
	_ =	sdelay $0x3  }
0x9f: {  	_ =	strace s9  }
0xa0: {  	_ =	strace $0x8FFFFFFF  }
0xa1: {  	s18 =	sld [smem:$0x3FDB];
	_ =	sdelay $0x1  }
0xa2: {  	s10 =	simm.s32 $_scs_section_size  }
0xa3: {  	s11 =	simm.s32 $_size__tile_overlayer_lowered;
	s12 =	simm.s32 $_tile_overlayer_lowered  }
0xa4: {  	s21 =	simm.s32 $0x1BFF;
	s20 =	sshll.u32 s12, $0x1;
	s9 =	sadd.s32 s10, s18  }
0xa5: {  	s13 =	simm.s32 $0x0;
	s19 =	sshll.u32 s11, $0x1;
	s11 =	sadd.s32 s20, s9  }
0xa6: {  	[timem:s13], [sflag:s21] =	dma.local [hbm:s11], s19  }
0xa7: {  	_ =	swait.ge [sflag:s21], s19  }
0xa8: {  	s10 =	ssub.s32 $0x0, s19;
	[sflag:s21] =	ssyncset.done $0x0  }
0xa9: {  	[sflag:s21] =	ssyncadd.s32 s10;
	_ =	sdelay $0x1  }
0xaa: {  	s22 =	simm.s32 $0x1B8B  }
0xab: {  	_ =	swait.ge [sflag:s22], $0x1  }
0xac: {  	[sflag:s22] =	ssyncset.done $0x0  }
0xad: {  	s23 =	simm.s32 $0x1B8E;
	[sflag:s22] =	ssyncadd.s32 $0xFFFFFFFF  }
0xae: {  	s24 =	simm.s32 $execute0_lowered;
	[smem:$0x3FD2] =	sst s23  }
0xaf: {  	s10 =	sshll.u32 s24, $0x1;
	_ =	strace $0x80000046;
	[dreg:$0x1] =	wrdreg $0xFFFFFFFF  }
0xb0: {  	s25 =	simm.s32 $_size_execute0_lowered;
	s9 =	sadd.s32 s9, s10;
	[dreg:$0x0] =	wrdreg $0x0  }
0xb1: {  	s10 =	sshll.u32 s25, $0x1;
	[dreg:$0x2] =	wrdreg s9  }
0xb2: {  	[dreg:$0x3] =	wrdreg s10  }
0xb3: {  	[dreg:$0x4] =	wrdreg $0xC0  }
0xb4: {  	_ =	task [dreg:s13], $0x5FFFF  }
0xb5: {  	[dreg:$0x1] =	wrdreg $0xFFFFFFFF  }
0xb6: {  	[dreg:$0x0] =	wrdreg $0x60  }
0xb7: {  	[dreg:$0x2] =	wrdreg s0  }
0xb8: {  	[dreg:$0x3] =	wrdreg s14  }
0xb9: {  	[dreg:$0x4] =	wrdreg s2  }
0xba: {  	[dreg:$0x5] =	wrdreg s3  }
0xbb: {  	[dreg:$0x6] =	wrdreg s5  }
0xbc: {  	[dreg:$0x7] =	wrdreg s6  }
0xbd: {  	[dreg:$0x8] =	wrdreg s7  }
0xbe: {  	[dreg:$0x9] =	wrdreg s15  }
0xbf: {  	[dreg:$0xa] =	wrdreg s16  }
0xc0: {  	[dreg:$0xb] =	wrdreg $0x9  }
0xc1: {  	_ =	task.clear_ibuf [dreg:s13], $0xCFFFF;
	_ =	strace $0x90000046  }
0xc2: {  	s26 =	simm.s32 $0x9;
	_ =	strace $0x80000048  }
0xc3: {  	_ =	swait.ge [sflag:s26], $0x1  }
0xc4: {  	[sflag:s26] =	ssyncadd.s32 $0xFFFFFFFF  }
0xc5: {  	_ =	strace $0x90000048  }
0xc6: {  	_ =	sfence  }
0xc7: {  	s28 =	sld [smem:$0x0];
	_ =	sdelay $0x1  }
0xc8: {  	s29 =	srdreg.scid  }
0xc9: {  	s30 =	sshll.u32 s29, $0xD;
	s31 =	sshrl.u32 s29, $0x2  }
0xca: {  	s1 =	sand.u32 $0x1, s29;
	s2 =	sand.u32 $0x4000, s30;
	s0 =	sadd.s32 s31, s28  }
0xcb: {  	s1 =	sor.u32 s2, s1;
	s0 =	sshll.u32 s0, $0x11  }
0xcc: {  	s0 =	sor.u32 s0, s1  }
0xcd: {  	s0 =	sadd.s32 $0x8F2B, s0  }
0xce: {  	[sflag:s0] =	ssyncadd.remote.s32 $0x1  }
0xcf: {  	_ =	sfence.sel $0xFFFF  }
0xd0: {  	[dreg:$0x0] =	wrdreg $0xFFFFFFFF;
	(pc) =	sbr.abs _section_cstart, $3  }
0xd1: {  	[dreg:$0x1] =	wrdreg $0xFFFFFFFF  }
0xd2: {  	_ =	task.clear_ibuf [dreg:s13], $0x2FFFF;
	_ =	strace $0x9FFFFFFF  }
0xd3: {  	(tm) =	ssettm $0x7FFFFFFF  }
tec
execute0_lowered:
.L_overlay_start_1:
0x0: {  	(tag) =	ssettag $0x1  }
0x1: {  	s6 =	rddreg [dreg:$0x0]  }
0x2: {  	s7 =	rddreg [dreg:$0x1]  }
0x3: {  	s8 =	rddreg [dreg:$0x2]  }
0x4: {  	s9 =	rddreg [dreg:$0x3]  }
0x5: {  	s5 =	rddreg [dreg:$0x4];
	s1 =	stileid.u32  }
0x6: {  	s10 =	rddreg [dreg:$0x5];
	p0 =	sgt.u32 s1, $0x1  }
.Ltmp0:
0x7: {  	s2 =	rddreg [dreg:$0x6];
	(pc) =	sbr.rel @p0 .LBB2_17-.Ltmp0, $4  }
0x8: {  	s3 =	rddreg [dreg:$0x7]  }
0x9: {  	s4 =	rddreg [dreg:$0x8];
	s11 =	simm.s32 $0x0  }
0xa: {  	[smem:$0x7FF] =	sst s11  }
0xb: {  	s0 =	rddreg [dreg:$0x9];
	_ =	strace $0x80000047  }
0xc: {  	s12 =	sand.u32 $0x1, s1  }
0xd: {  	p0 =	seq.s32 s12, $0x1  }
.Ltmp1:
0xe: {  	_ = 	snop;
	(pc) =	sbr.rel @!p0 .LBB2_2-.Ltmp1, $3  }
0xf: {  	_ =	sdelay $0x1  }
0x10: {  	s13 =	simm.s32 $0x2100  }
0x11: {  	[tilespmem:s13], [sflag:$0x1] =	stream.linear.gather [hbm4b:s10+s11], $0x2000, $0x38;
	[tilespmem:$0x6200] =	vst v63  }
0x12: {  	s6 =	simm.s32 $0x0;
	s8 =	simm.s32 $0x2  }
0x13: {  	[tilespmem:s6], [sflag:$0x2] =	stream.linear.gather [hbm4b:s9+s6], $0x80, $0x38;
	[tilespmem:$0x6200] =	vst v63  }
0x14: {  	_ =	swait.ge [sflag:s8], $0x80  }
0x15: {  	[sflag:s8] =	ssyncset.done $0x0  }
0x16: {  	[sflag:s8] =	ssyncadd.s32 $0xFFFFFF80  }
0x17: {  	v0 =	vld.msk [tilespmem:s6+$0x0], $0xffff;
	_ =	sdelay $0x4  }
0x18: {  	(v2sf) =	vpush v0, $0x0;
	_ =	sdelay $0xe  }
0x19: {  	s3 =	spop (v2sf)  }
0x1a: {  	s22 =	ssub.s32 $0x0, s3  }
0x1b: {  	s9 =	smin.u32 s3, s22  }
0x1c: {  	s10 =	sadd.s32 $0xFFFFFFFF, s9  }
0x1d: {  	s9 =	sadd.s32 $0x3FFF, s9;
	p0 =	slt.s32 s10, $0x0  }
0x1e: {  	s10 =	smov.u32 @p0 s9  }
0x1f: {  	s9 =	sshrl.u32 s10, $0x3  }
0x20: {  	s10 =	sand.u32 $0xF, s10;
	s9 =	sand.u32 $0x1FFFFFFE, s9  }
0x21: {  	s23 =	simm.s32 $0x80;
	v0 =	vmov s10;
	s7 =	sadd.s32 s7, s9  }
0x22: {  	[tilespmem:s23], [sflag:$0x2] =	stream.linear.gather [hbm4b:s7+s6], $0x10, $0x38;
	[tilespmem:$0x6200] =	vst v63  }
0x23: {  	_ =	swait.ge [sflag:s8], $0x10  }
0x24: {  	[sflag:s8] =	ssyncset.done $0x0  }
0x25: {  	[sflag:s8] =	ssyncadd.s32 $0xFFFFFFF0  }
0x26: {  	v0 =	vld.idx.msk [tilespmem:v0+s23+$0x0], $0xffff;
	_ =	sdelay $0x4  }
0x27: {  	(v2sf) =	vpush v0, $0x0;
	_ =	sdelay $0xd  }
0x28: {  	v0 =	vlaneseq.u32  }
0x29: {  	v0 =	vmul.u32 $0x80, v0;
	s24 =	spop (v2sf)  }
0x2a: {  	s26 =	simm.s32 $0x400;
	s25 =	sand.u32 $0xFFFFF80, s24;
	s6 =	sand.u32 $0x7F, s24  }
0x2b: {  	s28 =	simm.s32 $0x7A1400;
	s29 =	simm.s32 $0x100;
	s5 =	sadd.s32 s5, s25;
	v1 =	vor.u32 s6, v0  }
0x2c: {  	[tilespmem:s29], [sflag:$0x2] =	stream.strided.gather [hbm4b:s5+s26], $0x2000, s28, s26, $0x38;
	[tilespmem:$0x6200] =	vst v63  }
0x2d: {  	_ =	swait.ge [sflag:s8], $0x2000  }
0x2e: {  	[sflag:s8] =	ssyncset.done $0x0  }
0x2f: {  	[sflag:s8] =	ssyncadd.s32 $0xFFFFE000  }
0x30: {  	v2 =	vor.u32 $0x800, v0;
	v1 =	vld.idx.msk [tilespmem:v1+s29+$0x0], $0xffff  }
0x31: {  	v2 =	vor.u32 s6, v2;
	_ =	sdelay $0x3  }
0x32: {  	[tilespmem:$0x6100] =	vst v1  }
0x33: {  	v1 =	vld.idx.msk [tilespmem:v2+s29+$0x0], $0xffff;
	v2 =	vor.u32 $0x1000, v0  }
0x34: {  	v2 =	vor.u32 s6, v2;
	_ =	sdelay $0x3  }
0x35: {  	[tilespmem:$0x6110] =	vst v1  }
0x36: {  	v0 =	vor.u32 $0x1800, v0;
	v1 =	vld.idx.msk [tilespmem:v2+s29+$0x0], $0xffff  }
0x37: {  	v0 =	vor.u32 s6, v0;
	_ =	sdelay $0x3  }
0x38: {  	[tilespmem:$0x6120] =	vst v1  }
0x39: {  	v0 =	vld.idx.msk [tilespmem:v0+s29+$0x0], $0xffff;
	_ =	sdelay $0x4  }
0x3a: {  	s30 =	simm.s32 $0x1;
	[tilespmem:$0x6130] =	vst v0  }
0x3b: {  	_ =	swait.ge [sflag:s30], $0x2000  }
0x3c: {  	[sflag:s30] =	ssyncset.done $0x0  }
0x3d: {  	s5 =	simm.s32 $0x2500;
	[sflag:s30] =	ssyncadd.s32 $0xFFFFE000  }
0x3e: {  	v7 =	vld [tilespmem:s5+$0x380]  }
0x3f: {  	v9 =	vld [tilespmem:s5+$0x390]  }
0x40: {  	v13 =	vld [tilespmem:s5+$0x300]  }
0x41: {  	v16 =	vld [tilespmem:s5+$0x310]  }
0x42: {  	v17 =	vld [tilespmem:s5+$0x280]  }
0x43: {  	v19 =	vld [tilespmem:s5+$0x290]  }
0x44: {  	v20 =	vld [tilespmem:s5+$0x200]  }
0x45: {  	v22 =	vld [tilespmem:s5+$0x210]  }
0x46: {  	s31 =	simm.s32 $0x0;
	v24 =	vld [tilespmem:s5+$0x180]  }
0x47: {  	v11 =	vld [tilespmem:s31+$0x6100]  }
0x48: {  	v25 =	vld [tilespmem:s5+$0x190]  }
0x49: {  	v26 =	vld [tilespmem:s5+$0x100]  }
0x4a: {  	v29 =	vld [tilespmem:s5+$0x110]  }
0x4b: {  	v31 =	vld [tilespmem:s5+$0x80]  }
0x4c: {  	v32 =	vld [tilespmem:s5+$0x90];
	v1 =	vbroadcast v11, $0xE;
	v0 =	vbroadcast v11, $0xF  }
0x4d: {  	v33 =	vld [tilespmem:s5+$0x0];
	v3 =	vbroadcast v11, $0xC;
	v2 =	vbroadcast v11, $0xD  }
0x4e: {  	v35 =	vld [tilespmem:s5+$0x10];
	v5 =	vbroadcast v11, $0xA;
	v4 =	vbroadcast v11, $0xB  }
0x4f: {  	v37 =	vld [tilespmem:s5+$0xFFFFFF80];
	v8 =	vbroadcast v11, $0x8;
	v6 =	vbroadcast v11, $0x9  }
0x50: {  	v50 =	vld [tilespmem:s5+$0xFFFFFF90];
	v12 =	vbroadcast v11, $0x6;
	v10 =	vbroadcast v11, $0x7  }
0x51: {  	v39 =	vld [tilespmem:s5+$0xFFFFFF00];
	v18 =	vbroadcast v11, $0x4;
	v15 =	vbroadcast v11, $0x5  }
0x52: {  	v38 =	vld [tilespmem:s5+$0xFFFFFF10];
	v23 =	vbroadcast v11, $0x2;
	v21 =	vbroadcast v11, $0x3  }
0x53: {  	v42 =	vld [tilespmem:s5+$0xFFFFFE80];
	v30 =	vbroadcast v11, $0x0;
	v28 =	vbroadcast v11, $0x1  }
0x54: {  	v40 =	vld [tilespmem:s5+$0xFFFFFE90];
	v11 =	vmul.f32 v7, v0;
	v7 =	vmul.f32 v9, v0  }
0x55: {  	v43 =	vld [tilespmem:s5+$0xFFFFFE00];
	v14 =	vmul.f32 v13, v1;
	v9 =	vmul.f32 v16, v1  }
0x56: {  	v41 =	vld [tilespmem:s5+$0xFFFFFE10];
	v17 =	vmul.f32 v17, v2;
	v13 =	vmul.f32 v19, v2  }
0x57: {  	v45 =	vld [tilespmem:s5+$0xFFFFFD80];
	v20 =	vmul.f32 v20, v3;
	v16 =	vmul.f32 v22, v3  }
0x58: {  	v44 =	vld [tilespmem:s5+$0xFFFFFD90];
	v24 =	vmul.f32 v24, v4;
	v19 =	vmul.f32 v25, v4  }
0x59: {  	v47 =	vld [tilespmem:s5+$0xFFFFFD00];
	v27 =	vmul.f32 v26, v5;
	v22 =	vmul.f32 v29, v5  }
0x5a: {  	v46 =	vld [tilespmem:s5+$0xFFFFFD10];
	v31 =	vmul.f32 v31, v6;
	v26 =	vmul.f32 v32, v6  }
0x5b: {  	v49 =	vld [tilespmem:s5+$0xFFFFFC80];
	v34 =	vmul.f32 v33, v8;
	v29 =	vmul.f32 v35, v8  }
0x5c: {  	v36 =	vimm.f32 $0.0e+00;
	v48 =	vld [tilespmem:s5+$0xFFFFFC90];
	v37 =	vmul.f32 v37, v10;
	v33 =	vmul.f32 v50, v10  }
0x5d: {  	s6 =	simm.s32 $0x40;
	v50 =	vld [tilespmem:s5+$0xFFFFFC00];
	v35 =	vimm.f32 $0.0e+00;
	v32 =	vimm.f32 $0.0e+00;
	v25 =	vimm.f32 $0.0e+00  }
.LBB2_9:
0x5e: {  	p0 =	sne.s32 s6, $0xC0;
	v51 =	vld [tilespmem:s5+$0xFFFFFC10];
	v39 =	vmul.f32 v39, v12;
	v38 =	vmul.f32 v38, v12  }
0x5f: {  	v42 =	vmul.f32 v42, v15;
	v40 =	vmul.f32 v40, v15;
	v52 =	vld [tilespmem:s5+$0xFFFFFC20]  }
0x60: {  	v43 =	vmul.f32 v43, v18;
	v41 =	vmul.f32 v41, v18;
	v53 =	vld [tilespmem:s5+$0xFFFFFC30]  }
0x61: {  	v45 =	vmul.f32 v45, v21;
	v44 =	vmul.f32 v44, v21;
	v54 =	vld [tilespmem:s5+$0xFFFFFCA0]  }
0x62: {  	v47 =	vmul.f32 v47, v23;
	v46 =	vmul.f32 v46, v23;
	v55 =	vld [tilespmem:s5+$0xFFFFFCB0]  }
0x63: {  	v49 =	vmul.f32 v49, v28;
	v48 =	vmul.f32 v48, v28;
	v56 =	vld [tilespmem:s5+$0xFFFFFD20]  }
0x64: {  	v50 =	vmul.f32 v50, v30;
	v51 =	vmul.f32 v51, v30;
	v57 =	vld [tilespmem:s5+$0xFFFFFD30]  }
0x65: {  	v52 =	vmul.f32 v52, v30;
	v30 =	vmul.f32 v53, v30;
	v53 =	vld [tilespmem:s5+$0xFFFFFDA0]  }
0x66: {  	v36 =	vadd.f32 v50, v36;
	v35 =	vadd.f32 v51, v35;
	v50 =	vmul.f32 v54, v28;
	v51 =	vld [tilespmem:s5+$0xFFFFFDB0]  }
0x67: {  	v32 =	vadd.f32 v52, v32;
	v25 =	vadd.f32 v30, v25;
	v28 =	vmul.f32 v55, v28;
	v30 =	vld [tilespmem:s5+$0xFFFFFE20]  }
0x68: {  	v36 =	vadd.f32 v49, v36;
	v35 =	vadd.f32 v48, v35;
	v48 =	vmul.f32 v56, v23;
	v49 =	vld [tilespmem:s5+$0xFFFFFE30]  }
0x69: {  	v32 =	vadd.f32 v50, v32;
	v25 =	vadd.f32 v28, v25;
	v23 =	vmul.f32 v57, v23;
	v28 =	vld [tilespmem:s5+$0xFFFFFEA0]  }
0x6a: {  	v36 =	vadd.f32 v47, v36;
	v35 =	vadd.f32 v46, v35;
	v46 =	vmul.f32 v53, v21;
	v47 =	vld [tilespmem:s5+$0xFFFFFEB0]  }
0x6b: {  	v32 =	vadd.f32 v48, v32;
	v23 =	vadd.f32 v23, v25;
	v21 =	vmul.f32 v51, v21;
	v25 =	vld [tilespmem:s5+$0xFFFFFF20]  }
0x6c: {  	v36 =	vadd.f32 v45, v36;
	v35 =	vadd.f32 v44, v35;
	v30 =	vmul.f32 v30, v18;
	v44 =	vld [tilespmem:s5+$0xFFFFFF30]  }
0x6d: {  	v32 =	vadd.f32 v46, v32;
	v21 =	vadd.f32 v21, v23;
	v18 =	vmul.f32 v49, v18;
	v23 =	vld [tilespmem:s5+$0xFFFFFFA0]  }
0x6e: {  	v36 =	vadd.f32 v43, v36;
	v35 =	vadd.f32 v41, v35;
	v28 =	vmul.f32 v28, v15;
	v41 =	vld [tilespmem:s5+$0xFFFFFFB0]  }
0x6f: {  	v30 =	vadd.f32 v30, v32;
	v18 =	vadd.f32 v18, v21;
	v15 =	vmul.f32 v47, v15;
	v21 =	vld [tilespmem:s5+$0x20]  }
0x70: {  	v32 =	vadd.f32 v42, v36;
	v35 =	vadd.f32 v40, v35;
	v25 =	vmul.f32 v25, v12;
	v36 =	vld [tilespmem:s5+$0x30]  }
0x71: {  	v28 =	vadd.f32 v28, v30;
	v15 =	vadd.f32 v15, v18;
	v12 =	vmul.f32 v44, v12;
	v18 =	vld [tilespmem:s5+$0xA0]  }
0x72: {  	v30 =	vadd.f32 v39, v32;
	v32 =	vadd.f32 v38, v35;
	v23 =	vmul.f32 v23, v10;
	v35 =	vld [tilespmem:s5+$0xB0]  }
0x73: {  	v25 =	vadd.f32 v25, v28;
	v12 =	vadd.f32 v12, v15;
	v10 =	vmul.f32 v41, v10;
	v15 =	vld [tilespmem:s5+$0x120]  }
0x74: {  	v28 =	vadd.f32 v37, v30;
	v30 =	vadd.f32 v33, v32;
	v21 =	vmul.f32 v21, v8;
	v32 =	vld [tilespmem:s5+$0x130]  }
0x75: {  	v23 =	vadd.f32 v23, v25;
	v10 =	vadd.f32 v10, v12;
	v8 =	vmul.f32 v36, v8;
	v12 =	vld [tilespmem:s5+$0x1A0]  }
0x76: {  	v25 =	vadd.f32 v34, v28;
	v28 =	vadd.f32 v29, v30;
	v18 =	vmul.f32 v18, v6;
	v29 =	vld [tilespmem:s5+$0x1B0]  }
0x77: {  	v21 =	vadd.f32 v21, v23;
	v8 =	vadd.f32 v8, v10;
	v6 =	vmul.f32 v35, v6;
	v10 =	vld [tilespmem:s5+$0x220]  }
0x78: {  	v23 =	vadd.f32 v31, v25;
	v25 =	vadd.f32 v26, v28;
	v15 =	vmul.f32 v15, v5;
	v26 =	vld [tilespmem:s5+$0x230]  }
0x79: {  	v18 =	vadd.f32 v18, v21;
	v6 =	vadd.f32 v6, v8;
	v5 =	vmul.f32 v32, v5;
	v8 =	vld [tilespmem:s5+$0x2A0]  }
0x7a: {  	v21 =	vadd.f32 v27, v23;
	v22 =	vadd.f32 v22, v25;
	v12 =	vmul.f32 v12, v4;
	v23 =	vld [tilespmem:s5+$0x2B0]  }
0x7b: {  	v15 =	vadd.f32 v15, v18;
	v5 =	vadd.f32 v5, v6;
	v4 =	vmul.f32 v29, v4;
	v6 =	vld [tilespmem:s5+$0x320]  }
0x7c: {  	v18 =	vadd.f32 v24, v21;
	v19 =	vadd.f32 v19, v22;
	v10 =	vmul.f32 v10, v3;
	v21 =	vld [tilespmem:s5+$0x330]  }
0x7d: {  	v12 =	vadd.f32 v12, v15;
	v4 =	vadd.f32 v4, v5;
	v3 =	vmul.f32 v26, v3;
	v5 =	vld [tilespmem:s5+$0x3A0]  }
0x7e: {  	v15 =	vadd.f32 v20, v18;
	v16 =	vadd.f32 v16, v19;
	v8 =	vmul.f32 v8, v2;
	v18 =	vld [tilespmem:s5+$0x3B0];
	s5 =	sadd.s32 $0x800, s5  }
0x7f: {  	v10 =	vadd.f32 v10, v12;
	v19 =	vld [tilespmem:s5+$0x380];
	v3 =	vadd.f32 v3, v4;
	v2 =	vmul.f32 v23, v2  }
0x80: {  	v4 =	vadd.f32 v17, v15;
	v12 =	vadd.f32 v13, v16;
	v20 =	vld [tilespmem:s5+$0x390];
	v6 =	vmul.f32 v6, v1  }
0x81: {  	v8 =	vadd.f32 v8, v10;
	v13 =	vld [tilespmem:s5+$0x300];
	v2 =	vadd.f32 v2, v3;
	v1 =	vmul.f32 v21, v1  }
0x82: {  	v3 =	vadd.f32 v14, v4;
	v4 =	vadd.f32 v9, v12;
	v16 =	vld [tilespmem:s5+$0x310];
	v5 =	vmul.f32 v5, v0  }
0x83: {  	v6 =	vadd.f32 v6, v8;
	v17 =	vld [tilespmem:s5+$0x280];
	v1 =	vadd.f32 v1, v2;
	v0 =	vmul.f32 v18, v0  }
0x84: {  	v36 =	vadd.f32 v11, v3;
	v35 =	vadd.f32 v7, v4;
	v22 =	vld [tilespmem:s5+$0x290]  }
0x85: {  	v32 =	vadd.f32 v5, v6;
	v24 =	vld [tilespmem:s5+$0x200];
	v25 =	vadd.f32 v0, v1  }
0x86: {  	v26 =	vld [tilespmem:s5+$0x210]  }
0x87: {  	v27 =	vld [tilespmem:s5+$0x180]  }
0x88: {  	s7 =	sshra.s32 s6, $0x2;
	v29 =	vld [tilespmem:s5+$0x190]  }
0x89: {  	v7 =	vld [tilespmem:s7+$0x6100]  }
0x8a: {  	v31 =	vld [tilespmem:s5+$0x100]  }
0x8b: {  	v33 =	vld [tilespmem:s5+$0x110]  }
0x8c: {  	v34 =	vld [tilespmem:s5+$0x80]  }
0x8d: {  	v37 =	vld [tilespmem:s5+$0x90]  }
0x8e: {  	v50 =	vld [tilespmem:s5+$0x0];
	v1 =	vbroadcast v7, $0xE;
	v0 =	vbroadcast v7, $0xF  }
0x8f: {  	v3 =	vbroadcast v7, $0xC;
	v2 =	vbroadcast v7, $0xD;
	v51 =	vld [tilespmem:s5+$0x10]  }
0x90: {  	v5 =	vbroadcast v7, $0xA;
	v4 =	vbroadcast v7, $0xB;
	v52 =	vld [tilespmem:s5+$0xFFFFFF80]  }
0x91: {  	v8 =	vbroadcast v7, $0x8;
	v6 =	vbroadcast v7, $0x9;
	v53 =	vld [tilespmem:s5+$0xFFFFFF90]  }
0x92: {  	v12 =	vbroadcast v7, $0x6;
	v10 =	vbroadcast v7, $0x7;
	v39 =	vld [tilespmem:s5+$0xFFFFFF00]  }
0x93: {  	v18 =	vbroadcast v7, $0x4;
	v15 =	vbroadcast v7, $0x5;
	v38 =	vld [tilespmem:s5+$0xFFFFFF10]  }
0x94: {  	v23 =	vbroadcast v7, $0x2;
	v21 =	vbroadcast v7, $0x3;
	v42 =	vld [tilespmem:s5+$0xFFFFFE80]  }
0x95: {  	v30 =	vbroadcast v7, $0x0;
	v28 =	vbroadcast v7, $0x1;
	v40 =	vld [tilespmem:s5+$0xFFFFFE90]  }
0x96: {  	v11 =	vmul.f32 v19, v0;
	v7 =	vmul.f32 v20, v0;
	v43 =	vld [tilespmem:s5+$0xFFFFFE00]  }
0x97: {  	v14 =	vmul.f32 v13, v1;
	v9 =	vmul.f32 v16, v1;
	v41 =	vld [tilespmem:s5+$0xFFFFFE10]  }
0x98: {  	v17 =	vmul.f32 v17, v2;
	v13 =	vmul.f32 v22, v2;
	v45 =	vld [tilespmem:s5+$0xFFFFFD80]  }
0x99: {  	v20 =	vmul.f32 v24, v3;
	v16 =	vmul.f32 v26, v3;
	v44 =	vld [tilespmem:s5+$0xFFFFFD90]  }
.Ltmp2:
0x9a: {  	v24 =	vmul.f32 v27, v4;
	v19 =	vmul.f32 v29, v4;
	v47 =	vld [tilespmem:s5+$0xFFFFFD00];
	(pc) =	sbr.rel @p0 .LBB2_9-.Ltmp2, $4  }
0x9b: {  	v27 =	vmul.f32 v31, v5;
	v22 =	vmul.f32 v33, v5;
	v46 =	vld [tilespmem:s5+$0xFFFFFD10]  }
0x9c: {  	v31 =	vmul.f32 v34, v6;
	v26 =	vmul.f32 v37, v6;
	v49 =	vld [tilespmem:s5+$0xFFFFFC80]  }
0x9d: {  	v34 =	vmul.f32 v50, v8;
	v29 =	vmul.f32 v51, v8;
	v48 =	vld [tilespmem:s5+$0xFFFFFC90]  }
0x9e: {  	s6 =	sadd.s32 $0x40, s6;
	v37 =	vmul.f32 v52, v10;
	v33 =	vmul.f32 v53, v10;
	v50 =	vld [tilespmem:s5+$0xFFFFFC00]  }
0x9f: {  	_ =	sdelay $0x3  }
0xa0: {  	v50 =	vmul.f32 v50, v30;
	_ =	sdelay $0x1  }
0xa1: {  	v49 =	vmul.f32 v49, v28;
	v36 =	vadd.f32 v50, v36;
	_ =	sdelay $0x1  }
0xa2: {  	v47 =	vmul.f32 v47, v23;
	v36 =	vadd.f32 v49, v36;
	_ =	sdelay $0x1  }
0xa3: {  	v45 =	vmul.f32 v45, v21;
	v36 =	vadd.f32 v47, v36;
	_ =	sdelay $0x1  }
0xa4: {  	v55 =	vld [tilespmem:s5+$0xFFFFFC10];
	v43 =	vmul.f32 v43, v18;
	v36 =	vadd.f32 v45, v36;
	_ =	sdelay $0x1  }
0xa5: {  	v42 =	vmul.f32 v42, v15;
	v36 =	vadd.f32 v43, v36;
	_ =	sdelay $0x1  }
0xa6: {  	v39 =	vmul.f32 v39, v12;
	v36 =	vadd.f32 v42, v36  }
0xa7: {  	v56 =	vmul.f32 v55, v30  }
0xa8: {  	v36 =	vadd.f32 v39, v36  }
0xa9: {  	v57 =	vmul.f32 v48, v28;
	v35 =	vadd.f32 v56, v35  }
0xaa: {  	v36 =	vadd.f32 v37, v36  }
0xab: {  	v58 =	vmul.f32 v46, v23;
	v35 =	vadd.f32 v57, v35  }
0xac: {  	v34 =	vadd.f32 v34, v36  }
0xad: {  	v59 =	vmul.f32 v44, v21;
	v35 =	vadd.f32 v58, v35  }
0xae: {  	v31 =	vadd.f32 v31, v34  }
0xaf: {  	v60 =	vld [tilespmem:s5+$0xFFFFFC20];
	v61 =	vmul.f32 v41, v18;
	v35 =	vadd.f32 v59, v35  }
0xb0: {  	v27 =	vadd.f32 v27, v31  }
0xb1: {  	v62 =	vmul.f32 v40, v15;
	v63 =	vld [tilespmem:s5+$0xFFFFFCA0];
	v35 =	vadd.f32 v61, v35  }
0xb2: {  	v24 =	vadd.f32 v24, v27  }
0xb3: {  	v40 =	vmul.f32 v38, v12;
	v41 =	vld [tilespmem:s5+$0xFFFFFD20];
	v31 =	vadd.f32 v62, v35  }
0xb4: {  	v34 =	vmul.f32 v60, v30;
	v20 =	vadd.f32 v20, v24  }
0xb5: {  	v42 =	vld [tilespmem:s5+$0xFFFFFDA0];
	v27 =	vadd.f32 v40, v31  }
0xb6: {  	v43 =	vmul.f32 v63, v28;
	v32 =	vadd.f32 v34, v32;
	v17 =	vadd.f32 v17, v20  }
0xb7: {  	v44 =	vld [tilespmem:s5+$0xFFFFFE20];
	v27 =	vadd.f32 v33, v27  }
0xb8: {  	v45 =	vmul.f32 v41, v23;
	v31 =	vadd.f32 v43, v32;
	v14 =	vadd.f32 v14, v17  }
0xb9: {  	v46 =	vld [tilespmem:s5+$0xFFFFFEA0];
	v27 =	vadd.f32 v29, v27  }
0xba: {  	v24 =	vmul.f32 v42, v21;
	v47 =	vadd.f32 v45, v31;
	v11 =	vadd.f32 v11, v14  }
0xbb: {  	v48 =	vld [tilespmem:s5+$0xFFFFFF20];
	v26 =	vadd.f32 v26, v27  }
0xbc: {  	v49 =	vld [tilespmem:s5+$0xFFFFFC30];
	v20 =	vmul.f32 v44, v18;
	v24 =	vadd.f32 v24, v47;
	v11 =	vadd.f32 v11, v11  }
0xbd: {  	v50 =	vld [tilespmem:s5+$0xFFFFFFA0];
	v22 =	vadd.f32 v22, v26  }
0xbe: {  	v51 =	vld [tilespmem:s5+$0xFFFFFCB0];
	v17 =	vmul.f32 v46, v15;
	v20 =	vadd.f32 v20, v24;
	v11 =	vmul.f32 $1.442695020e+00, v11  }
0xbf: {  	v52 =	vld [tilespmem:s5+$0x20];
	v19 =	vadd.f32 v19, v22  }
0xc0: {  	v53 =	vld [tilespmem:s5+$0xFFFFFD30];
	v14 =	vmul.f32 v48, v12;
	v17 =	vadd.f32 v17, v20;
	(erf) = vpow2.f32 v11  }
0xc1: {  	v55 =	vld [tilespmem:s5+$0xA0];
	v54 =	vmul.f32 v49, v30;
	v16 =	vadd.f32 v16, v19  }
0xc2: {  	v56 =	vld [tilespmem:s5+$0xFFFFFDB0];
	v57 =	vmul.f32 v50, v10;
	v14 =	vadd.f32 v14, v17  }
0xc3: {  	v58 =	vmul.f32 v51, v28;
	v59 =	vld [tilespmem:s5+$0x120];
	v11 =	vadd.f32 v54, v25;
	v13 =	vadd.f32 v13, v16  }
0xc4: {  	v60 =	vld [tilespmem:s5+$0xFFFFFE30];
	v24 =	vmul.f32 v52, v8;
	v14 =	vadd.f32 v57, v14  }
0xc5: {  	v61 =	vmul.f32 v53, v23;
	v62 =	vld [tilespmem:s5+$0x1A0];
	v11 =	vadd.f32 v58, v11;
	v9 =	vadd.f32 v9, v13  }
0xc6: {  	v63 =	vld [tilespmem:s5+$0xFFFFFEB0];
	v20 =	vmul.f32 v55, v6;
	v14 =	vadd.f32 v24, v14  }
0xc7: {  	v27 =	vld [tilespmem:s5+$0x220];
	v26 =	vmul.f32 v56, v21;
	v11 =	vadd.f32 v61, v11;
	v7 =	vadd.f32 v7, v9  }
0xc8: {  	v28 =	vld [tilespmem:s5+$0xFFFFFF30];
	v29 =	vmul.f32 v59, v5;
	v14 =	vadd.f32 v20, v14  }
0xc9: {  	v30 =	vld [tilespmem:s5+$0x2A0];
	v16 =	vmul.f32 v60, v18;
	v11 =	vadd.f32 v26, v11;
	v7 =	vadd.f32 v7, v7;
	v31 =	vpop (erf)  }
0xca: {  	v32 =	vld [tilespmem:s5+$0xFFFFFFB0];
	v22 =	vmul.f32 v62, v4;
	v14 =	vadd.f32 v29, v14;
	v18 =	vadd.f32 $1.000000000e+00, v31  }
0xcb: {  	v33 =	vld [tilespmem:s5+$0x320];
	v13 =	vmul.f32 v63, v15;
	v11 =	vadd.f32 v16, v11;
	v7 =	vmul.f32 $1.442695020e+00, v7  }
0xcc: {  	v34 =	vld [tilespmem:s5+$0x30];
	v19 =	vmul.f32 v27, v3;
	v14 =	vadd.f32 v22, v14;
	(erf) = vrcp.f32 v18  }
0xcd: {  	v35 =	vld [tilespmem:s5+$0x3A0];
	v9 =	vmul.f32 v28, v12;
	v11 =	vadd.f32 v13, v11;
	(erf) = vpow2.f32 v7  }
0xce: {  	v36 =	vld [tilespmem:s5+$0xB0];
	v37 =	vmul.f32 v30, v2;
	v14 =	vadd.f32 v19, v14  }
0xcf: {  	v38 =	vmul.f32 v32, v10;
	v9 =	vadd.f32 v9, v11  }
0xd0: {  	v39 =	vld [tilespmem:s5+$0x130];
	v15 =	vmul.f32 v33, v1;
	v13 =	vadd.f32 v37, v14  }
0xd1: {  	v40 =	vmul.f32 v34, v8;
	v9 =	vadd.f32 v38, v9  }
0xd2: {  	v41 =	vld [tilespmem:s5+$0x1B0];
	v12 =	vmul.f32 v35, v0;
	v13 =	vadd.f32 v15, v13  }
0xd3: {  	v42 =	vmul.f32 v36, v6;
	v8 =	vadd.f32 v40, v9  }
0xd4: {  	v43 =	vld [tilespmem:s5+$0x230];
	v44 =	vadd.f32 v12, v13  }
0xd5: {  	v45 =	vmul.f32 v39, v5;
	v6 =	vadd.f32 v42, v8;
	v46 =	vpop (erf)  }
0xd6: {  	v47 =	vld [tilespmem:s5+$0x2B0];
	v9 =	vadd.f32 v44, v44;
	v48 =	vpop (erf)  }
0xd7: {  	v49 =	vmul.f32 v41, v4;
	v5 =	vadd.f32 v45, v6;
	v50 =	vadd.f32 $1.000000000e+00, v48  }
0xd8: {  	v51 =	vld [tilespmem:s5+$0x330];
	v9 =	vmul.f32 $1.442695020e+00, v9  }
0xd9: {  	v52 =	vmul.f32 v43, v3;
	v4 =	vadd.f32 v49, v5;
	(erf) = vrcp.f32 v50  }
0xda: {  	v53 =	vld [tilespmem:s5+$0x3B0];
	(erf) = vpow2.f32 v9  }
0xdb: {  	v54 =	vmul.f32 v47, v2;
	v3 =	vadd.f32 v52, v4;
	_ =	sdelay $0x1  }
0xdc: {  	v55 =	vmul.f32 v51, v1;
	v2 =	vadd.f32 v54, v3;
	_ =	sdelay $0x1  }
0xdd: {  	v56 =	vmul.f32 v53, v0;
	v1 =	vadd.f32 v55, v2;
	_ =	sdelay $0x1  }
0xde: {  	v0 =	vadd.f32 v56, v1  }
0xdf: {  	v57 =	vpop (erf)  }
0xe0: {  	v0 =	vadd.f32 v0, v0;
	v58 =	vpop (erf)  }
0xe1: {  	v2 =	vadd.f32 $1.000000000e+00, v58  }
0xe2: {  	v0 =	vmul.f32 $1.442695020e+00, v0  }
0xe3: {  	(erf) = vrcp.f32 v2  }
0xe4: {  	(erf) = vpow2.f32 v0;
	_ =	sdelay $0x7  }
0xe5: {  	v59 =	vpop (erf)  }
0xe6: {  	v60 =	vpop (erf)  }
0xe7: {  	v2 =	vadd.f32 $1.000000000e+00, v60;
	_ =	sdelay $0x1  }
0xe8: {  	(erf) = vrcp.f32 v2;
	_ =	sdelay $0x6  }
0xe9: {  	v1 =	vadd.f32 v57, v57  }
0xea: {  	v0 =	vadd.f32 v59, v59  }
0xeb: {  	p0 =	sgt.s32 s3, $0xFFFFFFFF;
	v61 =	vadd.f32 v46, v46;
	v1 =	vsub.f32 $1.000000000e+00, v1;
	v62 =	vpop (erf)  }
.Ltmp3:
0xec: {  	v0 =	vsub.f32 $1.000000000e+00, v0;
	v3 =	vadd.f32 v62, v62;
	(pc) =	sbr.rel @!p0 .LBB2_12-.Ltmp3, $4  }
0xed: {  	[tilespmem:$0x6190] =	vst v1;
	v2 =	vsub.f32 $1.000000000e+00, v61  }
0xee: {  	[tilespmem:$0x61A0] =	vst v0;
	v63 =	vsub.f32 $1.000000000e+00, v3  }
0xef: {  	[tilespmem:$0x6180] =	vst v2  }
0xf0: {  	[tilespmem:$0x61B0] =	vst v63  }
.Ltmp4:
0xf1: {  	(pc) =	sbr.rel .LBB2_16-.Ltmp4, $2  }
0xf2: {  	_ =	sdelay $0x2  }
0xf3: {  	s3 =	smov.u32 s4  }
.LBB2_2:
0xf4: {  	s7 =	simm.s32 $0x0;
	s22 =	simm.s32 $0x2  }
0xf5: {  	[tilespmem:s7], [sflag:$0x2] =	stream.linear.gather [hbm4b:s8+s7], $0x80, $0x38;
	[tilespmem:$0x6200] =	vst v63  }
0xf6: {  	_ =	swait.ge [sflag:s22], $0x80  }
0xf7: {  	[sflag:s22] =	ssyncset.done $0x0  }
0xf8: {  	[sflag:s22] =	ssyncadd.s32 $0xFFFFFF80  }
0xf9: {  	v0 =	vld.msk [tilespmem:s7+$0x0], $0xffff;
	_ =	sdelay $0x4  }
0xfa: {  	(v2sf) =	vpush v0, $0x0;
	_ =	sdelay $0xe  }
0xfb: {  	s4 =	spop (v2sf)  }
0xfc: {  	s9 =	ssub.s32 $0x0, s4  }
0xfd: {  	s9 =	smin.u32 s4, s9  }
0xfe: {  	s10 =	sadd.s32 $0xFFFFFFFF, s9  }
0xff: {  	s9 =	sadd.s32 $0x3FFF, s9;
	p0 =	slt.s32 s10, $0x0  }
0x100: {  	s10 =	smov.u32 @p0 s9  }
0x101: {  	s9 =	sshrl.u32 s10, $0x3  }
0x102: {  	s10 =	sand.u32 $0xF, s10;
	s9 =	sand.u32 $0x1FFFFFFE, s9  }
0x103: {  	s23 =	simm.s32 $0x80;
	v0 =	vmov s10;
	s6 =	sadd.s32 s6, s9  }
0x104: {  	[tilespmem:s23], [sflag:$0x2] =	stream.linear.gather [hbm4b:s6+s7], $0x10, $0x38;
	[tilespmem:$0x6200] =	vst v63  }
0x105: {  	_ =	swait.ge [sflag:s22], $0x10  }
0x106: {  	[sflag:s22] =	ssyncset.done $0x0  }
0x107: {  	[sflag:s22] =	ssyncadd.s32 $0xFFFFFFF0  }
0x108: {  	v0 =	vld.idx.msk [tilespmem:v0+s23+$0x0], $0xffff;
	_ =	sdelay $0x4  }
0x109: {  	(v2sf) =	vpush v0, $0x0;
	_ =	sdelay $0xd  }
0x10a: {  	v0 =	vlaneseq.u32  }
0x10b: {  	v0 =	vmul.u32 $0x80, v0;
	s24 =	spop (v2sf)  }
0x10c: {  	s26 =	simm.s32 $0x400;
	s25 =	sand.u32 $0xFFFFF80, s24;
	s6 =	sand.u32 $0x7F, s24  }
0x10d: {  	s28 =	simm.s32 $0x7A1400;
	s29 =	simm.s32 $0x100;
	s5 =	sadd.s32 s5, s25;
	v1 =	vor.u32 s6, v0  }
0x10e: {  	[tilespmem:s29], [sflag:$0x2] =	stream.strided.gather [hbm4b:s5+s26], $0x2000, s28, s26, $0x38;
	[tilespmem:$0x6200] =	vst v63  }
0x10f: {  	_ =	swait.ge [sflag:s22], $0x2000  }
0x110: {  	[sflag:s22] =	ssyncset.done $0x0  }
0x111: {  	[sflag:s22] =	ssyncadd.s32 $0xFFFFE000  }
0x112: {  	v2 =	vor.u32 $0x800, v0;
	v1 =	vld.idx.msk [tilespmem:v1+s29+$0x0], $0xffff  }
0x113: {  	v2 =	vor.u32 s6, v2;
	_ =	sdelay $0x3  }
0x114: {  	[tilespmem:$0x6100] =	vst v1  }
0x115: {  	v1 =	vld.idx.msk [tilespmem:v2+s29+$0x0], $0xffff;
	v2 =	vor.u32 $0x1000, v0  }
0x116: {  	v2 =	vor.u32 s6, v2;
	_ =	sdelay $0x3  }
0x117: {  	[tilespmem:$0x6110] =	vst v1  }
0x118: {  	v0 =	vor.u32 $0x1800, v0;
	v1 =	vld.idx.msk [tilespmem:v2+s29+$0x0], $0xffff  }
0x119: {  	v0 =	vor.u32 s6, v0;
	_ =	sdelay $0x3  }
0x11a: {  	[tilespmem:$0x6120] =	vst v1  }
0x11b: {  	v0 =	vld.idx.msk [tilespmem:v0+s29+$0x0], $0xffff;
	_ =	sdelay $0x4  }
0x11c: {  	s30 =	simm.s32 $0x1;
	[tilespmem:$0x6130] =	vst v0  }
0x11d: {  	_ =	swait.ge [sflag:s30], $0x2000  }
0x11e: {  	[sflag:s30] =	ssyncset.done $0x0  }
0x11f: {  	s5 =	simm.s32 $0x2500;
	[sflag:s30] =	ssyncadd.s32 $0xFFFFE000  }
0x120: {  	v7 =	vld [tilespmem:s5+$0x380]  }
0x121: {  	v9 =	vld [tilespmem:s5+$0x390]  }
0x122: {  	v13 =	vld [tilespmem:s5+$0x300]  }
0x123: {  	v16 =	vld [tilespmem:s5+$0x310]  }
0x124: {  	v17 =	vld [tilespmem:s5+$0x280]  }
0x125: {  	v19 =	vld [tilespmem:s5+$0x290]  }
0x126: {  	v20 =	vld [tilespmem:s5+$0x200]  }
0x127: {  	v22 =	vld [tilespmem:s5+$0x210]  }
0x128: {  	s31 =	simm.s32 $0x0;
	v24 =	vld [tilespmem:s5+$0x180]  }
0x129: {  	v11 =	vld [tilespmem:s31+$0x6100]  }
0x12a: {  	v25 =	vld [tilespmem:s5+$0x190]  }
0x12b: {  	v26 =	vld [tilespmem:s5+$0x100]  }
0x12c: {  	v29 =	vld [tilespmem:s5+$0x110]  }
0x12d: {  	v31 =	vld [tilespmem:s5+$0x80]  }
0x12e: {  	v32 =	vld [tilespmem:s5+$0x90];
	v1 =	vbroadcast v11, $0xE;
	v0 =	vbroadcast v11, $0xF  }
0x12f: {  	v33 =	vld [tilespmem:s5+$0x0];
	v3 =	vbroadcast v11, $0xC;
	v2 =	vbroadcast v11, $0xD  }
0x130: {  	v35 =	vld [tilespmem:s5+$0x10];
	v5 =	vbroadcast v11, $0xA;
	v4 =	vbroadcast v11, $0xB  }
0x131: {  	v37 =	vld [tilespmem:s5+$0xFFFFFF80];
	v8 =	vbroadcast v11, $0x8;
	v6 =	vbroadcast v11, $0x9  }
0x132: {  	v50 =	vld [tilespmem:s5+$0xFFFFFF90];
	v12 =	vbroadcast v11, $0x6;
	v10 =	vbroadcast v11, $0x7  }
0x133: {  	v39 =	vld [tilespmem:s5+$0xFFFFFF00];
	v18 =	vbroadcast v11, $0x4;
	v15 =	vbroadcast v11, $0x5  }
0x134: {  	v38 =	vld [tilespmem:s5+$0xFFFFFF10];
	v23 =	vbroadcast v11, $0x2;
	v21 =	vbroadcast v11, $0x3  }
0x135: {  	v42 =	vld [tilespmem:s5+$0xFFFFFE80];
	v30 =	vbroadcast v11, $0x0;
	v28 =	vbroadcast v11, $0x1  }
0x136: {  	v40 =	vld [tilespmem:s5+$0xFFFFFE90];
	v11 =	vmul.f32 v7, v0;
	v7 =	vmul.f32 v9, v0  }
0x137: {  	v43 =	vld [tilespmem:s5+$0xFFFFFE00];
	v14 =	vmul.f32 v13, v1;
	v9 =	vmul.f32 v16, v1  }
0x138: {  	v41 =	vld [tilespmem:s5+$0xFFFFFE10];
	v17 =	vmul.f32 v17, v2;
	v13 =	vmul.f32 v19, v2  }
0x139: {  	v45 =	vld [tilespmem:s5+$0xFFFFFD80];
	v20 =	vmul.f32 v20, v3;
	v16 =	vmul.f32 v22, v3  }
0x13a: {  	v44 =	vld [tilespmem:s5+$0xFFFFFD90];
	v24 =	vmul.f32 v24, v4;
	v19 =	vmul.f32 v25, v4  }
0x13b: {  	v47 =	vld [tilespmem:s5+$0xFFFFFD00];
	v27 =	vmul.f32 v26, v5;
	v22 =	vmul.f32 v29, v5  }
0x13c: {  	v46 =	vld [tilespmem:s5+$0xFFFFFD10];
	v31 =	vmul.f32 v31, v6;
	v26 =	vmul.f32 v32, v6  }
0x13d: {  	v49 =	vld [tilespmem:s5+$0xFFFFFC80];
	v34 =	vmul.f32 v33, v8;
	v29 =	vmul.f32 v35, v8  }
0x13e: {  	v36 =	vimm.f32 $0.0e+00;
	v48 =	vld [tilespmem:s5+$0xFFFFFC90];
	v37 =	vmul.f32 v37, v10;
	v33 =	vmul.f32 v50, v10  }
0x13f: {  	s6 =	simm.s32 $0x40;
	v50 =	vld [tilespmem:s5+$0xFFFFFC00];
	v35 =	vimm.f32 $0.0e+00;
	v32 =	vimm.f32 $0.0e+00;
	v25 =	vimm.f32 $0.0e+00  }
.LBB2_3:
0x140: {  	p0 =	sne.s32 s6, $0xC0;
	v51 =	vld [tilespmem:s5+$0xFFFFFC10];
	v39 =	vmul.f32 v39, v12;
	v38 =	vmul.f32 v38, v12  }
0x141: {  	v42 =	vmul.f32 v42, v15;
	v40 =	vmul.f32 v40, v15;
	v52 =	vld [tilespmem:s5+$0xFFFFFC20]  }
0x142: {  	v43 =	vmul.f32 v43, v18;
	v41 =	vmul.f32 v41, v18;
	v53 =	vld [tilespmem:s5+$0xFFFFFC30]  }
0x143: {  	v45 =	vmul.f32 v45, v21;
	v44 =	vmul.f32 v44, v21;
	v54 =	vld [tilespmem:s5+$0xFFFFFCA0]  }
0x144: {  	v47 =	vmul.f32 v47, v23;
	v46 =	vmul.f32 v46, v23;
	v55 =	vld [tilespmem:s5+$0xFFFFFCB0]  }
0x145: {  	v49 =	vmul.f32 v49, v28;
	v48 =	vmul.f32 v48, v28;
	v56 =	vld [tilespmem:s5+$0xFFFFFD20]  }
0x146: {  	v50 =	vmul.f32 v50, v30;
	v51 =	vmul.f32 v51, v30;
	v57 =	vld [tilespmem:s5+$0xFFFFFD30]  }
0x147: {  	v52 =	vmul.f32 v52, v30;
	v30 =	vmul.f32 v53, v30;
	v53 =	vld [tilespmem:s5+$0xFFFFFDA0]  }
0x148: {  	v36 =	vadd.f32 v50, v36;
	v35 =	vadd.f32 v51, v35;
	v50 =	vmul.f32 v54, v28;
	v51 =	vld [tilespmem:s5+$0xFFFFFDB0]  }
0x149: {  	v32 =	vadd.f32 v52, v32;
	v25 =	vadd.f32 v30, v25;
	v28 =	vmul.f32 v55, v28;
	v30 =	vld [tilespmem:s5+$0xFFFFFE20]  }
0x14a: {  	v36 =	vadd.f32 v49, v36;
	v35 =	vadd.f32 v48, v35;
	v48 =	vmul.f32 v56, v23;
	v49 =	vld [tilespmem:s5+$0xFFFFFE30]  }
0x14b: {  	v32 =	vadd.f32 v50, v32;
	v25 =	vadd.f32 v28, v25;
	v23 =	vmul.f32 v57, v23;
	v28 =	vld [tilespmem:s5+$0xFFFFFEA0]  }
0x14c: {  	v36 =	vadd.f32 v47, v36;
	v35 =	vadd.f32 v46, v35;
	v46 =	vmul.f32 v53, v21;
	v47 =	vld [tilespmem:s5+$0xFFFFFEB0]  }
0x14d: {  	v32 =	vadd.f32 v48, v32;
	v23 =	vadd.f32 v23, v25;
	v21 =	vmul.f32 v51, v21;
	v25 =	vld [tilespmem:s5+$0xFFFFFF20]  }
0x14e: {  	v36 =	vadd.f32 v45, v36;
	v35 =	vadd.f32 v44, v35;
	v30 =	vmul.f32 v30, v18;
	v44 =	vld [tilespmem:s5+$0xFFFFFF30]  }
0x14f: {  	v32 =	vadd.f32 v46, v32;
	v21 =	vadd.f32 v21, v23;
	v18 =	vmul.f32 v49, v18;
	v23 =	vld [tilespmem:s5+$0xFFFFFFA0]  }
0x150: {  	v36 =	vadd.f32 v43, v36;
	v35 =	vadd.f32 v41, v35;
	v28 =	vmul.f32 v28, v15;
	v41 =	vld [tilespmem:s5+$0xFFFFFFB0]  }
0x151: {  	v30 =	vadd.f32 v30, v32;
	v18 =	vadd.f32 v18, v21;
	v15 =	vmul.f32 v47, v15;
	v21 =	vld [tilespmem:s5+$0x20]  }
0x152: {  	v32 =	vadd.f32 v42, v36;
	v35 =	vadd.f32 v40, v35;
	v25 =	vmul.f32 v25, v12;
	v36 =	vld [tilespmem:s5+$0x30]  }
0x153: {  	v28 =	vadd.f32 v28, v30;
	v15 =	vadd.f32 v15, v18;
	v12 =	vmul.f32 v44, v12;
	v18 =	vld [tilespmem:s5+$0xA0]  }
0x154: {  	v30 =	vadd.f32 v39, v32;
	v32 =	vadd.f32 v38, v35;
	v23 =	vmul.f32 v23, v10;
	v35 =	vld [tilespmem:s5+$0xB0]  }
0x155: {  	v25 =	vadd.f32 v25, v28;
	v12 =	vadd.f32 v12, v15;
	v10 =	vmul.f32 v41, v10;
	v15 =	vld [tilespmem:s5+$0x120]  }
0x156: {  	v28 =	vadd.f32 v37, v30;
	v30 =	vadd.f32 v33, v32;
	v21 =	vmul.f32 v21, v8;
	v32 =	vld [tilespmem:s5+$0x130]  }
0x157: {  	v23 =	vadd.f32 v23, v25;
	v10 =	vadd.f32 v10, v12;
	v8 =	vmul.f32 v36, v8;
	v12 =	vld [tilespmem:s5+$0x1A0]  }
0x158: {  	v25 =	vadd.f32 v34, v28;
	v28 =	vadd.f32 v29, v30;
	v18 =	vmul.f32 v18, v6;
	v29 =	vld [tilespmem:s5+$0x1B0]  }
0x159: {  	v21 =	vadd.f32 v21, v23;
	v8 =	vadd.f32 v8, v10;
	v6 =	vmul.f32 v35, v6;
	v10 =	vld [tilespmem:s5+$0x220]  }
0x15a: {  	v23 =	vadd.f32 v31, v25;
	v25 =	vadd.f32 v26, v28;
	v15 =	vmul.f32 v15, v5;
	v26 =	vld [tilespmem:s5+$0x230]  }
0x15b: {  	v18 =	vadd.f32 v18, v21;
	v6 =	vadd.f32 v6, v8;
	v5 =	vmul.f32 v32, v5;
	v8 =	vld [tilespmem:s5+$0x2A0]  }
0x15c: {  	v21 =	vadd.f32 v27, v23;
	v22 =	vadd.f32 v22, v25;
	v12 =	vmul.f32 v12, v4;
	v23 =	vld [tilespmem:s5+$0x2B0]  }
0x15d: {  	v15 =	vadd.f32 v15, v18;
	v5 =	vadd.f32 v5, v6;
	v4 =	vmul.f32 v29, v4;
	v6 =	vld [tilespmem:s5+$0x320]  }
0x15e: {  	v18 =	vadd.f32 v24, v21;
	v19 =	vadd.f32 v19, v22;
	v10 =	vmul.f32 v10, v3;
	v21 =	vld [tilespmem:s5+$0x330]  }
0x15f: {  	v12 =	vadd.f32 v12, v15;
	v4 =	vadd.f32 v4, v5;
	v3 =	vmul.f32 v26, v3;
	v5 =	vld [tilespmem:s5+$0x3A0]  }
0x160: {  	v15 =	vadd.f32 v20, v18;
	v16 =	vadd.f32 v16, v19;
	v8 =	vmul.f32 v8, v2;
	v18 =	vld [tilespmem:s5+$0x3B0];
	s5 =	sadd.s32 $0x800, s5  }
0x161: {  	v10 =	vadd.f32 v10, v12;
	v19 =	vld [tilespmem:s5+$0x380];
	v3 =	vadd.f32 v3, v4;
	v2 =	vmul.f32 v23, v2  }
0x162: {  	v4 =	vadd.f32 v17, v15;
	v12 =	vadd.f32 v13, v16;
	v20 =	vld [tilespmem:s5+$0x390];
	v6 =	vmul.f32 v6, v1  }
0x163: {  	v8 =	vadd.f32 v8, v10;
	v13 =	vld [tilespmem:s5+$0x300];
	v2 =	vadd.f32 v2, v3;
	v1 =	vmul.f32 v21, v1  }
0x164: {  	v3 =	vadd.f32 v14, v4;
	v4 =	vadd.f32 v9, v12;
	v16 =	vld [tilespmem:s5+$0x310];
	v5 =	vmul.f32 v5, v0  }
0x165: {  	v6 =	vadd.f32 v6, v8;
	v17 =	vld [tilespmem:s5+$0x280];
	v1 =	vadd.f32 v1, v2;
	v0 =	vmul.f32 v18, v0  }
0x166: {  	v36 =	vadd.f32 v11, v3;
	v35 =	vadd.f32 v7, v4;
	v22 =	vld [tilespmem:s5+$0x290]  }
0x167: {  	v32 =	vadd.f32 v5, v6;
	v24 =	vld [tilespmem:s5+$0x200];
	v25 =	vadd.f32 v0, v1  }
0x168: {  	v26 =	vld [tilespmem:s5+$0x210]  }
0x169: {  	v27 =	vld [tilespmem:s5+$0x180]  }
0x16a: {  	s7 =	sshra.s32 s6, $0x2;
	v29 =	vld [tilespmem:s5+$0x190]  }
0x16b: {  	v7 =	vld [tilespmem:s7+$0x6100]  }
0x16c: {  	v31 =	vld [tilespmem:s5+$0x100]  }
0x16d: {  	v33 =	vld [tilespmem:s5+$0x110]  }
0x16e: {  	v34 =	vld [tilespmem:s5+$0x80]  }
0x16f: {  	v37 =	vld [tilespmem:s5+$0x90]  }
0x170: {  	v50 =	vld [tilespmem:s5+$0x0];
	v1 =	vbroadcast v7, $0xE;
	v0 =	vbroadcast v7, $0xF  }
0x171: {  	v3 =	vbroadcast v7, $0xC;
	v2 =	vbroadcast v7, $0xD;
	v51 =	vld [tilespmem:s5+$0x10]  }
0x172: {  	v5 =	vbroadcast v7, $0xA;
	v4 =	vbroadcast v7, $0xB;
	v52 =	vld [tilespmem:s5+$0xFFFFFF80]  }
0x173: {  	v8 =	vbroadcast v7, $0x8;
	v6 =	vbroadcast v7, $0x9;
	v53 =	vld [tilespmem:s5+$0xFFFFFF90]  }
0x174: {  	v12 =	vbroadcast v7, $0x6;
	v10 =	vbroadcast v7, $0x7;
	v39 =	vld [tilespmem:s5+$0xFFFFFF00]  }
0x175: {  	v18 =	vbroadcast v7, $0x4;
	v15 =	vbroadcast v7, $0x5;
	v38 =	vld [tilespmem:s5+$0xFFFFFF10]  }
0x176: {  	v23 =	vbroadcast v7, $0x2;
	v21 =	vbroadcast v7, $0x3;
	v42 =	vld [tilespmem:s5+$0xFFFFFE80]  }
0x177: {  	v30 =	vbroadcast v7, $0x0;
	v28 =	vbroadcast v7, $0x1;
	v40 =	vld [tilespmem:s5+$0xFFFFFE90]  }
0x178: {  	v11 =	vmul.f32 v19, v0;
	v7 =	vmul.f32 v20, v0;
	v43 =	vld [tilespmem:s5+$0xFFFFFE00]  }
0x179: {  	v14 =	vmul.f32 v13, v1;
	v9 =	vmul.f32 v16, v1;
	v41 =	vld [tilespmem:s5+$0xFFFFFE10]  }
0x17a: {  	v17 =	vmul.f32 v17, v2;
	v13 =	vmul.f32 v22, v2;
	v45 =	vld [tilespmem:s5+$0xFFFFFD80]  }
0x17b: {  	v20 =	vmul.f32 v24, v3;
	v16 =	vmul.f32 v26, v3;
	v44 =	vld [tilespmem:s5+$0xFFFFFD90]  }
.Ltmp5:
0x17c: {  	v24 =	vmul.f32 v27, v4;
	v19 =	vmul.f32 v29, v4;
	v47 =	vld [tilespmem:s5+$0xFFFFFD00];
	(pc) =	sbr.rel @p0 .LBB2_3-.Ltmp5, $4  }
0x17d: {  	v27 =	vmul.f32 v31, v5;
	v22 =	vmul.f32 v33, v5;
	v46 =	vld [tilespmem:s5+$0xFFFFFD10]  }
0x17e: {  	v31 =	vmul.f32 v34, v6;
	v26 =	vmul.f32 v37, v6;
	v49 =	vld [tilespmem:s5+$0xFFFFFC80]  }
0x17f: {  	v34 =	vmul.f32 v50, v8;
	v29 =	vmul.f32 v51, v8;
	v48 =	vld [tilespmem:s5+$0xFFFFFC90]  }
0x180: {  	s6 =	sadd.s32 $0x40, s6;
	v37 =	vmul.f32 v52, v10;
	v33 =	vmul.f32 v53, v10;
	v50 =	vld [tilespmem:s5+$0xFFFFFC00]  }
0x181: {  	_ =	sdelay $0x3  }
0x182: {  	v50 =	vmul.f32 v50, v30;
	_ =	sdelay $0x1  }
0x183: {  	v49 =	vmul.f32 v49, v28;
	v36 =	vadd.f32 v50, v36;
	_ =	sdelay $0x1  }
0x184: {  	v47 =	vmul.f32 v47, v23;
	v36 =	vadd.f32 v49, v36;
	_ =	sdelay $0x1  }
0x185: {  	v45 =	vmul.f32 v45, v21;
	v36 =	vadd.f32 v47, v36;
	_ =	sdelay $0x1  }
0x186: {  	v55 =	vld [tilespmem:s5+$0xFFFFFC10];
	v43 =	vmul.f32 v43, v18;
	v36 =	vadd.f32 v45, v36;
	_ =	sdelay $0x1  }
0x187: {  	v42 =	vmul.f32 v42, v15;
	v36 =	vadd.f32 v43, v36;
	_ =	sdelay $0x1  }
0x188: {  	v39 =	vmul.f32 v39, v12;
	v36 =	vadd.f32 v42, v36  }
0x189: {  	v56 =	vmul.f32 v55, v30  }
0x18a: {  	v36 =	vadd.f32 v39, v36  }
0x18b: {  	v57 =	vmul.f32 v48, v28;
	v35 =	vadd.f32 v56, v35  }
0x18c: {  	v36 =	vadd.f32 v37, v36  }
0x18d: {  	v58 =	vmul.f32 v46, v23;
	v35 =	vadd.f32 v57, v35  }
0x18e: {  	v34 =	vadd.f32 v34, v36  }
0x18f: {  	v59 =	vmul.f32 v44, v21;
	v35 =	vadd.f32 v58, v35  }
0x190: {  	v31 =	vadd.f32 v31, v34  }
0x191: {  	v60 =	vld [tilespmem:s5+$0xFFFFFC20];
	v61 =	vmul.f32 v41, v18;
	v35 =	vadd.f32 v59, v35  }
0x192: {  	v27 =	vadd.f32 v27, v31  }
0x193: {  	v62 =	vmul.f32 v40, v15;
	v63 =	vld [tilespmem:s5+$0xFFFFFCA0];
	v35 =	vadd.f32 v61, v35  }
0x194: {  	v24 =	vadd.f32 v24, v27  }
0x195: {  	v40 =	vmul.f32 v38, v12;
	v41 =	vld [tilespmem:s5+$0xFFFFFD20];
	v31 =	vadd.f32 v62, v35  }
0x196: {  	v34 =	vmul.f32 v60, v30;
	v20 =	vadd.f32 v20, v24  }
0x197: {  	v42 =	vld [tilespmem:s5+$0xFFFFFDA0];
	v27 =	vadd.f32 v40, v31  }
0x198: {  	v43 =	vmul.f32 v63, v28;
	v32 =	vadd.f32 v34, v32;
	v17 =	vadd.f32 v17, v20  }
0x199: {  	v44 =	vld [tilespmem:s5+$0xFFFFFE20];
	v27 =	vadd.f32 v33, v27  }
0x19a: {  	v45 =	vmul.f32 v41, v23;
	v31 =	vadd.f32 v43, v32;
	v14 =	vadd.f32 v14, v17  }
0x19b: {  	v46 =	vld [tilespmem:s5+$0xFFFFFEA0];
	v27 =	vadd.f32 v29, v27  }
0x19c: {  	v24 =	vmul.f32 v42, v21;
	v47 =	vadd.f32 v45, v31;
	v11 =	vadd.f32 v11, v14  }
0x19d: {  	v48 =	vld [tilespmem:s5+$0xFFFFFF20];
	v26 =	vadd.f32 v26, v27  }
0x19e: {  	v49 =	vld [tilespmem:s5+$0xFFFFFC30];
	v20 =	vmul.f32 v44, v18;
	v24 =	vadd.f32 v24, v47;
	v11 =	vadd.f32 v11, v11  }
0x19f: {  	v50 =	vld [tilespmem:s5+$0xFFFFFFA0];
	v22 =	vadd.f32 v22, v26  }
0x1a0: {  	v51 =	vld [tilespmem:s5+$0xFFFFFCB0];
	v17 =	vmul.f32 v46, v15;
	v20 =	vadd.f32 v20, v24;
	v11 =	vmul.f32 $1.442695020e+00, v11  }
0x1a1: {  	v52 =	vld [tilespmem:s5+$0x20];
	v19 =	vadd.f32 v19, v22  }
0x1a2: {  	v53 =	vld [tilespmem:s5+$0xFFFFFD30];
	v14 =	vmul.f32 v48, v12;
	v17 =	vadd.f32 v17, v20;
	(erf) = vpow2.f32 v11  }
0x1a3: {  	v55 =	vld [tilespmem:s5+$0xA0];
	v54 =	vmul.f32 v49, v30;
	v16 =	vadd.f32 v16, v19  }
0x1a4: {  	v56 =	vld [tilespmem:s5+$0xFFFFFDB0];
	v57 =	vmul.f32 v50, v10;
	v14 =	vadd.f32 v14, v17  }
0x1a5: {  	v58 =	vmul.f32 v51, v28;
	v59 =	vld [tilespmem:s5+$0x120];
	v11 =	vadd.f32 v54, v25;
	v13 =	vadd.f32 v13, v16  }
0x1a6: {  	v60 =	vld [tilespmem:s5+$0xFFFFFE30];
	v24 =	vmul.f32 v52, v8;
	v14 =	vadd.f32 v57, v14  }
0x1a7: {  	v61 =	vmul.f32 v53, v23;
	v62 =	vld [tilespmem:s5+$0x1A0];
	v11 =	vadd.f32 v58, v11;
	v9 =	vadd.f32 v9, v13  }
0x1a8: {  	v63 =	vld [tilespmem:s5+$0xFFFFFEB0];
	v20 =	vmul.f32 v55, v6;
	v14 =	vadd.f32 v24, v14  }
0x1a9: {  	v27 =	vld [tilespmem:s5+$0x220];
	v26 =	vmul.f32 v56, v21;
	v11 =	vadd.f32 v61, v11;
	v7 =	vadd.f32 v7, v9  }
0x1aa: {  	v28 =	vld [tilespmem:s5+$0xFFFFFF30];
	v29 =	vmul.f32 v59, v5;
	v14 =	vadd.f32 v20, v14  }
0x1ab: {  	v30 =	vld [tilespmem:s5+$0x2A0];
	v16 =	vmul.f32 v60, v18;
	v11 =	vadd.f32 v26, v11;
	v7 =	vadd.f32 v7, v7;
	v31 =	vpop (erf)  }
0x1ac: {  	v32 =	vld [tilespmem:s5+$0xFFFFFFB0];
	v22 =	vmul.f32 v62, v4;
	v14 =	vadd.f32 v29, v14;
	v18 =	vadd.f32 $1.000000000e+00, v31  }
0x1ad: {  	v33 =	vld [tilespmem:s5+$0x320];
	v13 =	vmul.f32 v63, v15;
	v11 =	vadd.f32 v16, v11;
	v7 =	vmul.f32 $1.442695020e+00, v7  }
0x1ae: {  	v34 =	vld [tilespmem:s5+$0x30];
	v19 =	vmul.f32 v27, v3;
	v14 =	vadd.f32 v22, v14;
	(erf) = vrcp.f32 v18  }
0x1af: {  	v35 =	vld [tilespmem:s5+$0x3A0];
	v9 =	vmul.f32 v28, v12;
	v11 =	vadd.f32 v13, v11;
	(erf) = vpow2.f32 v7  }
0x1b0: {  	v36 =	vld [tilespmem:s5+$0xB0];
	v37 =	vmul.f32 v30, v2;
	v14 =	vadd.f32 v19, v14  }
0x1b1: {  	v38 =	vmul.f32 v32, v10;
	v9 =	vadd.f32 v9, v11  }
0x1b2: {  	v39 =	vld [tilespmem:s5+$0x130];
	v15 =	vmul.f32 v33, v1;
	v13 =	vadd.f32 v37, v14  }
0x1b3: {  	v40 =	vmul.f32 v34, v8;
	v9 =	vadd.f32 v38, v9  }
0x1b4: {  	v41 =	vld [tilespmem:s5+$0x1B0];
	v12 =	vmul.f32 v35, v0;
	v13 =	vadd.f32 v15, v13  }
0x1b5: {  	v42 =	vmul.f32 v36, v6;
	v8 =	vadd.f32 v40, v9  }
0x1b6: {  	v43 =	vld [tilespmem:s5+$0x230];
	v44 =	vadd.f32 v12, v13  }
0x1b7: {  	v45 =	vmul.f32 v39, v5;
	v6 =	vadd.f32 v42, v8;
	v46 =	vpop (erf)  }
0x1b8: {  	v47 =	vld [tilespmem:s5+$0x2B0];
	v9 =	vadd.f32 v44, v44;
	v48 =	vpop (erf)  }
0x1b9: {  	v49 =	vmul.f32 v41, v4;
	v5 =	vadd.f32 v45, v6;
	v50 =	vadd.f32 $1.000000000e+00, v48  }
0x1ba: {  	v51 =	vld [tilespmem:s5+$0x330];
	v9 =	vmul.f32 $1.442695020e+00, v9  }
0x1bb: {  	v52 =	vmul.f32 v43, v3;
	v4 =	vadd.f32 v49, v5;
	(erf) = vrcp.f32 v50  }
0x1bc: {  	v53 =	vld [tilespmem:s5+$0x3B0];
	(erf) = vpow2.f32 v9  }
0x1bd: {  	v54 =	vmul.f32 v47, v2;
	v3 =	vadd.f32 v52, v4;
	_ =	sdelay $0x1  }
0x1be: {  	v55 =	vmul.f32 v51, v1;
	v2 =	vadd.f32 v54, v3;
	_ =	sdelay $0x1  }
0x1bf: {  	v56 =	vmul.f32 v53, v0;
	v1 =	vadd.f32 v55, v2;
	_ =	sdelay $0x1  }
0x1c0: {  	v0 =	vadd.f32 v56, v1  }
0x1c1: {  	v57 =	vpop (erf)  }
0x1c2: {  	v0 =	vadd.f32 v0, v0;
	v58 =	vpop (erf)  }
0x1c3: {  	v2 =	vadd.f32 $1.000000000e+00, v58  }
0x1c4: {  	v0 =	vmul.f32 $1.442695020e+00, v0  }
0x1c5: {  	(erf) = vrcp.f32 v2  }
0x1c6: {  	(erf) = vpow2.f32 v0;
	_ =	sdelay $0x7  }
0x1c7: {  	v59 =	vpop (erf)  }
0x1c8: {  	v60 =	vpop (erf)  }
0x1c9: {  	v2 =	vadd.f32 $1.000000000e+00, v60;
	_ =	sdelay $0x1  }
0x1ca: {  	(erf) = vrcp.f32 v2;
	_ =	sdelay $0x6  }
0x1cb: {  	v1 =	vadd.f32 v57, v57  }
0x1cc: {  	v0 =	vadd.f32 v59, v59  }
0x1cd: {  	p0 =	sgt.s32 s4, $0xFFFFFFFF;
	v61 =	vadd.f32 v46, v46;
	v1 =	vsub.f32 $1.000000000e+00, v1;
	v62 =	vpop (erf)  }
.Ltmp6:
0x1ce: {  	v0 =	vsub.f32 $1.000000000e+00, v0;
	v3 =	vadd.f32 v62, v62;
	(pc) =	sbr.rel @p0 .LBB2_16-.Ltmp6, $4  }
0x1cf: {  	[tilespmem:$0x6190] =	vst v1;
	v2 =	vsub.f32 $1.000000000e+00, v61  }
0x1d0: {  	[tilespmem:$0x61A0] =	vst v0;
	v63 =	vsub.f32 $1.000000000e+00, v3  }
0x1d1: {  	[tilespmem:$0x6180] =	vst v2  }
0x1d2: {  	[tilespmem:$0x61B0] =	vst v63  }
0x1d3: {  	s4 =	simm.s32 $0x0;
	s5 =	simm.s32 $0x4100;
	s30 =	simm.s32 $0x2  }
0x1d4: {  	[tilespmem:s5], [sflag:$0x2] =	stream.linear.gather [hbm4b:s2+s4], $0x2000, $0x38;
	[tilespmem:$0x6200] =	vst v63  }
0x1d5: {  	_ =	swait.ge [sflag:s30], $0x2000  }
0x1d6: {  	[sflag:s30] =	ssyncset.done $0x0  }
0x1d7: {  	s2 =	simm.s32 $0x4500;
	[sflag:s30] =	ssyncadd.s32 $0xFFFFE000  }
0x1d8: {  	v3 =	vld [tilespmem:s2+$0x380]  }
0x1d9: {  	v4 =	vld [tilespmem:s2+$0x390]  }
0x1da: {  	v6 =	vld [tilespmem:s2+$0x300]  }
0x1db: {  	v7 =	vld [tilespmem:s2+$0x310]  }
0x1dc: {  	v9 =	vld [tilespmem:s2+$0x280]  }
0x1dd: {  	v10 =	vld [tilespmem:s2+$0x290]  }
0x1de: {  	v12 =	vld [tilespmem:s2+$0x200]  }
0x1df: {  	v13 =	vld [tilespmem:s2+$0x210]  }
0x1e0: {  	s31 =	simm.s32 $0x0;
	v16 =	vld [tilespmem:s2+$0x180]  }
0x1e1: {  	v17 =	vld [tilespmem:s31+$0x6180]  }
0x1e2: {  	v19 =	vld [tilespmem:s2+$0x190]  }
0x1e3: {  	v20 =	vld [tilespmem:s2+$0x100]  }
0x1e4: {  	v22 =	vld [tilespmem:s2+$0x110]  }
0x1e5: {  	v23 =	vld [tilespmem:s2+$0x80]  }
0x1e6: {  	v25 =	vld [tilespmem:s2+$0x90]  }
0x1e7: {  	v26 =	vld [tilespmem:s2+$0x0];
	v1 =	vbroadcast v17, $0xE;
	v0 =	vbroadcast v17, $0xF  }
0x1e8: {  	v28 =	vld [tilespmem:s2+$0x10];
	v5 =	vbroadcast v17, $0xC;
	v2 =	vbroadcast v17, $0xD  }
0x1e9: {  	v29 =	vld [tilespmem:s2+$0xFFFFFF80];
	v11 =	vbroadcast v17, $0xA;
	v8 =	vbroadcast v17, $0xB  }
0x1ea: {  	v33 =	vld [tilespmem:s2+$0xFFFFFF90];
	v15 =	vbroadcast v17, $0x8;
	v14 =	vbroadcast v17, $0x9  }
0x1eb: {  	v38 =	vld [tilespmem:s2+$0xFFFFFF00];
	v21 =	vbroadcast v17, $0x6;
	v18 =	vbroadcast v17, $0x7  }
0x1ec: {  	v39 =	vld [tilespmem:s2+$0xFFFFFF10];
	v27 =	vbroadcast v17, $0x4;
	v24 =	vbroadcast v17, $0x5  }
0x1ed: {  	v40 =	vld [tilespmem:s2+$0xFFFFFE80];
	v31 =	vbroadcast v17, $0x2;
	v30 =	vbroadcast v17, $0x3  }
0x1ee: {  	v41 =	vld [tilespmem:s2+$0xFFFFFE90];
	v37 =	vbroadcast v17, $0x0;
	v36 =	vbroadcast v17, $0x1  }
0x1ef: {  	v42 =	vld [tilespmem:s2+$0xFFFFFE00];
	v3 =	vmul.f32 v3, v0;
	v4 =	vmul.f32 v4, v0  }
0x1f0: {  	v43 =	vld [tilespmem:s2+$0xFFFFFE10];
	v6 =	vmul.f32 v6, v1;
	v7 =	vmul.f32 v7, v1  }
0x1f1: {  	v44 =	vld [tilespmem:s2+$0xFFFFFD80];
	v9 =	vmul.f32 v9, v2;
	v10 =	vmul.f32 v10, v2  }
0x1f2: {  	v45 =	vld [tilespmem:s2+$0xFFFFFD90];
	v12 =	vmul.f32 v12, v5;
	v13 =	vmul.f32 v13, v5  }
0x1f3: {  	v46 =	vld [tilespmem:s2+$0xFFFFFD00];
	v16 =	vmul.f32 v16, v8;
	v17 =	vmul.f32 v19, v8  }
0x1f4: {  	v32 =	vimm.f32 $0.0e+00;
	v47 =	vld [tilespmem:s2+$0xFFFFFD10];
	v19 =	vmul.f32 v20, v11;
	v20 =	vmul.f32 v22, v11  }
0x1f5: {  	v35 =	vimm.f32 $0.0e+00;
	v48 =	vld [tilespmem:s2+$0xFFFFFC80];
	v22 =	vmul.f32 v23, v14;
	v23 =	vmul.f32 v25, v14  }
0x1f6: {  	v34 =	vimm.f32 $0.0e+00;
	v49 =	vld [tilespmem:s2+$0xFFFFFC90];
	v25 =	vmul.f32 v26, v15;
	v26 =	vmul.f32 v28, v15  }
0x1f7: {  	s4 =	simm.s32 $0x40;
	v50 =	vld [tilespmem:s2+$0xFFFFFC00];
	v28 =	vmul.f32 v29, v18;
	v29 =	vmul.f32 v33, v18;
	v33 =	vimm.f32 $0.0e+00  }
.LBB2_6:
0x1f8: {  	p0 =	seq.s32 s4, $0xC0;
	v51 =	vld [tilespmem:s2+$0xFFFFFC10];
	v38 =	vmul.f32 v38, v21;
	v39 =	vmul.f32 v39, v21  }
0x1f9: {  	v40 =	vmul.f32 v40, v24;
	v41 =	vmul.f32 v41, v24;
	v52 =	vld [tilespmem:s2+$0xFFFFFC20]  }
0x1fa: {  	v42 =	vmul.f32 v42, v27;
	v43 =	vmul.f32 v43, v27;
	v53 =	vld [tilespmem:s2+$0xFFFFFC30]  }
0x1fb: {  	v44 =	vmul.f32 v44, v30;
	v45 =	vmul.f32 v45, v30;
	v54 =	vld [tilespmem:s2+$0xFFFFFCA0]  }
0x1fc: {  	v46 =	vmul.f32 v46, v31;
	v47 =	vmul.f32 v47, v31;
	v55 =	vld [tilespmem:s2+$0xFFFFFCB0]  }
0x1fd: {  	v48 =	vmul.f32 v48, v36;
	v49 =	vmul.f32 v49, v36;
	v56 =	vld [tilespmem:s2+$0xFFFFFD20]  }
0x1fe: {  	v50 =	vmul.f32 v50, v37;
	v51 =	vmul.f32 v51, v37;
	v57 =	vld [tilespmem:s2+$0xFFFFFD30]  }
0x1ff: {  	v52 =	vmul.f32 v52, v37;
	v37 =	vmul.f32 v53, v37;
	v53 =	vld [tilespmem:s2+$0xFFFFFDA0]  }
0x200: {  	v32 =	vadd.f32 v50, v32;
	v35 =	vadd.f32 v51, v35;
	v50 =	vmul.f32 v54, v36;
	v51 =	vld [tilespmem:s2+$0xFFFFFDB0]  }
0x201: {  	v33 =	vadd.f32 v52, v33;
	v34 =	vadd.f32 v37, v34;
	v36 =	vmul.f32 v55, v36;
	v37 =	vld [tilespmem:s2+$0xFFFFFE20]  }
0x202: {  	v32 =	vadd.f32 v48, v32;
	v35 =	vadd.f32 v49, v35;
	v48 =	vmul.f32 v56, v31;
	v49 =	vld [tilespmem:s2+$0xFFFFFE30]  }
0x203: {  	v33 =	vadd.f32 v50, v33;
	v34 =	vadd.f32 v36, v34;
	v31 =	vmul.f32 v57, v31;
	v36 =	vld [tilespmem:s2+$0xFFFFFEA0]  }
0x204: {  	v32 =	vadd.f32 v46, v32;
	v35 =	vadd.f32 v47, v35;
	v46 =	vmul.f32 v53, v30;
	v47 =	vld [tilespmem:s2+$0xFFFFFEB0]  }
0x205: {  	v33 =	vadd.f32 v48, v33;
	v31 =	vadd.f32 v31, v34;
	v30 =	vmul.f32 v51, v30;
	v34 =	vld [tilespmem:s2+$0xFFFFFF20]  }
0x206: {  	v32 =	vadd.f32 v44, v32;
	v35 =	vadd.f32 v45, v35;
	v37 =	vmul.f32 v37, v27;
	v44 =	vld [tilespmem:s2+$0xFFFFFF30]  }
0x207: {  	v33 =	vadd.f32 v46, v33;
	v30 =	vadd.f32 v30, v31;
	v27 =	vmul.f32 v49, v27;
	v31 =	vld [tilespmem:s2+$0xFFFFFFA0]  }
0x208: {  	v32 =	vadd.f32 v42, v32;
	v35 =	vadd.f32 v43, v35;
	v36 =	vmul.f32 v36, v24;
	v42 =	vld [tilespmem:s2+$0xFFFFFFB0]  }
0x209: {  	v33 =	vadd.f32 v37, v33;
	v27 =	vadd.f32 v27, v30;
	v24 =	vmul.f32 v47, v24;
	v30 =	vld [tilespmem:s2+$0x20]  }
0x20a: {  	v32 =	vadd.f32 v40, v32;
	v35 =	vadd.f32 v41, v35;
	v34 =	vmul.f32 v34, v21;
	v37 =	vld [tilespmem:s2+$0x30]  }
0x20b: {  	v33 =	vadd.f32 v36, v33;
	v24 =	vadd.f32 v24, v27;
	v21 =	vmul.f32 v44, v21;
	v27 =	vld [tilespmem:s2+$0xA0]  }
0x20c: {  	v32 =	vadd.f32 v38, v32;
	v35 =	vadd.f32 v39, v35;
	v31 =	vmul.f32 v31, v18;
	v36 =	vld [tilespmem:s2+$0xB0]  }
0x20d: {  	v33 =	vadd.f32 v34, v33;
	v21 =	vadd.f32 v21, v24;
	v18 =	vmul.f32 v42, v18;
	v24 =	vld [tilespmem:s2+$0x120]  }
0x20e: {  	v28 =	vadd.f32 v28, v32;
	v29 =	vadd.f32 v29, v35;
	v30 =	vmul.f32 v30, v15;
	v32 =	vld [tilespmem:s2+$0x130]  }
0x20f: {  	v31 =	vadd.f32 v31, v33;
	v18 =	vadd.f32 v18, v21;
	v15 =	vmul.f32 v37, v15;
	v21 =	vld [tilespmem:s2+$0x1A0]  }
0x210: {  	v25 =	vadd.f32 v25, v28;
	v26 =	vadd.f32 v26, v29;
	v27 =	vmul.f32 v27, v14;
	v28 =	vld [tilespmem:s2+$0x1B0]  }
0x211: {  	v29 =	vadd.f32 v30, v31;
	v15 =	vadd.f32 v15, v18;
	v14 =	vmul.f32 v36, v14;
	v18 =	vld [tilespmem:s2+$0x220]  }
0x212: {  	v22 =	vadd.f32 v22, v25;
	v23 =	vadd.f32 v23, v26;
	v24 =	vmul.f32 v24, v11;
	v25 =	vld [tilespmem:s2+$0x230]  }
0x213: {  	v26 =	vadd.f32 v27, v29;
	v14 =	vadd.f32 v14, v15;
	v11 =	vmul.f32 v32, v11;
	v15 =	vld [tilespmem:s2+$0x2A0]  }
0x214: {  	v19 =	vadd.f32 v19, v22;
	v20 =	vadd.f32 v20, v23;
	v21 =	vmul.f32 v21, v8;
	v22 =	vld [tilespmem:s2+$0x2B0]  }
0x215: {  	v23 =	vadd.f32 v24, v26;
	v11 =	vadd.f32 v11, v14;
	v8 =	vmul.f32 v28, v8;
	v14 =	vld [tilespmem:s2+$0x320]  }
0x216: {  	v16 =	vadd.f32 v16, v19;
	v17 =	vadd.f32 v17, v20;
	v18 =	vmul.f32 v18, v5;
	v19 =	vld [tilespmem:s2+$0x330]  }
0x217: {  	v20 =	vadd.f32 v21, v23;
	v8 =	vadd.f32 v8, v11;
	v5 =	vmul.f32 v25, v5;
	v11 =	vld [tilespmem:s2+$0x3A0]  }
0x218: {  	v12 =	vadd.f32 v12, v16;
	v13 =	vadd.f32 v13, v17;
	v15 =	vmul.f32 v15, v2;
	v16 =	vld [tilespmem:s2+$0x3B0];
	s2 =	sadd.s32 $0x800, s2  }
0x219: {  	v18 =	vadd.f32 v18, v20;
	v17 =	vld [tilespmem:s2+$0x380];
	v5 =	vadd.f32 v5, v8;
	v2 =	vmul.f32 v22, v2  }
0x21a: {  	v8 =	vadd.f32 v9, v12;
	v9 =	vadd.f32 v10, v13;
	v20 =	vld [tilespmem:s2+$0x390];
	v10 =	vmul.f32 v14, v1  }
0x21b: {  	v13 =	vadd.f32 v15, v18;
	v12 =	vld [tilespmem:s2+$0x300];
	v2 =	vadd.f32 v2, v5;
	v1 =	vmul.f32 v19, v1  }
0x21c: {  	v5 =	vadd.f32 v6, v8;
	v6 =	vadd.f32 v7, v9;
	v19 =	vld [tilespmem:s2+$0x310];
	v7 =	vmul.f32 v11, v0  }
0x21d: {  	v8 =	vadd.f32 v10, v13;
	v9 =	vld [tilespmem:s2+$0x280];
	v1 =	vadd.f32 v1, v2;
	v0 =	vmul.f32 v16, v0  }
0x21e: {  	v32 =	vadd.f32 v3, v5;
	v35 =	vadd.f32 v4, v6;
	v10 =	vld [tilespmem:s2+$0x290]  }
0x21f: {  	v33 =	vadd.f32 v7, v8;
	v13 =	vld [tilespmem:s2+$0x200];
	v34 =	vadd.f32 v0, v1  }
0x220: {  	v16 =	vld [tilespmem:s2+$0x210]  }
0x221: {  	v22 =	vld [tilespmem:s2+$0x180]  }
0x222: {  	s5 =	sshra.s32 s4, $0x2;
	v23 =	vld [tilespmem:s2+$0x190]  }
0x223: {  	v3 =	vld [tilespmem:s5+$0x6180]  }
0x224: {  	v25 =	vld [tilespmem:s2+$0x100]  }
0x225: {  	v26 =	vld [tilespmem:s2+$0x110]  }
0x226: {  	v28 =	vld [tilespmem:s2+$0x80]  }
0x227: {  	v29 =	vld [tilespmem:s2+$0x90]  }
0x228: {  	v50 =	vld [tilespmem:s2+$0x0];
	v1 =	vbroadcast v3, $0xE;
	v0 =	vbroadcast v3, $0xF  }
0x229: {  	v5 =	vbroadcast v3, $0xC;
	v2 =	vbroadcast v3, $0xD;
	v51 =	vld [tilespmem:s2+$0x10]  }
0x22a: {  	v11 =	vbroadcast v3, $0xA;
	v8 =	vbroadcast v3, $0xB;
	v52 =	vld [tilespmem:s2+$0xFFFFFF80]  }
0x22b: {  	v15 =	vbroadcast v3, $0x8;
	v14 =	vbroadcast v3, $0x9;
	v53 =	vld [tilespmem:s2+$0xFFFFFF90]  }
0x22c: {  	v21 =	vbroadcast v3, $0x6;
	v18 =	vbroadcast v3, $0x7;
	v38 =	vld [tilespmem:s2+$0xFFFFFF00]  }
0x22d: {  	v27 =	vbroadcast v3, $0x4;
	v24 =	vbroadcast v3, $0x5;
	v39 =	vld [tilespmem:s2+$0xFFFFFF10]  }
0x22e: {  	v31 =	vbroadcast v3, $0x2;
	v30 =	vbroadcast v3, $0x3;
	v40 =	vld [tilespmem:s2+$0xFFFFFE80]  }
0x22f: {  	v37 =	vbroadcast v3, $0x0;
	v36 =	vbroadcast v3, $0x1;
	v41 =	vld [tilespmem:s2+$0xFFFFFE90]  }
0x230: {  	v3 =	vmul.f32 v17, v0;
	v4 =	vmul.f32 v20, v0;
	v42 =	vld [tilespmem:s2+$0xFFFFFE00]  }
0x231: {  	v6 =	vmul.f32 v12, v1;
	v7 =	vmul.f32 v19, v1;
	v43 =	vld [tilespmem:s2+$0xFFFFFE10]  }
0x232: {  	v9 =	vmul.f32 v9, v2;
	v10 =	vmul.f32 v10, v2;
	v44 =	vld [tilespmem:s2+$0xFFFFFD80]  }
0x233: {  	v12 =	vmul.f32 v13, v5;
	v13 =	vmul.f32 v16, v5;
	v45 =	vld [tilespmem:s2+$0xFFFFFD90]  }
.Ltmp7:
0x234: {  	v16 =	vmul.f32 v22, v8;
	v17 =	vmul.f32 v23, v8;
	v46 =	vld [tilespmem:s2+$0xFFFFFD00];
	(pc) =	sbr.rel @!p0 .LBB2_6-.Ltmp7, $4  }
0x235: {  	v19 =	vmul.f32 v25, v11;
	v20 =	vmul.f32 v26, v11;
	v47 =	vld [tilespmem:s2+$0xFFFFFD10]  }
0x236: {  	v22 =	vmul.f32 v28, v14;
	v23 =	vmul.f32 v29, v14;
	v48 =	vld [tilespmem:s2+$0xFFFFFC80]  }
0x237: {  	v25 =	vmul.f32 v50, v15;
	v26 =	vmul.f32 v51, v15;
	v49 =	vld [tilespmem:s2+$0xFFFFFC90]  }
0x238: {  	s4 =	sadd.s32 $0x40, s4;
	v28 =	vmul.f32 v52, v18;
	v29 =	vmul.f32 v53, v18;
	v50 =	vld [tilespmem:s2+$0xFFFFFC00]  }
0x239: {  	v51 =	vld [tilespmem:s2+$0xFFFFFC10];
	v38 =	vmul.f32 v38, v21;
	v39 =	vmul.f32 v39, v21  }
0x23a: {  	v52 =	vld [tilespmem:s2+$0xFFFFFC20];
	v40 =	vmul.f32 v40, v24;
	v41 =	vmul.f32 v41, v24  }
0x23b: {  	v53 =	vld [tilespmem:s2+$0xFFFFFC30];
	v42 =	vmul.f32 v42, v27;
	v43 =	vmul.f32 v43, v27  }
0x23c: {  	v54 =	vld [tilespmem:s2+$0xFFFFFCA0];
	v44 =	vmul.f32 v44, v30;
	v45 =	vmul.f32 v45, v30  }
0x23d: {  	v55 =	vld [tilespmem:s2+$0xFFFFFCB0];
	v46 =	vmul.f32 v46, v31;
	v47 =	vmul.f32 v47, v31  }
0x23e: {  	v56 =	vld [tilespmem:s2+$0xFFFFFD20];
	v48 =	vmul.f32 v48, v36;
	v49 =	vmul.f32 v49, v36  }
0x23f: {  	v57 =	vld [tilespmem:s2+$0xFFFFFD30];
	v50 =	vmul.f32 v50, v37;
	v51 =	vmul.f32 v51, v37  }
0x240: {  	v62 =	vld [tilespmem:s2+$0xFFFFFDA0];
	v52 =	vmul.f32 v52, v37;
	v61 =	vmul.f32 v53, v37  }
0x241: {  	v63 =	vmul.f32 v54, v36;
	v32 =	vadd.f32 v50, v32;
	v35 =	vadd.f32 v51, v35;
	v51 =	vld [tilespmem:s2+$0xFFFFFDB0]  }
0x242: {  	v59 =	vld [tilespmem:s2+$0xFFFFFE30];
	v54 =	vmul.f32 v55, v36;
	v33 =	vadd.f32 v52, v33;
	v34 =	vadd.f32 v61, v34  }
0x243: {  	v55 =	vld [tilespmem:s2+$0xFFFFFE20];
	v58 =	vmul.f32 v56, v31;
	v32 =	vadd.f32 v48, v32;
	v35 =	vadd.f32 v49, v35  }
0x244: {  	v60 =	vmul.f32 v57, v31;
	v61 =	vld [tilespmem:s2+$0xFFFFFEA0];
	v33 =	vadd.f32 v63, v33;
	v34 =	vadd.f32 v54, v34  }
0x245: {  	v62 =	vmul.f32 v62, v30;
	v63 =	vld [tilespmem:s2+$0xFFFFFEB0];
	v32 =	vadd.f32 v46, v32;
	v35 =	vadd.f32 v47, v35  }
0x246: {  	v50 =	vld [tilespmem:s2+$0xFFFFFF20];
	v33 =	vadd.f32 v58, v33;
	v31 =	vadd.f32 v60, v34;
	v48 =	vmul.f32 v51, v30  }
0x247: {  	v52 =	vmul.f32 v59, v27;
	v32 =	vadd.f32 v44, v32;
	v51 =	vld [tilespmem:s2+$0xFFFFFF30];
	v35 =	vadd.f32 v45, v35  }
0x248: {  	v53 =	vld [tilespmem:s2+$0xFFFFFFA0];
	v37 =	vmul.f32 v55, v27;
	v33 =	vadd.f32 v62, v33;
	v30 =	vadd.f32 v48, v31  }
0x249: {  	v54 =	vld [tilespmem:s2+$0xFFFFFFB0];
	v36 =	vmul.f32 v61, v24;
	v32 =	vadd.f32 v42, v32;
	v35 =	vadd.f32 v43, v35  }
0x24a: {  	v56 =	vld [tilespmem:s2+$0x20];
	v55 =	vmul.f32 v63, v24;
	v33 =	vadd.f32 v37, v33;
	v27 =	vadd.f32 v52, v30  }
0x24b: {  	v57 =	vld [tilespmem:s2+$0x30];
	v34 =	vmul.f32 v50, v21;
	v32 =	vadd.f32 v40, v32;
	v35 =	vadd.f32 v41, v35  }
0x24c: {  	v60 =	vld [tilespmem:s2+$0xB0];
	v33 =	vadd.f32 v36, v33;
	v58 =	vmul.f32 v51, v21;
	v24 =	vadd.f32 v55, v27  }
0x24d: {  	v59 =	vld [tilespmem:s2+$0xA0];
	v31 =	vmul.f32 v53, v18;
	v32 =	vadd.f32 v38, v32;
	v35 =	vadd.f32 v39, v35  }
0x24e: {  	v61 =	vmul.f32 v54, v18;
	v63 =	vld [tilespmem:s2+$0x130];
	v33 =	vadd.f32 v34, v33;
	v21 =	vadd.f32 v58, v24  }
0x24f: {  	v62 =	vld [tilespmem:s2+$0x120];
	v30 =	vmul.f32 v56, v15;
	v28 =	vadd.f32 v28, v32;
	v29 =	vadd.f32 v29, v35  }
0x250: {  	v37 =	vld [tilespmem:s2+$0x1A0];
	v31 =	vadd.f32 v31, v33;
	v35 =	vmul.f32 v57, v15;
	v18 =	vadd.f32 v61, v21  }
0x251: {  	v40 =	vmul.f32 v60, v14;
	v38 =	vld [tilespmem:s2+$0x1B0];
	v25 =	vadd.f32 v25, v28;
	v26 =	vadd.f32 v26, v29  }
0x252: {  	v41 =	vld [tilespmem:s2+$0x220];
	v27 =	vmul.f32 v59, v14;
	v39 =	vadd.f32 v30, v31;
	v15 =	vadd.f32 v35, v18  }
0x253: {  	v42 =	vld [tilespmem:s2+$0x230];
	v44 =	vmul.f32 v63, v11;
	v22 =	vadd.f32 v22, v25;
	v23 =	vadd.f32 v23, v26  }
0x254: {  	v45 =	vld [tilespmem:s2+$0x2A0];
	v24 =	vmul.f32 v62, v11;
	v43 =	vadd.f32 v27, v39;
	v14 =	vadd.f32 v40, v15  }
0x255: {  	v46 =	vld [tilespmem:s2+$0x2B0];
	v21 =	vmul.f32 v37, v8;
	v19 =	vadd.f32 v19, v22;
	v20 =	vadd.f32 v20, v23  }
0x256: {  	v49 =	vld [tilespmem:s2+$0x320];
	v48 =	vmul.f32 v38, v8;
	v47 =	vadd.f32 v24, v43;
	v11 =	vadd.f32 v44, v14  }
0x257: {  	v50 =	vld [tilespmem:s2+$0x330];
	v18 =	vmul.f32 v41, v5;
	v16 =	vadd.f32 v16, v19;
	v17 =	vadd.f32 v17, v20  }
0x258: {  	v53 =	vld [tilespmem:s2+$0x3B0];
	v5 =	vmul.f32 v42, v5;
	v51 =	vadd.f32 v21, v47;
	v8 =	vadd.f32 v48, v11  }
0x259: {  	v52 =	vld [tilespmem:s2+$0x3A0];
	v15 =	vmul.f32 v45, v2;
	v12 =	vadd.f32 v12, v16;
	v13 =	vadd.f32 v13, v17  }
0x25a: {  	v2 =	vmul.f32 v46, v2;
	v54 =	vadd.f32 v18, v51;
	v5 =	vadd.f32 v5, v8  }
0x25b: {  	v57 =	vmul.f32 v49, v1;
	v55 =	vadd.f32 v9, v12;
	v56 =	vadd.f32 v10, v13  }
.Ltmp8:
0x25c: {  	v1 =	vmul.f32 v50, v1;
	v58 =	vadd.f32 v15, v54;
	v2 =	vadd.f32 v2, v5;
	(pc) =	sbr.rel .LBB2_15-.Ltmp8, $4  }
0x25d: {  	v63 =	vmul.f32 v53, v0;
	v5 =	vadd.f32 v6, v55;
	v59 =	vadd.f32 v7, v56  }
0x25e: {  	v60 =	vmul.f32 v52, v0;
	v61 =	vadd.f32 v57, v58;
	v62 =	vadd.f32 v1, v2  }
0x25f: {  	v0 =	vadd.f32 v3, v5;
	v1 =	vadd.f32 v4, v59  }
0x260: {  	v2 =	vadd.f32 v60, v61;
	v3 =	vadd.f32 v63, v62  }
.LBB2_12:
0x261: {  	s3 =	simm.s32 $0x0;
	s5 =	simm.s32 $0x4100;
	s30 =	simm.s32 $0x2  }
0x262: {  	[tilespmem:s5], [sflag:$0x2] =	stream.linear.gather [hbm4b:s2+s3], $0x2000, $0x38;
	[tilespmem:$0x6200] =	vst v63  }
0x263: {  	_ =	swait.ge [sflag:s30], $0x2000  }
0x264: {  	[sflag:s30] =	ssyncset.done $0x0  }
0x265: {  	s2 =	simm.s32 $0x4500;
	[sflag:s30] =	ssyncadd.s32 $0xFFFFE000  }
0x266: {  	v3 =	vld [tilespmem:s2+$0x380]  }
0x267: {  	v4 =	vld [tilespmem:s2+$0x390]  }
0x268: {  	v6 =	vld [tilespmem:s2+$0x300]  }
0x269: {  	v7 =	vld [tilespmem:s2+$0x310]  }
0x26a: {  	v9 =	vld [tilespmem:s2+$0x280]  }
0x26b: {  	v10 =	vld [tilespmem:s2+$0x290]  }
0x26c: {  	v12 =	vld [tilespmem:s2+$0x200]  }
0x26d: {  	v13 =	vld [tilespmem:s2+$0x210]  }
0x26e: {  	s31 =	simm.s32 $0x0;
	v16 =	vld [tilespmem:s2+$0x180]  }
0x26f: {  	v17 =	vld [tilespmem:s31+$0x6180]  }
0x270: {  	v19 =	vld [tilespmem:s2+$0x190]  }
0x271: {  	v20 =	vld [tilespmem:s2+$0x100]  }
0x272: {  	v22 =	vld [tilespmem:s2+$0x110]  }
0x273: {  	v23 =	vld [tilespmem:s2+$0x80]  }
0x274: {  	v25 =	vld [tilespmem:s2+$0x90]  }
0x275: {  	v26 =	vld [tilespmem:s2+$0x0];
	v1 =	vbroadcast v17, $0xE;
	v0 =	vbroadcast v17, $0xF  }
0x276: {  	v28 =	vld [tilespmem:s2+$0x10];
	v5 =	vbroadcast v17, $0xC;
	v2 =	vbroadcast v17, $0xD  }
0x277: {  	v29 =	vld [tilespmem:s2+$0xFFFFFF80];
	v11 =	vbroadcast v17, $0xA;
	v8 =	vbroadcast v17, $0xB  }
0x278: {  	v33 =	vld [tilespmem:s2+$0xFFFFFF90];
	v15 =	vbroadcast v17, $0x8;
	v14 =	vbroadcast v17, $0x9  }
0x279: {  	v38 =	vld [tilespmem:s2+$0xFFFFFF00];
	v21 =	vbroadcast v17, $0x6;
	v18 =	vbroadcast v17, $0x7  }
0x27a: {  	v39 =	vld [tilespmem:s2+$0xFFFFFF10];
	v27 =	vbroadcast v17, $0x4;
	v24 =	vbroadcast v17, $0x5  }
0x27b: {  	v40 =	vld [tilespmem:s2+$0xFFFFFE80];
	v31 =	vbroadcast v17, $0x2;
	v30 =	vbroadcast v17, $0x3  }
0x27c: {  	v41 =	vld [tilespmem:s2+$0xFFFFFE90];
	v37 =	vbroadcast v17, $0x0;
	v36 =	vbroadcast v17, $0x1  }
0x27d: {  	v42 =	vld [tilespmem:s2+$0xFFFFFE00];
	v3 =	vmul.f32 v3, v0;
	v4 =	vmul.f32 v4, v0  }
0x27e: {  	v43 =	vld [tilespmem:s2+$0xFFFFFE10];
	v6 =	vmul.f32 v6, v1;
	v7 =	vmul.f32 v7, v1  }
0x27f: {  	v44 =	vld [tilespmem:s2+$0xFFFFFD80];
	v9 =	vmul.f32 v9, v2;
	v10 =	vmul.f32 v10, v2  }
0x280: {  	v45 =	vld [tilespmem:s2+$0xFFFFFD90];
	v12 =	vmul.f32 v12, v5;
	v13 =	vmul.f32 v13, v5  }
0x281: {  	v46 =	vld [tilespmem:s2+$0xFFFFFD00];
	v16 =	vmul.f32 v16, v8;
	v17 =	vmul.f32 v19, v8  }
0x282: {  	v32 =	vimm.f32 $0.0e+00;
	v47 =	vld [tilespmem:s2+$0xFFFFFD10];
	v19 =	vmul.f32 v20, v11;
	v20 =	vmul.f32 v22, v11  }
0x283: {  	v35 =	vimm.f32 $0.0e+00;
	v48 =	vld [tilespmem:s2+$0xFFFFFC80];
	v22 =	vmul.f32 v23, v14;
	v23 =	vmul.f32 v25, v14  }
0x284: {  	v34 =	vimm.f32 $0.0e+00;
	v49 =	vld [tilespmem:s2+$0xFFFFFC90];
	v25 =	vmul.f32 v26, v15;
	v26 =	vmul.f32 v28, v15  }
0x285: {  	s3 =	simm.s32 $0x40;
	v50 =	vld [tilespmem:s2+$0xFFFFFC00];
	v28 =	vmul.f32 v29, v18;
	v29 =	vmul.f32 v33, v18;
	v33 =	vimm.f32 $0.0e+00  }
.LBB2_13:
0x286: {  	p0 =	sne.s32 s3, $0xC0;
	v51 =	vld [tilespmem:s2+$0xFFFFFC10];
	v38 =	vmul.f32 v38, v21;
	v39 =	vmul.f32 v39, v21  }
0x287: {  	v40 =	vmul.f32 v40, v24;
	v41 =	vmul.f32 v41, v24;
	v52 =	vld [tilespmem:s2+$0xFFFFFC20]  }
0x288: {  	v42 =	vmul.f32 v42, v27;
	v43 =	vmul.f32 v43, v27;
	v53 =	vld [tilespmem:s2+$0xFFFFFC30]  }
0x289: {  	v44 =	vmul.f32 v44, v30;
	v45 =	vmul.f32 v45, v30;
	v54 =	vld [tilespmem:s2+$0xFFFFFCA0]  }
0x28a: {  	v46 =	vmul.f32 v46, v31;
	v47 =	vmul.f32 v47, v31;
	v55 =	vld [tilespmem:s2+$0xFFFFFCB0]  }
0x28b: {  	v48 =	vmul.f32 v48, v36;
	v49 =	vmul.f32 v49, v36;
	v56 =	vld [tilespmem:s2+$0xFFFFFD20]  }
0x28c: {  	v50 =	vmul.f32 v50, v37;
	v51 =	vmul.f32 v51, v37;
	v57 =	vld [tilespmem:s2+$0xFFFFFD30]  }
0x28d: {  	v52 =	vmul.f32 v52, v37;
	v37 =	vmul.f32 v53, v37;
	v53 =	vld [tilespmem:s2+$0xFFFFFDA0]  }
0x28e: {  	v32 =	vadd.f32 v50, v32;
	v35 =	vadd.f32 v51, v35;
	v50 =	vmul.f32 v54, v36;
	v51 =	vld [tilespmem:s2+$0xFFFFFDB0]  }
0x28f: {  	v33 =	vadd.f32 v52, v33;
	v34 =	vadd.f32 v37, v34;
	v36 =	vmul.f32 v55, v36;
	v37 =	vld [tilespmem:s2+$0xFFFFFE20]  }
0x290: {  	v32 =	vadd.f32 v48, v32;
	v35 =	vadd.f32 v49, v35;
	v48 =	vmul.f32 v56, v31;
	v49 =	vld [tilespmem:s2+$0xFFFFFE30]  }
0x291: {  	v33 =	vadd.f32 v50, v33;
	v34 =	vadd.f32 v36, v34;
	v31 =	vmul.f32 v57, v31;
	v36 =	vld [tilespmem:s2+$0xFFFFFEA0]  }
0x292: {  	v32 =	vadd.f32 v46, v32;
	v35 =	vadd.f32 v47, v35;
	v46 =	vmul.f32 v53, v30;
	v47 =	vld [tilespmem:s2+$0xFFFFFEB0]  }
0x293: {  	v33 =	vadd.f32 v48, v33;
	v31 =	vadd.f32 v31, v34;
	v30 =	vmul.f32 v51, v30;
	v34 =	vld [tilespmem:s2+$0xFFFFFF20]  }
0x294: {  	v32 =	vadd.f32 v44, v32;
	v35 =	vadd.f32 v45, v35;
	v37 =	vmul.f32 v37, v27;
	v44 =	vld [tilespmem:s2+$0xFFFFFF30]  }
0x295: {  	v33 =	vadd.f32 v46, v33;
	v30 =	vadd.f32 v30, v31;
	v27 =	vmul.f32 v49, v27;
	v31 =	vld [tilespmem:s2+$0xFFFFFFA0]  }
0x296: {  	v32 =	vadd.f32 v42, v32;
	v35 =	vadd.f32 v43, v35;
	v36 =	vmul.f32 v36, v24;
	v42 =	vld [tilespmem:s2+$0xFFFFFFB0]  }
0x297: {  	v33 =	vadd.f32 v37, v33;
	v27 =	vadd.f32 v27, v30;
	v24 =	vmul.f32 v47, v24;
	v30 =	vld [tilespmem:s2+$0x20]  }
0x298: {  	v32 =	vadd.f32 v40, v32;
	v35 =	vadd.f32 v41, v35;
	v34 =	vmul.f32 v34, v21;
	v37 =	vld [tilespmem:s2+$0x30]  }
0x299: {  	v33 =	vadd.f32 v36, v33;
	v24 =	vadd.f32 v24, v27;
	v21 =	vmul.f32 v44, v21;
	v27 =	vld [tilespmem:s2+$0xA0]  }
0x29a: {  	v32 =	vadd.f32 v38, v32;
	v35 =	vadd.f32 v39, v35;
	v31 =	vmul.f32 v31, v18;
	v36 =	vld [tilespmem:s2+$0xB0]  }
0x29b: {  	v33 =	vadd.f32 v34, v33;
	v21 =	vadd.f32 v21, v24;
	v18 =	vmul.f32 v42, v18;
	v24 =	vld [tilespmem:s2+$0x120]  }
0x29c: {  	v28 =	vadd.f32 v28, v32;
	v29 =	vadd.f32 v29, v35;
	v30 =	vmul.f32 v30, v15;
	v32 =	vld [tilespmem:s2+$0x130]  }
0x29d: {  	v31 =	vadd.f32 v31, v33;
	v18 =	vadd.f32 v18, v21;
	v15 =	vmul.f32 v37, v15;
	v21 =	vld [tilespmem:s2+$0x1A0]  }
0x29e: {  	v25 =	vadd.f32 v25, v28;
	v26 =	vadd.f32 v26, v29;
	v27 =	vmul.f32 v27, v14;
	v28 =	vld [tilespmem:s2+$0x1B0]  }
0x29f: {  	v29 =	vadd.f32 v30, v31;
	v15 =	vadd.f32 v15, v18;
	v14 =	vmul.f32 v36, v14;
	v18 =	vld [tilespmem:s2+$0x220]  }
0x2a0: {  	v22 =	vadd.f32 v22, v25;
	v23 =	vadd.f32 v23, v26;
	v24 =	vmul.f32 v24, v11;
	v25 =	vld [tilespmem:s2+$0x230]  }
0x2a1: {  	v26 =	vadd.f32 v27, v29;
	v14 =	vadd.f32 v14, v15;
	v11 =	vmul.f32 v32, v11;
	v15 =	vld [tilespmem:s2+$0x2A0]  }
0x2a2: {  	v19 =	vadd.f32 v19, v22;
	v20 =	vadd.f32 v20, v23;
	v21 =	vmul.f32 v21, v8;
	v22 =	vld [tilespmem:s2+$0x2B0]  }
0x2a3: {  	v23 =	vadd.f32 v24, v26;
	v11 =	vadd.f32 v11, v14;
	v8 =	vmul.f32 v28, v8;
	v14 =	vld [tilespmem:s2+$0x320]  }
0x2a4: {  	v16 =	vadd.f32 v16, v19;
	v17 =	vadd.f32 v17, v20;
	v18 =	vmul.f32 v18, v5;
	v19 =	vld [tilespmem:s2+$0x330]  }
0x2a5: {  	v20 =	vadd.f32 v21, v23;
	v8 =	vadd.f32 v8, v11;
	v5 =	vmul.f32 v25, v5;
	v11 =	vld [tilespmem:s2+$0x3A0]  }
0x2a6: {  	v12 =	vadd.f32 v12, v16;
	v13 =	vadd.f32 v13, v17;
	v15 =	vmul.f32 v15, v2;
	v16 =	vld [tilespmem:s2+$0x3B0];
	s2 =	sadd.s32 $0x800, s2  }
0x2a7: {  	v18 =	vadd.f32 v18, v20;
	v17 =	vld [tilespmem:s2+$0x380];
	v5 =	vadd.f32 v5, v8;
	v2 =	vmul.f32 v22, v2  }
0x2a8: {  	v8 =	vadd.f32 v9, v12;
	v9 =	vadd.f32 v10, v13;
	v20 =	vld [tilespmem:s2+$0x390];
	v10 =	vmul.f32 v14, v1  }
0x2a9: {  	v13 =	vadd.f32 v15, v18;
	v12 =	vld [tilespmem:s2+$0x300];
	v2 =	vadd.f32 v2, v5;
	v1 =	vmul.f32 v19, v1  }
0x2aa: {  	v5 =	vadd.f32 v6, v8;
	v6 =	vadd.f32 v7, v9;
	v19 =	vld [tilespmem:s2+$0x310];
	v7 =	vmul.f32 v11, v0  }
0x2ab: {  	v8 =	vadd.f32 v10, v13;
	v9 =	vld [tilespmem:s2+$0x280];
	v1 =	vadd.f32 v1, v2;
	v0 =	vmul.f32 v16, v0  }
0x2ac: {  	v32 =	vadd.f32 v3, v5;
	v35 =	vadd.f32 v4, v6;
	v10 =	vld [tilespmem:s2+$0x290]  }
0x2ad: {  	v33 =	vadd.f32 v7, v8;
	v13 =	vld [tilespmem:s2+$0x200];
	v34 =	vadd.f32 v0, v1  }
0x2ae: {  	v16 =	vld [tilespmem:s2+$0x210]  }
0x2af: {  	v22 =	vld [tilespmem:s2+$0x180]  }
0x2b0: {  	s5 =	sshra.s32 s3, $0x2;
	v23 =	vld [tilespmem:s2+$0x190]  }
0x2b1: {  	v3 =	vld [tilespmem:s5+$0x6180]  }
0x2b2: {  	v25 =	vld [tilespmem:s2+$0x100]  }
0x2b3: {  	v26 =	vld [tilespmem:s2+$0x110]  }
0x2b4: {  	v28 =	vld [tilespmem:s2+$0x80]  }
0x2b5: {  	v29 =	vld [tilespmem:s2+$0x90]  }
0x2b6: {  	v50 =	vld [tilespmem:s2+$0x0];
	v1 =	vbroadcast v3, $0xE;
	v0 =	vbroadcast v3, $0xF  }
0x2b7: {  	v5 =	vbroadcast v3, $0xC;
	v2 =	vbroadcast v3, $0xD;
	v51 =	vld [tilespmem:s2+$0x10]  }
0x2b8: {  	v11 =	vbroadcast v3, $0xA;
	v8 =	vbroadcast v3, $0xB;
	v52 =	vld [tilespmem:s2+$0xFFFFFF80]  }
0x2b9: {  	v15 =	vbroadcast v3, $0x8;
	v14 =	vbroadcast v3, $0x9;
	v53 =	vld [tilespmem:s2+$0xFFFFFF90]  }
0x2ba: {  	v21 =	vbroadcast v3, $0x6;
	v18 =	vbroadcast v3, $0x7;
	v38 =	vld [tilespmem:s2+$0xFFFFFF00]  }
0x2bb: {  	v27 =	vbroadcast v3, $0x4;
	v24 =	vbroadcast v3, $0x5;
	v39 =	vld [tilespmem:s2+$0xFFFFFF10]  }
0x2bc: {  	v31 =	vbroadcast v3, $0x2;
	v30 =	vbroadcast v3, $0x3;
	v40 =	vld [tilespmem:s2+$0xFFFFFE80]  }
0x2bd: {  	v37 =	vbroadcast v3, $0x0;
	v36 =	vbroadcast v3, $0x1;
	v41 =	vld [tilespmem:s2+$0xFFFFFE90]  }
0x2be: {  	v3 =	vmul.f32 v17, v0;
	v4 =	vmul.f32 v20, v0;
	v42 =	vld [tilespmem:s2+$0xFFFFFE00]  }
0x2bf: {  	v6 =	vmul.f32 v12, v1;
	v7 =	vmul.f32 v19, v1;
	v43 =	vld [tilespmem:s2+$0xFFFFFE10]  }
0x2c0: {  	v9 =	vmul.f32 v9, v2;
	v10 =	vmul.f32 v10, v2;
	v44 =	vld [tilespmem:s2+$0xFFFFFD80]  }
0x2c1: {  	v12 =	vmul.f32 v13, v5;
	v13 =	vmul.f32 v16, v5;
	v45 =	vld [tilespmem:s2+$0xFFFFFD90]  }
.Ltmp9:
0x2c2: {  	v16 =	vmul.f32 v22, v8;
	v17 =	vmul.f32 v23, v8;
	v46 =	vld [tilespmem:s2+$0xFFFFFD00];
	(pc) =	sbr.rel @p0 .LBB2_13-.Ltmp9, $4  }
0x2c3: {  	v19 =	vmul.f32 v25, v11;
	v20 =	vmul.f32 v26, v11;
	v47 =	vld [tilespmem:s2+$0xFFFFFD10]  }
0x2c4: {  	v22 =	vmul.f32 v28, v14;
	v23 =	vmul.f32 v29, v14;
	v48 =	vld [tilespmem:s2+$0xFFFFFC80]  }
0x2c5: {  	v25 =	vmul.f32 v50, v15;
	v26 =	vmul.f32 v51, v15;
	v49 =	vld [tilespmem:s2+$0xFFFFFC90]  }
0x2c6: {  	s3 =	sadd.s32 $0x40, s3;
	v28 =	vmul.f32 v52, v18;
	v29 =	vmul.f32 v53, v18;
	v50 =	vld [tilespmem:s2+$0xFFFFFC00]  }
0x2c7: {  	v51 =	vld [tilespmem:s2+$0xFFFFFC10];
	v38 =	vmul.f32 v38, v21;
	v39 =	vmul.f32 v39, v21  }
0x2c8: {  	v52 =	vld [tilespmem:s2+$0xFFFFFC20];
	v40 =	vmul.f32 v40, v24;
	v41 =	vmul.f32 v41, v24  }
0x2c9: {  	v53 =	vld [tilespmem:s2+$0xFFFFFC30];
	v42 =	vmul.f32 v42, v27;
	v43 =	vmul.f32 v43, v27  }
0x2ca: {  	v54 =	vld [tilespmem:s2+$0xFFFFFCA0];
	v44 =	vmul.f32 v44, v30;
	v45 =	vmul.f32 v45, v30  }
0x2cb: {  	v55 =	vld [tilespmem:s2+$0xFFFFFCB0];
	v46 =	vmul.f32 v46, v31;
	v47 =	vmul.f32 v47, v31  }
0x2cc: {  	v56 =	vld [tilespmem:s2+$0xFFFFFD20];
	v48 =	vmul.f32 v48, v36;
	v49 =	vmul.f32 v49, v36  }
0x2cd: {  	v57 =	vld [tilespmem:s2+$0xFFFFFD30];
	v50 =	vmul.f32 v50, v37;
	v51 =	vmul.f32 v51, v37  }
0x2ce: {  	v62 =	vld [tilespmem:s2+$0xFFFFFDA0];
	v52 =	vmul.f32 v52, v37;
	v61 =	vmul.f32 v53, v37  }
0x2cf: {  	v63 =	vmul.f32 v54, v36;
	v32 =	vadd.f32 v50, v32;
	v35 =	vadd.f32 v51, v35;
	v51 =	vld [tilespmem:s2+$0xFFFFFDB0]  }
0x2d0: {  	v59 =	vld [tilespmem:s2+$0xFFFFFE30];
	v54 =	vmul.f32 v55, v36;
	v33 =	vadd.f32 v52, v33;
	v34 =	vadd.f32 v61, v34  }
0x2d1: {  	v55 =	vld [tilespmem:s2+$0xFFFFFE20];
	v58 =	vmul.f32 v56, v31;
	v32 =	vadd.f32 v48, v32;
	v35 =	vadd.f32 v49, v35  }
0x2d2: {  	v60 =	vmul.f32 v57, v31;
	v61 =	vld [tilespmem:s2+$0xFFFFFEA0];
	v33 =	vadd.f32 v63, v33;
	v34 =	vadd.f32 v54, v34  }
0x2d3: {  	v62 =	vmul.f32 v62, v30;
	v63 =	vld [tilespmem:s2+$0xFFFFFEB0];
	v32 =	vadd.f32 v46, v32;
	v35 =	vadd.f32 v47, v35  }
0x2d4: {  	v50 =	vld [tilespmem:s2+$0xFFFFFF20];
	v33 =	vadd.f32 v58, v33;
	v31 =	vadd.f32 v60, v34;
	v48 =	vmul.f32 v51, v30  }
0x2d5: {  	v52 =	vmul.f32 v59, v27;
	v32 =	vadd.f32 v44, v32;
	v51 =	vld [tilespmem:s2+$0xFFFFFF30];
	v35 =	vadd.f32 v45, v35  }
0x2d6: {  	v53 =	vld [tilespmem:s2+$0xFFFFFFA0];
	v37 =	vmul.f32 v55, v27;
	v33 =	vadd.f32 v62, v33;
	v30 =	vadd.f32 v48, v31  }
0x2d7: {  	v54 =	vld [tilespmem:s2+$0xFFFFFFB0];
	v36 =	vmul.f32 v61, v24;
	v32 =	vadd.f32 v42, v32;
	v35 =	vadd.f32 v43, v35  }
0x2d8: {  	v56 =	vld [tilespmem:s2+$0x20];
	v55 =	vmul.f32 v63, v24;
	v33 =	vadd.f32 v37, v33;
	v27 =	vadd.f32 v52, v30  }
0x2d9: {  	v57 =	vld [tilespmem:s2+$0x30];
	v34 =	vmul.f32 v50, v21;
	v32 =	vadd.f32 v40, v32;
	v35 =	vadd.f32 v41, v35  }
0x2da: {  	v60 =	vld [tilespmem:s2+$0xB0];
	v33 =	vadd.f32 v36, v33;
	v58 =	vmul.f32 v51, v21;
	v24 =	vadd.f32 v55, v27  }
0x2db: {  	v59 =	vld [tilespmem:s2+$0xA0];
	v31 =	vmul.f32 v53, v18;
	v32 =	vadd.f32 v38, v32;
	v35 =	vadd.f32 v39, v35  }
0x2dc: {  	v61 =	vmul.f32 v54, v18;
	v63 =	vld [tilespmem:s2+$0x130];
	v33 =	vadd.f32 v34, v33;
	v21 =	vadd.f32 v58, v24  }
0x2dd: {  	v62 =	vld [tilespmem:s2+$0x120];
	v30 =	vmul.f32 v56, v15;
	v28 =	vadd.f32 v28, v32;
	v29 =	vadd.f32 v29, v35  }
0x2de: {  	v37 =	vld [tilespmem:s2+$0x1A0];
	v31 =	vadd.f32 v31, v33;
	v35 =	vmul.f32 v57, v15;
	v18 =	vadd.f32 v61, v21  }
0x2df: {  	v40 =	vmul.f32 v60, v14;
	v38 =	vld [tilespmem:s2+$0x1B0];
	v25 =	vadd.f32 v25, v28;
	v26 =	vadd.f32 v26, v29  }
0x2e0: {  	v41 =	vld [tilespmem:s2+$0x220];
	v27 =	vmul.f32 v59, v14;
	v39 =	vadd.f32 v30, v31;
	v15 =	vadd.f32 v35, v18  }
0x2e1: {  	v42 =	vld [tilespmem:s2+$0x230];
	v44 =	vmul.f32 v63, v11;
	v22 =	vadd.f32 v22, v25;
	v23 =	vadd.f32 v23, v26  }
0x2e2: {  	v45 =	vld [tilespmem:s2+$0x2A0];
	v24 =	vmul.f32 v62, v11;
	v43 =	vadd.f32 v27, v39;
	v14 =	vadd.f32 v40, v15  }
0x2e3: {  	v46 =	vld [tilespmem:s2+$0x2B0];
	v21 =	vmul.f32 v37, v8;
	v19 =	vadd.f32 v19, v22;
	v20 =	vadd.f32 v20, v23  }
0x2e4: {  	v49 =	vld [tilespmem:s2+$0x320];
	v48 =	vmul.f32 v38, v8;
	v47 =	vadd.f32 v24, v43;
	v11 =	vadd.f32 v44, v14  }
0x2e5: {  	v50 =	vld [tilespmem:s2+$0x330];
	v18 =	vmul.f32 v41, v5;
	v16 =	vadd.f32 v16, v19;
	v17 =	vadd.f32 v17, v20  }
0x2e6: {  	v53 =	vld [tilespmem:s2+$0x3B0];
	v5 =	vmul.f32 v42, v5;
	v51 =	vadd.f32 v21, v47;
	v8 =	vadd.f32 v48, v11  }
0x2e7: {  	v52 =	vld [tilespmem:s2+$0x3A0];
	v15 =	vmul.f32 v45, v2;
	v12 =	vadd.f32 v12, v16;
	v13 =	vadd.f32 v13, v17  }
0x2e8: {  	v2 =	vmul.f32 v46, v2;
	v54 =	vadd.f32 v18, v51;
	v5 =	vadd.f32 v5, v8  }
0x2e9: {  	v57 =	vmul.f32 v49, v1;
	v55 =	vadd.f32 v9, v12;
	v56 =	vadd.f32 v10, v13  }
0x2ea: {  	v1 =	vmul.f32 v50, v1;
	v58 =	vadd.f32 v15, v54;
	v2 =	vadd.f32 v2, v5  }
0x2eb: {  	v63 =	vmul.f32 v53, v0;
	v5 =	vadd.f32 v6, v55;
	v59 =	vadd.f32 v7, v56  }
0x2ec: {  	v60 =	vmul.f32 v52, v0;
	v61 =	vadd.f32 v57, v58;
	v62 =	vadd.f32 v1, v2  }
0x2ed: {  	v0 =	vadd.f32 v3, v5;
	v1 =	vadd.f32 v4, v59  }
0x2ee: {  	s3 =	smov.u32 s4;
	v2 =	vadd.f32 v60, v61;
	v3 =	vadd.f32 v63, v62  }
.LBB2_15:
0x2ef: {  	[tilespmem:$0x6180] =	vst v0  }
0x2f0: {  	[tilespmem:$0x6190] =	vst v1  }
0x2f1: {  	[tilespmem:$0x61A0] =	vst v2  }
0x2f2: {  	[tilespmem:$0x61B0] =	vst v3  }
.LBB2_16:
0x2f3: {  	s2 =	simm.s32 $0x0;
	s4 =	simm.s32 $0x6180;
	s31 =	simm.s32 $0x2  }
0x2f4: {  	[hbm4b:s3+s2] =	stream.linear.scatter [tilespmem:s4], [sflag:$0x2], $0x80, $0x38;
	[tilespmem:$0x6200] =	vst v63  }
0x2f5: {  	_ =	swait.ge [sflag:s31], $0x80  }
0x2f6: {  	[sflag:s31] =	ssyncset.done $0x0  }
0x2f7: {  	[sflag:s31] =	ssyncadd.s32 $0xFFFFFF80  }
.LBB2_17:
0x2f8: {  	_ =	sfence.sel $0x180000  }
0x2f9: {  	[bflag:$0x0] =	sbarrier.arrive $0xFFFF  }
0x2fa: {  	p0 =	sne.s32 s1, $0x0;
	_ =	strace $0x90000047  }
0x2fb: {  	s0 =	sadd.s32 @!p0 $0x100000, s0;
	[bflag:$0x2] =	sbarrier.arrive $0xFFFF  }
0x2fc: {  	[sflag:s0] =	ssyncadd.tile.s32 @!p0 $0x1;
	_ =	shalt  }
.Lfunc_end2:
_tile_overlayer_lowered:
.L_overlay_start_2:
0x2fd: {  	(tag) =	ssettag $0x2  }
0x2fe: {  	s0 =	rddreg [dreg:$0x0];
	s2 =	stileid.u32  }
0x2ff: {  	s1 =	rddreg [dreg:$0x1];
	p0 =	sne.s32 s2, $0x0  }
0x300: {  	s3 =	rddreg [dreg:$0x2];
	[bflag:$0x3] =	sbarrier.arrive $0xFFFF;
	s2 =	simm.s32 @!p0 $0x1C02  }
0x301: {  	[timem:s3], [sflag:s2] =	dma.local @!p0 [hbm:s0], s1  }
0x302: {  	s0 =	simm.s32 @!p0 $0x2  }
0x303: {  	_ =	swait.ge @!p0 [sflag:s0], s1  }
0x304: {  	s1 =	ssub.s32 @!p0 $0x0, s1;
	[sflag:s0] =	ssyncset.done @!p0 $0x0  }
0x305: {  	[sflag:s0] =	ssyncadd.s32 @!p0 s1  }
0x306: {  	[bflag:$0x3] =	sbarrier.arrive $0xFFFF  }
0x307: {  	_ =	shalt  }

</sc_bundles>
